<compile_context>
chip_gen: v7x
topology: tpu7x:2x2x1
jax: 0.10.2.dev20260603
libtpu: 0.0.44.dev20260713+nightly
codegen_flags: <defaults>
</compile_context>

<pallas_src>
import functools

import jax
import jax.numpy as jnp
from jax import lax
from jax.experimental import pallas as pl
from jax.experimental.pallas import tpu as pltpu
from jax.experimental.pallas import tpu_sc as plsc

_N = 10000
_E = 320000
_DF = 128
_DE = 16
_H = 256
_HH = 128
_B = 256
_TASKS = 12
_DEPTH = 3

_EPAD = 327680
_IDX_ROWS = _EPAD // 128
_ACC = 10240
_NSUB = 16
_ROWS_T = _IDX_ROWS // _NSUB
_ACC_T = _ACC // _NSUB
_SLAB = 32

_ECH = _E // 128
_ECH_T = 156



@functools.cache
def _sc_fns():
    mesh = plsc.VectorSubcoreMesh(core_axis_name="c", subcore_axis_name="s")

    @functools.partial(
        pl.kernel,
        out_type=jax.ShapeDtypeStruct((2, _ACC, _HH), jnp.float32),
        mesh=mesh,
        scratch_types=[
            pltpu.VMEM((_SLAB, 128), jnp.int32),
            pltpu.VMEM((_SLAB, 128), jnp.int32),
            pltpu.VMEM((128, _HH), jnp.float32),
            pltpu.VMEM((128, _HH), jnp.float32),
            pltpu.VMEM_SHARED((_ACC, _HH), jnp.float32),
            pltpu.SemaphoreType.DMA,
            pltpu.SemaphoreType.DMA,
        ],
    )
    def _sc_scatter(table, src2, dst2, init, out,
                    src_v, dst_v, rows_a, rows_b, acc, sem_a, sem_b):
        c = lax.axis_index("c")
        s = lax.axis_index("s")
        pltpu.sync_copy(init.at[c, pl.ds(s * _ACC_T, _ACC_T)],
                        acc.at[pl.ds(s * _ACC_T, _ACC_T)])
        plsc.subcore_barrier()

        def gather(j, buf, sem):
            pltpu.async_copy(table.at[src_v.at[j]], buf, sem)

        def drain_scatter(j, buf, sem):
            pltpu.make_async_copy(table.at[src_v.at[j]], buf, sem).wait()
            pltpu.sync_copy(buf, acc.at[dst_v.at[j]], add=True)

        def outer(t, carry):
            base = s * _ROWS_T + t * _SLAB
            pltpu.sync_copy(src2.at[c, pl.ds(base, _SLAB)], src_v)
            pltpu.sync_copy(dst2.at[pl.ds(base, _SLAB)], dst_v)
            gather(0, rows_a, sem_a)
            gather(1, rows_b, sem_b)

            def pair(k, carry2):
                ja = 2 * k
                drain_scatter(ja, rows_a, sem_a)
                gather(ja + 2, rows_a, sem_a)
                drain_scatter(ja + 1, rows_b, sem_b)
                gather(ja + 3, rows_b, sem_b)
                return carry2

            lax.fori_loop(0, _SLAB // 2 - 1, pair, 0)
            drain_scatter(_SLAB - 2, rows_a, sem_a)
            drain_scatter(_SLAB - 1, rows_b, sem_b)
            return carry

        lax.fori_loop(0, _ROWS_T // _SLAB, outer, 0)
        plsc.subcore_barrier()
        pltpu.sync_copy(acc.at[pl.ds(s * _ACC_T, _ACC_T)],
                        out.at[c, pl.ds(s * _ACC_T, _ACC_T)])

    @functools.partial(
        pl.kernel,
        out_type=jax.ShapeDtypeStruct((2, _ACC, _HH), jnp.float32),
        mesh=mesh,
        scratch_types=[
            pltpu.VMEM((_SLAB, 128), jnp.int32),
            pltpu.VMEM((128, _HH), jnp.float32),
            pltpu.VMEM((128, _HH), jnp.float32),
            pltpu.VMEM_SHARED((_ACC, _HH), jnp.float32),
            pltpu.SemaphoreType.DMA,
            pltpu.SemaphoreType.DMA,
        ],
    )
    def _sc_escatter(e2, dste, init, out, dst_v, rows_a, rows_b,
                     acc, sem_a, sem_b):
        c = lax.axis_index("c")
        s = lax.axis_index("s")
        pltpu.sync_copy(init.at[c, pl.ds(s * _ACC_T, _ACC_T)],
                        acc.at[pl.ds(s * _ACC_T, _ACC_T)])
        plsc.subcore_barrier()

        def e_off(k):
            main = (s * _ECH_T + k) * 128
            extra = (16 * _ECH_T + s) * 128
            is_extra = jnp.logical_and(k == _ECH_T, s < _ECH - 16 * _ECH_T)
            return jnp.where(k < _ECH_T, main, jnp.where(is_extra, extra, 0))

        def load(k, buf, sem):
            pltpu.async_copy(e2.at[c, pl.ds(e_off(k), 128)], buf, sem)

        def drain_scatter(t, j, buf, sem):
            k = t * _SLAB + j
            pltpu.make_async_copy(e2.at[c, pl.ds(e_off(k), 128)],
                                  buf, sem).wait()
            pltpu.sync_copy(buf, acc.at[dst_v.at[j]], add=True)

        def outer(t, carry):
            base = s * _ROWS_T + t * _SLAB
            pltpu.sync_copy(dste.at[pl.ds(base, _SLAB)], dst_v)
            load(t * _SLAB, rows_a, sem_a)
            load(t * _SLAB + 1, rows_b, sem_b)

            def pair(k, carry2):
                ja = 2 * k
                drain_scatter(t, ja, rows_a, sem_a)
                load(t * _SLAB + ja + 2, rows_a, sem_a)
                drain_scatter(t, ja + 1, rows_b, sem_b)
                load(t * _SLAB + ja + 3, rows_b, sem_b)
                return carry2

            lax.fori_loop(0, _SLAB // 2 - 1, pair, 0)
            drain_scatter(t, _SLAB - 2, rows_a, sem_a)
            drain_scatter(t, _SLAB - 1, rows_b, sem_b)
            return carry

        lax.fori_loop(0, _ROWS_T // _SLAB, outer, 0)
        plsc.subcore_barrier()
        pltpu.sync_copy(acc.at[pl.ds(s * _ACC_T, _ACC_T)],
                        out.at[c, pl.ds(s * _ACC_T, _ACC_T)])

    return _sc_scatter, _sc_escatter



def _proj_body(x_ref, w_ref, out_ref):
    h = jnp.dot(x_ref[...], w_ref[...], preferred_element_type=jnp.float32)
    h = jnp.maximum(h, 0.0)
    out_ref[0, :, :] = h[:, :_HH]
    out_ref[1, :, :] = h[:, _HH:]


def _atom_proj(x, W_i):
    return pl.pallas_call(
        _proj_body,
        grid=(10,),
        in_specs=[pl.BlockSpec((1000, _DF), lambda i: (i, 0)),
                  pl.BlockSpec((_DF, _H), lambda i: (0, 0))],
        out_specs=pl.BlockSpec((2, 1000, _HH), lambda i: (0, i, 0)),
        out_shape=jax.ShapeDtypeStruct((2, _N, _HH), jnp.float32),
    )(x, W_i)


def _edge_proj(ea, W_e):
    return pl.pallas_call(
        _proj_body,
        grid=(80,),
        in_specs=[pl.BlockSpec((4000, _DE), lambda i: (i, 0)),
                  pl.BlockSpec((_DE, _H), lambda i: (0, 0))],
        out_specs=pl.BlockSpec((2, 4000, _HH), lambda i: (0, i, 0)),
        out_shape=jax.ShapeDtypeStruct((2, _E, _HH), jnp.float32),
    )(ea, W_e)


def _update_body(agg_ref, h0_ref, w_ref, out_ref):
    agg = jnp.concatenate([agg_ref[0], agg_ref[1]], axis=1)
    h0 = jnp.concatenate([h0_ref[0], h0_ref[1]], axis=1)
    h = jnp.maximum(
        h0 + jnp.dot(agg, w_ref[...], preferred_element_type=jnp.float32), 0.0)
    out_ref[0, :, :] = h[:, :_HH]
    out_ref[1, :, :] = h[:, _HH:]


def _update(agg2, h0_2, W_h):
    return pl.pallas_call(
        _update_body,
        grid=(10,),
        in_specs=[pl.BlockSpec((2, 1000, _HH), lambda i: (0, i, 0)),
                  pl.BlockSpec((2, 1000, _HH), lambda i: (0, i, 0)),
                  pl.BlockSpec((_H, _H), lambda i: (0, 0))],
        out_specs=pl.BlockSpec((2, 1000, _HH), lambda i: (0, i, 0)),
        out_shape=jax.ShapeDtypeStruct((2, _N, _HH), jnp.float32),
    )(agg2, h0_2, W_h)


def _readout_body(h_ref, mol_ref, w1_ref, b1_ref, w2_ref, b2_ref, out_ref):
    h = jnp.concatenate([h_ref[0], h_ref[1]], axis=1)
    mids = mol_ref[...]
    seg = lax.broadcasted_iota(jnp.int32, (_B, 1), 0)
    mask = (mids == seg).astype(jnp.float32)
    sums = jnp.dot(mask, h, preferred_element_type=jnp.float32)
    counts = jnp.sum(mask, axis=1, keepdims=True)
    mol_vec = sums / jnp.maximum(counts, 1.0)
    hid = jnp.maximum(
        jnp.dot(mol_vec, w1_ref[...], preferred_element_type=jnp.float32)
        + b1_ref[...], 0.0)
    out_ref[...] = (jnp.dot(hid, w2_ref[...], preferred_element_type=jnp.float32)
                    + b2_ref[...])


def _readout(h2, mol2, W1, b1, W2, b2):
    return pl.pallas_call(
        _readout_body,
        out_shape=jax.ShapeDtypeStruct((_B, _TASKS), jnp.float32),
    )(h2, mol2, W1, b1, W2, b2)



def kernel(x, edge_index, edge_attr, mol_ids, W_i, W_e, W_h, W1, b1, W2, b2):
    src = edge_index[0]
    dst = edge_index[1]
    pad = _EPAD - _E
    src_p = jnp.concatenate([src, jnp.zeros((pad,), jnp.int32)])
    dst_p = jnp.concatenate([dst, jnp.full((pad,), _N, jnp.int32)])
    dst2 = dst_p.reshape(_IDX_ROWS, 128)
    src2 = jnp.stack([src_p, src_p + _N]).reshape(2, _IDX_ROWS, 128)
    zinit = jnp.zeros((2, _ACC, _HH), jnp.float32)
    mol2 = mol_ids.reshape(1, _N)

    dmain = dst.reshape(_ECH, 128)
    n_left = _ECH - 16 * _ECH_T
    ex_first = jnp.concatenate(
        [dmain[16 * _ECH_T:],
         jnp.full((16 - n_left, 128), _N, jnp.int32)]).reshape(16, 1, 128)
    ex_rest = jnp.full((16, _ROWS_T - _ECH_T - 1, 128), _N, jnp.int32)
    dste = jnp.concatenate(
        [dmain[:16 * _ECH_T].reshape(16, _ECH_T, 128), ex_first, ex_rest],
        axis=1).reshape(_IDX_ROWS, 128)

    sc_scatter, sc_escatter = _sc_fns()
    h0_2 = _atom_proj(x, W_i)
    e2 = _edge_proj(edge_attr, W_e)
    e_agg = sc_escatter(e2, dste, zinit)
    h2 = h0_2
    for _ in range(_DEPTH):
        agg2 = sc_scatter(h2.reshape(2 * _N, _HH), src2, dst2, e_agg)
        h2 = _update(agg2, h0_2, W_h)
    return _readout(h2, mol2, W1, b1, W2, b2)

# --- scband reference (transcript-rebuilt; emitter-appended) ---
"""Pipeline reference for scband-qsarmodel-81260781240776 (READ-ONLY COPY).

The authoritative reference and input builder live on the scoring server;
editing this copy changes nothing except your own understanding.
"""

import jax, jax.numpy as jnp
import numpy as np

N = 10000
E = 320000
D_FEAT = 128
D_EDGE = 16
H = 256
B = 256
DEPTH = 3
FFN_H = 256
TASKS = 12


def setup_inputs(seed: int = 0) -> dict:
    key = jax.random.key(seed)
    ks = jax.random.split(key, 12)
    x = jax.random.normal(ks[0], (N, D_FEAT), dtype=jnp.float32)
    edge_index = jax.random.randint(ks[1], (2, E), 0, N, dtype=jnp.int32)
    edge_attr = jax.random.normal(ks[2], (E, D_EDGE), dtype=jnp.float32)
    mol_ids = jnp.sort(jax.random.randint(ks[3], (N,), 0, B, dtype=jnp.int32))
    # learned parameters (MPN encoder + FFN head), sized per init_kwargs
    W_i = jax.random.normal(ks[4], (D_FEAT, H), dtype=jnp.float32) / np.sqrt(D_FEAT)
    W_e = jax.random.normal(ks[5], (D_EDGE, H), dtype=jnp.float32) / np.sqrt(D_EDGE)
    W_h = jax.random.normal(ks[6], (H, H), dtype=jnp.float32) / np.sqrt(H)
    W1 = jax.random.normal(ks[7], (H, FFN_H), dtype=jnp.float32) / np.sqrt(H)
    b1 = jnp.zeros((FFN_H,), dtype=jnp.float32)
    W2 = jax.random.normal(ks[8], (FFN_H, TASKS), dtype=jnp.float32) / np.sqrt(FFN_H)
    b2 = jnp.zeros((TASKS,), dtype=jnp.float32)
    return {"x": x, "edge_index": edge_index, "edge_attr": edge_attr, "mol_ids": mol_ids,
            "W_i": W_i, "W_e": W_e, "W_h": W_h, "W1": W1, "b1": b1, "W2": W2, "b2": b2}


def reference(x, edge_index, edge_attr, mol_ids, W_i, W_e, W_h, W1, b1, W2, b2):
    # QSARmodel.forward: ffn(encoder(mol_batch))
    # encoder = chemprop-style MPN: input projection, depth rounds of
    # gather -> edge-augmented message -> scatter-add -> update, then
    # per-molecule mean readout (segment reduce).
    src = edge_index[0]
    dst = edge_index[1]
    h0 = jax.nn.relu(x @ W_i)                # [N, H] input atom embedding
    e = jax.nn.relu(edge_attr @ W_e)         # [E, H] bond embedding
    h = h0
    for _ in range(DEPTH):
        m = h[src] + e                                        # gather messages
        agg = jax.ops.segment_sum(m, dst, num_segments=N)     # scatter-add
        h = jax.nn.relu(h0 + agg @ W_h)                       # update w/ skip to input
    # molecule-level readout (mean over atoms of each molecule)
    counts = jax.ops.segment_sum(jnp.ones((N, 1), jnp.float32), mol_ids, num_segments=B)
    mol_vec = jax.ops.segment_sum(h, mol_ids, num_segments=B) / jnp.maximum(counts, 1.0)
    # FFN head (2 layers; dropout is identity at inference; regression -> no sigmoid)
    hidden = jax.nn.relu(mol_vec @ W1 + b1)
    out = hidden @ W2 + b2
    return out

if __name__ == "__main__":
    import jax
    _d = setup_inputs()
    print(jax.jit(kernel)(*tuple(_d.values())))

</pallas_src>

<mosaic_0001>
#map = affine_map<(d0, d1) -> (0, 0)>
#map1 = affine_map<(d0, d1) -> (0, 0, 0)>
module attributes {stable_mosaic.version = 14 : i64} {
  func.func @_sc_scatter(%arg0: i32, %arg1: i32, %arg2: memref<20000x128xf32, #tpu.memory_space<hbm>>, %arg3: memref<2x2560x128xi32, #tpu.memory_space<hbm>>, %arg4: memref<2560x128xi32, #tpu.memory_space<hbm>>, %arg5: memref<2x10240x128xf32, #tpu.memory_space<hbm>>, %arg6: memref<2x10240x128xf32, #tpu.memory_space<hbm>>, %arg7: memref<32x128xi32, #tpu.memory_space<vmem>>, %arg8: memref<32x128xi32, #tpu.memory_space<vmem>>, %arg9: memref<128x128xf32, #tpu.memory_space<vmem>>, %arg10: memref<128x128xf32, #tpu.memory_space<vmem>>, %arg11: memref<10240x128xf32, #tpu.memory_space<vmem_shared>>, %arg12: memref<!tpu.dma_semaphore, #tpu.memory_space<semaphore_mem>>, %arg13: memref<!tpu.dma_semaphore, #tpu.memory_space<semaphore_mem>>) attributes {dimension_semantics = [#tpu.dimension_semantics<core_parallel>, #tpu.dimension_semantics<subcore_parallel>], iteration_bounds = array<i64: 2, 16>, scalar_prefetch = 0 : i64, scratch_operands = 7 : i64, tpu.core_type = #tpu.core_type<sc_vector_subcore>, window_params = [{transform_indices = #map}, {transform_indices = #map1}, {transform_indices = #map}, {transform_indices = #map1}, {transform_indices = #map1}]} {
    %mul3A = arith.constant 640 : i32
    %mul3A_0 = arith.muli %arg1, %mul3A : i32
    %mul3A_1 = arith.constant 640 : i32
    %mul3A_2 = arith.muli %arg1, %mul3A_1 : i32
    "tpu.region"() ({
      %run_scoped3A = tpu.sem_alloc : memref<!tpu.dma_semaphore, #tpu.memory_space<semaphore_mem>>
      %dma_start3A = arith.constant 0 : i32
      %dma_start3A_13 = tpu.memref_slice %arg11[%mul3A_2, %dma_start3A] : memref<10240x128xf32, #tpu.memory_space<vmem_shared>> -> memref<640x128xf32, #tpu.memory_space<vmem_shared>>
      %dma_start3A_14 = arith.constant 0 : i32
      %dma_start3A_15 = tpu.memref_slice %arg5[%arg0, %mul3A_0, %dma_start3A_14] : memref<2x10240x128xf32, #tpu.memory_space<hbm>> -> memref<1x640x128xf32, #tpu.memory_space<hbm>>
      %dma_start3A_16 = tpu.memref_squeeze %dma_start3A_15 : memref<1x640x128xf32, #tpu.memory_space<hbm>> -> memref<640x128xf32, #tpu.memory_space<hbm>>
      tpu.enqueue_dma source(%dma_start3A_16 : memref<640x128xf32, #tpu.memory_space<hbm>>) target(%dma_start3A_13 : memref<640x128xf32, #tpu.memory_space<vmem_shared>>) target_semaphore(%run_scoped3A : memref<!tpu.dma_semaphore, #tpu.memory_space<semaphore_mem>>)
      %dma_wait3A = arith.constant 0 : i32
      %dma_wait3A_17 = tpu.memref_slice %arg11[%mul3A_2, %dma_wait3A] : memref<10240x128xf32, #tpu.memory_space<vmem_shared>> -> memref<640x128xf32, #tpu.memory_space<vmem_shared>>
      %dma_wait3A_18 = arith.constant 0 : i32
      %dma_wait3A_19 = tpu.memref_slice %arg5[%arg0, %mul3A_0, %dma_wait3A_18] : memref<2x10240x128xf32, #tpu.memory_space<hbm>> -> memref<1x640x128xf32, #tpu.memory_space<hbm>>
      %dma_wait3A_20 = tpu.memref_squeeze %dma_wait3A_19 : memref<1x640x128xf32, #tpu.memory_space<hbm>> -> memref<640x128xf32, #tpu.memory_space<hbm>>
      tpu.wait_dma2 semaphore(%run_scoped3A : memref<!tpu.dma_semaphore, #tpu.memory_space<semaphore_mem>>) src(%dma_wait3A_20 : memref<640x128xf32, #tpu.memory_space<hbm>>) dst(%dma_wait3A_17 : memref<640x128xf32, #tpu.memory_space<vmem_shared>>)
      tpu.yield
    }) : () -> ()
    %barrier3A = arith.constant 0 : index
    tpu.barrier barrier_id(%barrier3A)
    %scan3A = arith.constant 0 : i32
    %scan3A_3 = arith.constant 0 : i32
    %scan3A_4 = arith.constant 5 : i32
    %scan3A_5 = arith.addi %scan3A_3, %scan3A_4 : i32
    %scan3A_6 = arith.constant 1 : i32
    scf.for %scan3A_13 = %scan3A_3 to %scan3A_5 step %scan3A_6  : i32 {
      %mul3A_14 = arith.constant 160 : i32
      %mul3A_15 = arith.muli %arg1, %mul3A_14 : i32
      %mul3A_16 = arith.constant 32 : i32
      %mul3A_17 = arith.muli %scan3A_13, %mul3A_16 : i32
      %add3A = arith.addi %mul3A_15, %mul3A_17 : i32
      "tpu.region"() ({
        %run_scoped3A_51 = tpu.sem_alloc : memref<!tpu.dma_semaphore, #tpu.memory_space<semaphore_mem>>
        %dma_start3A_52 = arith.constant 0 : i32
        %dma_start3A_53 = tpu.memref_slice %arg3[%arg0, %add3A, %dma_start3A_52] : memref<2x2560x128xi32, #tpu.memory_space<hbm>> -> memref<1x32x128xi32, #tpu.memory_space<hbm>>
        %dma_start3A_54 = tpu.memref_squeeze %dma_start3A_53 : memref<1x32x128xi32, #tpu.memory_space<hbm>> -> memref<32x128xi32, #tpu.memory_space<hbm>>
        %dma_start3A_55 = arith.constant 0 : i32
        %dma_start3A_56 = tpu.memref_slice %arg3[%arg0, %add3A, %dma_start3A_55] : memref<2x2560x128xi32, #tpu.memory_space<hbm>> -> memref<1x32x128xi32, #tpu.memory_space<hbm>>
        %dma_start3A_57 = tpu.memref_squeeze %dma_start3A_56 : memref<1x32x128xi32, #tpu.memory_space<hbm>> -> memref<32x128xi32, #tpu.memory_space<hbm>>
        tpu.enqueue_dma source(%dma_start3A_57 : memref<32x128xi32, #tpu.memory_space<hbm>>) target(%arg7 : memref<32x128xi32, #tpu.memory_space<vmem>>) target_semaphore(%run_scoped3A_51 : memref<!tpu.dma_semaphore, #tpu.memory_space<semaphore_mem>>)
        %dma_wait3A_58 = arith.constant 0 : i32
        %dma_wait3A_59 = tpu.memref_slice %arg3[%arg0, %add3A, %dma_wait3A_58] : memref<2x2560x128xi32, #tpu.memory_space<hbm>> -> memref<1x32x128xi32, #tpu.memory_space<hbm>>
        %dma_wait3A_60 = tpu.memref_squeeze %dma_wait3A_59 : memref<1x32x128xi32, #tpu.memory_space<hbm>> -> memref<32x128xi32, #tpu.memory_space<hbm>>
        %dma_wait3A_61 = arith.constant 0 : i32
        %dma_wait3A_62 = tpu.memref_slice %arg3[%arg0, %add3A, %dma_wait3A_61] : memref<2x2560x128xi32, #tpu.memory_space<hbm>> -> memref<1x32x128xi32, #tpu.memory_space<hbm>>
        %dma_wait3A_63 = tpu.memref_squeeze %dma_wait3A_62 : memref<1x32x128xi32, #tpu.memory_space<hbm>> -> memref<32x128xi32, #tpu.memory_space<hbm>>
        tpu.wait_dma2 semaphore(%run_scoped3A_51 : memref<!tpu.dma_semaphore, #tpu.memory_space<semaphore_mem>>) src(%dma_wait3A_63 : memref<32x128xi32, #tpu.memory_space<hbm>>) dst(%arg7 : memref<32x128xi32, #tpu.memory_space<vmem>>)
        tpu.yield
      }) : () -> ()
      "tpu.region"() ({
        %run_scoped3A_51 = tpu.sem_alloc : memref<!tpu.dma_semaphore, #tpu.memory_space<semaphore_mem>>
        %dma_start3A_52 = arith.constant 0 : i32
        %dma_start3A_53 = tpu.memref_slice %arg4[%add3A, %dma_start3A_52] : memref<2560x128xi32, #tpu.memory_space<hbm>> -> memref<32x128xi32, #tpu.memory_space<hbm>>
        %dma_start3A_54 = arith.constant 0 : i32
        %dma_start3A_55 = tpu.memref_slice %arg4[%add3A, %dma_start3A_54] : memref<2560x128xi32, #tpu.memory_space<hbm>> -> memref<32x128xi32, #tpu.memory_space<hbm>>
        tpu.enqueue_dma source(%dma_start3A_55 : memref<32x128xi32, #tpu.memory_space<hbm>>) target(%arg8 : memref<32x128xi32, #tpu.memory_space<vmem>>) target_semaphore(%run_scoped3A_51 : memref<!tpu.dma_semaphore, #tpu.memory_space<semaphore_mem>>)
        %dma_wait3A_56 = arith.constant 0 : i32
        %dma_wait3A_57 = tpu.memref_slice %arg4[%add3A, %dma_wait3A_56] : memref<2560x128xi32, #tpu.memory_space<hbm>> -> memref<32x128xi32, #tpu.memory_space<hbm>>
        %dma_wait3A_58 = arith.constant 0 : i32
        %dma_wait3A_59 = tpu.memref_slice %arg4[%add3A, %dma_wait3A_58] : memref<2560x128xi32, #tpu.memory_space<hbm>> -> memref<32x128xi32, #tpu.memory_space<hbm>>
        tpu.wait_dma2 semaphore(%run_scoped3A_51 : memref<!tpu.dma_semaphore, #tpu.memory_space<semaphore_mem>>) src(%dma_wait3A_59 : memref<32x128xi32, #tpu.memory_space<hbm>>) dst(%arg8 : memref<32x128xi32, #tpu.memory_space<vmem>>)
        tpu.yield
      }) : () -> ()
      %dma_start3A = arith.constant 0 : i32
      %dma_start3A_18 = arith.constant 0 : i32
      %dma_start3A_19 = tpu.memref_slice %arg7[%dma_start3A, %dma_start3A_18] : memref<32x128xi32, #tpu.memory_space<vmem>> -> memref<1x128xi32, #tpu.memory_space<vmem>>
      %dma_start3A_20 = tpu.memref_squeeze %dma_start3A_19 : memref<1x128xi32, #tpu.memory_space<vmem>> -> memref<128xi32, #tpu.memory_space<vmem>>
      %dma_start3A_21 = arith.constant 0 : i32
      %dma_start3A_22 = arith.constant 0 : i32
      %dma_start3A_23 = tpu.memref_slice %arg2[%dma_start3A_21, %dma_start3A_22] : memref<20000x128xf32, #tpu.memory_space<hbm>> -> memref<20000x128xf32, #tpu.memory_space<hbm>>
      tpu.enqueue_indirect_dma source(%dma_start3A_23 : memref<20000x128xf32, #tpu.memory_space<hbm>>) target(%arg9 : memref<128x128xf32, #tpu.memory_space<vmem>>) offsets(%dma_start3A_20 : memref<128xi32, #tpu.memory_space<vmem>>) semaphore(%arg12 : memref<!tpu.dma_semaphore, #tpu.memory_space<semaphore_mem>>)
      %dma_start3A_24 = arith.constant 1 : i32
      %dma_start3A_25 = arith.constant 0 : i32
      %dma_start3A_26 = tpu.memref_slice %arg7[%dma_start3A_24, %dma_start3A_25] : memref<32x128xi32, #tpu.memory_space<vmem>> -> memref<1x128xi32, #tpu.memory_space<vmem>>
      %dma_start3A_27 = tpu.memref_squeeze %dma_start3A_26 : memref<1x128xi32, #tpu.memory_space<vmem>> -> memref<128xi32, #tpu.memory_space<vmem>>
      %dma_start3A_28 = arith.constant 0 : i32
      %dma_start3A_29 = arith.constant 0 : i32
      %dma_start3A_30 = tpu.memref_slice %arg2[%dma_start3A_28, %dma_start3A_29] : memref<20000x128xf32, #tpu.memory_space<hbm>> -> memref<20000x128xf32, #tpu.memory_space<hbm>>
      tpu.enqueue_indirect_dma source(%dma_start3A_30 : memref<20000x128xf32, #tpu.memory_space<hbm>>) target(%arg10 : memref<128x128xf32, #tpu.memory_space<vmem>>) offsets(%dma_start3A_27 : memref<128xi32, #tpu.memory_space<vmem>>) semaphore(%arg13 : memref<!tpu.dma_semaphore, #tpu.memory_space<semaphore_mem>>)
      %scan3A_31 = arith.constant 0 : i32
      %scan3A_32 = arith.constant 0 : i32
      %scan3A_33 = arith.constant 15 : i32
      %scan3A_34 = arith.addi %scan3A_32, %scan3A_33 : i32
      %scan3A_35 = arith.constant 1 : i32
      scf.for %scan3A_51 = %scan3A_32 to %scan3A_34 step %scan3A_35  : i32 {
        %mul3A_52 = arith.constant 2 : i32
        %mul3A_53 = arith.muli %mul3A_52, %scan3A_51 : i32
        %dma_wait3A_54 = arith.constant 0 : i32
        %dma_wait3A_55 = tpu.memref_slice %arg7[%mul3A_53, %dma_wait3A_54] : memref<32x128xi32, #tpu.memory_space<vmem>> -> memref<1x128xi32, #tpu.memory_space<vmem>>
        %dma_wait3A_56 = tpu.memref_squeeze %dma_wait3A_55 : memref<1x128xi32, #tpu.memory_space<vmem>> -> memref<128xi32, #tpu.memory_space<vmem>>
        %dma_wait3A_57 = arith.constant 0 : i32
        %dma_wait3A_58 = arith.constant 0 : i32
        %dma_wait3A_59 = tpu.memref_slice %arg2[%dma_wait3A_57, %dma_wait3A_58] : memref<20000x128xf32, #tpu.memory_space<hbm>> -> memref<20000x128xf32, #tpu.memory_space<hbm>>
        tpu.wait_indirect_dma semaphore(%arg12 : memref<!tpu.dma_semaphore, #tpu.memory_space<semaphore_mem>>) src(%dma_wait3A_59 : memref<20000x128xf32, #tpu.memory_space<hbm>>) dst(%arg9 : memref<128x128xf32, #tpu.memory_space<vmem>>)
        "tpu.region"() ({
          %run_scoped3A_84 = tpu.sem_alloc : memref<!tpu.dma_semaphore, #tpu.memory_space<semaphore_mem>>
          %dma_start3A_85 = arith.constant 0 : i32
          %dma_start3A_86 = tpu.memref_slice %arg8[%mul3A_53, %dma_start3A_85] : memref<32x128xi32, #tpu.memory_space<vmem>> -> memref<1x128xi32, #tpu.memory_space<vmem>>
          %dma_start3A_87 = tpu.memref_squeeze %dma_start3A_86 : memref<1x128xi32, #tpu.memory_space<vmem>> -> memref<128xi32, #tpu.memory_space<vmem>>
          %dma_start3A_88 = arith.constant 0 : i32
          %dma_start3A_89 = arith.constant 0 : i32
          %dma_start3A_90 = tpu.memref_slice %arg11[%dma_start3A_88, %dma_start3A_89] : memref<10240x128xf32, #tpu.memory_space<vmem_shared>> -> memref<10240x128xf32, #tpu.memory_space<vmem_shared>>
          tpu.enqueue_indirect_dma source(%arg9 : memref<128x128xf32, #tpu.memory_space<vmem>>) target(%dma_start3A_90 : memref<10240x128xf32, #tpu.memory_space<vmem_shared>>) offsets(%dma_start3A_87 : memref<128xi32, #tpu.memory_space<vmem>>) semaphore(%run_scoped3A_84 : memref<!tpu.dma_semaphore, #tpu.memory_space<semaphore_mem>>) {add = true}
          %dma_wait3A_91 = arith.constant 0 : i32
          %dma_wait3A_92 = tpu.memref_slice %arg8[%mul3A_53, %dma_wait3A_91] : memref<32x128xi32, #tpu.memory_space<vmem>> -> memref<1x128xi32, #tpu.memory_space<vmem>>
          %dma_wait3A_93 = tpu.memref_squeeze %dma_wait3A_92 : memref<1x128xi32, #tpu.memory_space<vmem>> -> memref<128xi32, #tpu.memory_space<vmem>>
          %dma_wait3A_94 = arith.constant 0 : i32
          %dma_wait3A_95 = arith.constant 0 : i32
          %dma_wait3A_96 = tpu.memref_slice %arg11[%dma_wait3A_94, %dma_wait3A_95] : memref<10240x128xf32, #tpu.memory_space<vmem_shared>> -> memref<10240x128xf32, #tpu.memory_space<vmem_shared>>
          tpu.wait_indirect_dma semaphore(%run_scoped3A_84 : memref<!tpu.dma_semaphore, #tpu.memory_space<semaphore_mem>>) src(%arg9 : memref<128x128xf32, #tpu.memory_space<vmem>>) dst(%dma_wait3A_96 : memref<10240x128xf32, #tpu.memory_space<vmem_shared>>)
          tpu.yield
        }) : () -> ()
        %add3A_60 = arith.constant 2 : i32
        %add3A_61 = arith.addi %mul3A_53, %add3A_60 : i32
        %dma_start3A_62 = arith.constant 0 : i32
        %dma_start3A_63 = tpu.memref_slice %arg7[%add3A_61, %dma_start3A_62] : memref<32x128xi32, #tpu.memory_space<vmem>> -> memref<1x128xi32, #tpu.memory_space<vmem>>
        %dma_start3A_64 = tpu.memref_squeeze %dma_start3A_63 : memref<1x128xi32, #tpu.memory_space<vmem>> -> memref<128xi32, #tpu.memory_space<vmem>>
        %dma_start3A_65 = arith.constant 0 : i32
        %dma_start3A_66 = arith.constant 0 : i32
        %dma_start3A_67 = tpu.memref_slice %arg2[%dma_start3A_65, %dma_start3A_66] : memref<20000x128xf32, #tpu.memory_space<hbm>> -> memref<20000x128xf32, #tpu.memory_space<hbm>>
        tpu.enqueue_indirect_dma source(%dma_start3A_67 : memref<20000x128xf32, #tpu.memory_space<hbm>>) target(%arg9 : memref<128x128xf32, #tpu.memory_space<vmem>>) offsets(%dma_start3A_64 : memref<128xi32, #tpu.memory_space<vmem>>) semaphore(%arg12 : memref<!tpu.dma_semaphore, #tpu.memory_space<semaphore_mem>>)
        %add3A_68 = arith.constant 1 : i32
        %add3A_69 = arith.addi %mul3A_53, %add3A_68 : i32
        %dma_wait3A_70 = arith.constant 0 : i32
        %dma_wait3A_71 = tpu.memref_slice %arg7[%add3A_69, %dma_wait3A_70] : memref<32x128xi32, #tpu.memory_space<vmem>> -> memref<1x128xi32, #tpu.memory_space<vmem>>
        %dma_wait3A_72 = tpu.memref_squeeze %dma_wait3A_71 : memref<1x128xi32, #tpu.memory_space<vmem>> -> memref<128xi32, #tpu.memory_space<vmem>>
        %dma_wait3A_73 = arith.constant 0 : i32
        %dma_wait3A_74 = arith.constant 0 : i32
        %dma_wait3A_75 = tpu.memref_slice %arg2[%dma_wait3A_73, %dma_wait3A_74] : memref<20000x128xf32, #tpu.memory_space<hbm>> -> memref<20000x128xf32, #tpu.memory_space<hbm>>
        tpu.wait_indirect_dma semaphore(%arg13 : memref<!tpu.dma_semaphore, #tpu.memory_space<semaphore_mem>>) src(%dma_wait3A_75 : memref<20000x128xf32, #tpu.memory_space<hbm>>) dst(%arg10 : memref<128x128xf32, #tpu.memory_space<vmem>>)
        "tpu.region"() ({
          %run_scoped3A_84 = tpu.sem_alloc : memref<!tpu.dma_semaphore, #tpu.memory_space<semaphore_mem>>
          %dma_start3A_85 = arith.constant 0 : i32
          %dma_start3A_86 = tpu.memref_slice %arg8[%add3A_69, %dma_start3A_85] : memref<32x128xi32, #tpu.memory_space<vmem>> -> memref<1x128xi32, #tpu.memory_space<vmem>>
          %dma_start3A_87 = tpu.memref_squeeze %dma_start3A_86 : memref<1x128xi32, #tpu.memory_space<vmem>> -> memref<128xi32, #tpu.memory_space<vmem>>
          %dma_start3A_88 = arith.constant 0 : i32
          %dma_start3A_89 = arith.constant 0 : i32
          %dma_start3A_90 = tpu.memref_slice %arg11[%dma_start3A_88, %dma_start3A_89] : memref<10240x128xf32, #tpu.memory_space<vmem_shared>> -> memref<10240x128xf32, #tpu.memory_space<vmem_shared>>
          tpu.enqueue_indirect_dma source(%arg10 : memref<128x128xf32, #tpu.memory_space<vmem>>) target(%dma_start3A_90 : memref<10240x128xf32, #tpu.memory_space<vmem_shared>>) offsets(%dma_start3A_87 : memref<128xi32, #tpu.memory_space<vmem>>) semaphore(%run_scoped3A_84 : memref<!tpu.dma_semaphore, #tpu.memory_space<semaphore_mem>>) {add = true}
          %dma_wait3A_91 = arith.constant 0 : i32
          %dma_wait3A_92 = tpu.memref_slice %arg8[%add3A_69, %dma_wait3A_91] : memref<32x128xi32, #tpu.memory_space<vmem>> -> memref<1x128xi32, #tpu.memory_space<vmem>>
          %dma_wait3A_93 = tpu.memref_squeeze %dma_wait3A_92 : memref<1x128xi32, #tpu.memory_space<vmem>> -> memref<128xi32, #tpu.memory_space<vmem>>
          %dma_wait3A_94 = arith.constant 0 : i32
          %dma_wait3A_95 = arith.constant 0 : i32
          %dma_wait3A_96 = tpu.memref_slice %arg11[%dma_wait3A_94, %dma_wait3A_95] : memref<10240x128xf32, #tpu.memory_space<vmem_shared>> -> memref<10240x128xf32, #tpu.memory_space<vmem_shared>>
          tpu.wait_indirect_dma semaphore(%run_scoped3A_84 : memref<!tpu.dma_semaphore, #tpu.memory_space<semaphore_mem>>) src(%arg10 : memref<128x128xf32, #tpu.memory_space<vmem>>) dst(%dma_wait3A_96 : memref<10240x128xf32, #tpu.memory_space<vmem_shared>>)
          tpu.yield
        }) : () -> ()
        %add3A_76 = arith.constant 3 : i32
        %add3A_77 = arith.addi %mul3A_53, %add3A_76 : i32
        %dma_start3A_78 = arith.constant 0 : i32
        %dma_start3A_79 = tpu.memref_slice %arg7[%add3A_77, %dma_start3A_78] : memref<32x128xi32, #tpu.memory_space<vmem>> -> memref<1x128xi32, #tpu.memory_space<vmem>>
        %dma_start3A_80 = tpu.memref_squeeze %dma_start3A_79 : memref<1x128xi32, #tpu.memory_space<vmem>> -> memref<128xi32, #tpu.memory_space<vmem>>
        %dma_start3A_81 = arith.constant 0 : i32
        %dma_start3A_82 = arith.constant 0 : i32
        %dma_start3A_83 = tpu.memref_slice %arg2[%dma_start3A_81, %dma_start3A_82] : memref<20000x128xf32, #tpu.memory_space<hbm>> -> memref<20000x128xf32, #tpu.memory_space<hbm>>
        tpu.enqueue_indirect_dma source(%dma_start3A_83 : memref<20000x128xf32, #tpu.memory_space<hbm>>) target(%arg10 : memref<128x128xf32, #tpu.memory_space<vmem>>) offsets(%dma_start3A_80 : memref<128xi32, #tpu.memory_space<vmem>>) semaphore(%arg13 : memref<!tpu.dma_semaphore, #tpu.memory_space<semaphore_mem>>)
      }
      %scan3A_36 = arith.constant 15 : i32
      %dma_wait3A = arith.constant 30 : i32
      %dma_wait3A_37 = arith.constant 0 : i32
      %dma_wait3A_38 = tpu.memref_slice %arg7[%dma_wait3A, %dma_wait3A_37] : memref<32x128xi32, #tpu.memory_space<vmem>> -> memref<1x128xi32, #tpu.memory_space<vmem>>
      %dma_wait3A_39 = tpu.memref_squeeze %dma_wait3A_38 : memref<1x128xi32, #tpu.memory_space<vmem>> -> memref<128xi32, #tpu.memory_space<vmem>>
      %dma_wait3A_40 = arith.constant 0 : i32
      %dma_wait3A_41 = arith.constant 0 : i32
      %dma_wait3A_42 = tpu.memref_slice %arg2[%dma_wait3A_40, %dma_wait3A_41] : memref<20000x128xf32, #tpu.memory_space<hbm>> -> memref<20000x128xf32, #tpu.memory_space<hbm>>
      tpu.wait_indirect_dma semaphore(%arg12 : memref<!tpu.dma_semaphore, #tpu.memory_space<semaphore_mem>>) src(%dma_wait3A_42 : memref<20000x128xf32, #tpu.memory_space<hbm>>) dst(%arg9 : memref<128x128xf32, #tpu.memory_space<vmem>>)
      %run_scoped3A = arith.constant 30 : i32
      "tpu.region"() ({
        %run_scoped3A_51 = tpu.sem_alloc : memref<!tpu.dma_semaphore, #tpu.memory_space<semaphore_mem>>
        %dma_start3A_52 = arith.constant 0 : i32
        %dma_start3A_53 = tpu.memref_slice %arg8[%run_scoped3A, %dma_start3A_52] : memref<32x128xi32, #tpu.memory_space<vmem>> -> memref<1x128xi32, #tpu.memory_space<vmem>>
        %dma_start3A_54 = tpu.memref_squeeze %dma_start3A_53 : memref<1x128xi32, #tpu.memory_space<vmem>> -> memref<128xi32, #tpu.memory_space<vmem>>
        %dma_start3A_55 = arith.constant 0 : i32
        %dma_start3A_56 = arith.constant 0 : i32
        %dma_start3A_57 = tpu.memref_slice %arg11[%dma_start3A_55, %dma_start3A_56] : memref<10240x128xf32, #tpu.memory_space<vmem_shared>> -> memref<10240x128xf32, #tpu.memory_space<vmem_shared>>
        tpu.enqueue_indirect_dma source(%arg9 : memref<128x128xf32, #tpu.memory_space<vmem>>) target(%dma_start3A_57 : memref<10240x128xf32, #tpu.memory_space<vmem_shared>>) offsets(%dma_start3A_54 : memref<128xi32, #tpu.memory_space<vmem>>) semaphore(%run_scoped3A_51 : memref<!tpu.dma_semaphore, #tpu.memory_space<semaphore_mem>>) {add = true}
        %dma_wait3A_58 = arith.constant 0 : i32
        %dma_wait3A_59 = tpu.memref_slice %arg8[%run_scoped3A, %dma_wait3A_58] : memref<32x128xi32, #tpu.memory_space<vmem>> -> memref<1x128xi32, #tpu.memory_space<vmem>>
        %dma_wait3A_60 = tpu.memref_squeeze %dma_wait3A_59 : memref<1x128xi32, #tpu.memory_space<vmem>> -> memref<128xi32, #tpu.memory_space<vmem>>
        %dma_wait3A_61 = arith.constant 0 : i32
        %dma_wait3A_62 = arith.constant 0 : i32
        %dma_wait3A_63 = tpu.memref_slice %arg11[%dma_wait3A_61, %dma_wait3A_62] : memref<10240x128xf32, #tpu.memory_space<vmem_shared>> -> memref<10240x128xf32, #tpu.memory_space<vmem_shared>>
        tpu.wait_indirect_dma semaphore(%run_scoped3A_51 : memref<!tpu.dma_semaphore, #tpu.memory_space<semaphore_mem>>) src(%arg9 : memref<128x128xf32, #tpu.memory_space<vmem>>) dst(%dma_wait3A_63 : memref<10240x128xf32, #tpu.memory_space<vmem_shared>>)
        tpu.yield
      }) : () -> ()
      %dma_wait3A_43 = arith.constant 31 : i32
      %dma_wait3A_44 = arith.constant 0 : i32
      %dma_wait3A_45 = tpu.memref_slice %arg7[%dma_wait3A_43, %dma_wait3A_44] : memref<32x128xi32, #tpu.memory_space<vmem>> -> memref<1x128xi32, #tpu.memory_space<vmem>>
      %dma_wait3A_46 = tpu.memref_squeeze %dma_wait3A_45 : memref<1x128xi32, #tpu.memory_space<vmem>> -> memref<128xi32, #tpu.memory_space<vmem>>
      %dma_wait3A_47 = arith.constant 0 : i32
      %dma_wait3A_48 = arith.constant 0 : i32
      %dma_wait3A_49 = tpu.memref_slice %arg2[%dma_wait3A_47, %dma_wait3A_48] : memref<20000x128xf32, #tpu.memory_space<hbm>> -> memref<20000x128xf32, #tpu.memory_space<hbm>>
      tpu.wait_indirect_dma semaphore(%arg13 : memref<!tpu.dma_semaphore, #tpu.memory_space<semaphore_mem>>) src(%dma_wait3A_49 : memref<20000x128xf32, #tpu.memory_space<hbm>>) dst(%arg10 : memref<128x128xf32, #tpu.memory_space<vmem>>)
      %run_scoped3A_50 = arith.constant 31 : i32
      "tpu.region"() ({
        %run_scoped3A_51 = tpu.sem_alloc : memref<!tpu.dma_semaphore, #tpu.memory_space<semaphore_mem>>
        %dma_start3A_52 = arith.constant 0 : i32
        %dma_start3A_53 = tpu.memref_slice %arg8[%run_scoped3A_50, %dma_start3A_52] : memref<32x128xi32, #tpu.memory_space<vmem>> -> memref<1x128xi32, #tpu.memory_space<vmem>>
        %dma_start3A_54 = tpu.memref_squeeze %dma_start3A_53 : memref<1x128xi32, #tpu.memory_space<vmem>> -> memref<128xi32, #tpu.memory_space<vmem>>
        %dma_start3A_55 = arith.constant 0 : i32
        %dma_start3A_56 = arith.constant 0 : i32
        %dma_start3A_57 = tpu.memref_slice %arg11[%dma_start3A_55, %dma_start3A_56] : memref<10240x128xf32, #tpu.memory_space<vmem_shared>> -> memref<10240x128xf32, #tpu.memory_space<vmem_shared>>
        tpu.enqueue_indirect_dma source(%arg10 : memref<128x128xf32, #tpu.memory_space<vmem>>) target(%dma_start3A_57 : memref<10240x128xf32, #tpu.memory_space<vmem_shared>>) offsets(%dma_start3A_54 : memref<128xi32, #tpu.memory_space<vmem>>) semaphore(%run_scoped3A_51 : memref<!tpu.dma_semaphore, #tpu.memory_space<semaphore_mem>>) {add = true}
        %dma_wait3A_58 = arith.constant 0 : i32
        %dma_wait3A_59 = tpu.memref_slice %arg8[%run_scoped3A_50, %dma_wait3A_58] : memref<32x128xi32, #tpu.memory_space<vmem>> -> memref<1x128xi32, #tpu.memory_space<vmem>>
        %dma_wait3A_60 = tpu.memref_squeeze %dma_wait3A_59 : memref<1x128xi32, #tpu.memory_space<vmem>> -> memref<128xi32, #tpu.memory_space<vmem>>
        %dma_wait3A_61 = arith.constant 0 : i32
        %dma_wait3A_62 = arith.constant 0 : i32
        %dma_wait3A_63 = tpu.memref_slice %arg11[%dma_wait3A_61, %dma_wait3A_62] : memref<10240x128xf32, #tpu.memory_space<vmem_shared>> -> memref<10240x128xf32, #tpu.memory_space<vmem_shared>>
        tpu.wait_indirect_dma semaphore(%run_scoped3A_51 : memref<!tpu.dma_semaphore, #tpu.memory_space<semaphore_mem>>) src(%arg10 : memref<128x128xf32, #tpu.memory_space<vmem>>) dst(%dma_wait3A_63 : memref<10240x128xf32, #tpu.memory_space<vmem_shared>>)
        tpu.yield
      }) : () -> ()
    }
    %scan3A_7 = arith.constant 5 : i32
    %barrier3A_8 = arith.constant 0 : index
    tpu.barrier barrier_id(%barrier3A_8)
    %mul3A_9 = arith.constant 640 : i32
    %mul3A_10 = arith.muli %arg1, %mul3A_9 : i32
    %mul3A_11 = arith.constant 640 : i32
    %mul3A_12 = arith.muli %arg1, %mul3A_11 : i32
    "tpu.region"() ({
      %run_scoped3A = tpu.sem_alloc : memref<!tpu.dma_semaphore, #tpu.memory_space<semaphore_mem>>
      %dma_start3A = arith.constant 0 : i32
      %dma_start3A_13 = tpu.memref_slice %arg6[%arg0, %mul3A_12, %dma_start3A] : memref<2x10240x128xf32, #tpu.memory_space<hbm>> -> memref<1x640x128xf32, #tpu.memory_space<hbm>>
      %dma_start3A_14 = tpu.memref_squeeze %dma_start3A_13 : memref<1x640x128xf32, #tpu.memory_space<hbm>> -> memref<640x128xf32, #tpu.memory_space<hbm>>
      %dma_start3A_15 = arith.constant 0 : i32
      %dma_start3A_16 = tpu.memref_slice %arg11[%mul3A_10, %dma_start3A_15] : memref<10240x128xf32, #tpu.memory_space<vmem_shared>> -> memref<640x128xf32, #tpu.memory_space<vmem_shared>>
      tpu.enqueue_dma source(%dma_start3A_16 : memref<640x128xf32, #tpu.memory_space<vmem_shared>>) target(%dma_start3A_14 : memref<640x128xf32, #tpu.memory_space<hbm>>) target_semaphore(%run_scoped3A : memref<!tpu.dma_semaphore, #tpu.memory_space<semaphore_mem>>)
      %dma_wait3A = arith.constant 0 : i32
      %dma_wait3A_17 = tpu.memref_slice %arg6[%arg0, %mul3A_12, %dma_wait3A] : memref<2x10240x128xf32, #tpu.memory_space<hbm>> -> memref<1x640x128xf32, #tpu.memory_space<hbm>>
      %dma_wait3A_18 = tpu.memref_squeeze %dma_wait3A_17 : memref<1x640x128xf32, #tpu.memory_space<hbm>> -> memref<640x128xf32, #tpu.memory_space<hbm>>
      %dma_wait3A_19 = arith.constant 0 : i32
      %dma_wait3A_20 = tpu.memref_slice %arg11[%mul3A_10, %dma_wait3A_19] : memref<10240x128xf32, #tpu.memory_space<vmem_shared>> -> memref<640x128xf32, #tpu.memory_space<vmem_shared>>
      tpu.wait_dma2 semaphore(%run_scoped3A : memref<!tpu.dma_semaphore, #tpu.memory_space<semaphore_mem>>) src(%dma_wait3A_20 : memref<640x128xf32, #tpu.memory_space<vmem_shared>>) dst(%dma_wait3A_18 : memref<640x128xf32, #tpu.memory_space<hbm>>)
      tpu.yield
    }) : () -> ()
    return
  }
}

#map = affine_map<(d0, d1) -> (0, 0)>
#map1 = affine_map<(d0, d1) -> (0, 0, 0)>
module attributes {stable_mosaic.version = 14 : i64} {
  func.func @_sc_scatter(%arg0: i32, %arg1: i32, %arg2: memref<20000x128xf32, #tpu.memory_space<hbm>>, %arg3: memref<2x2560x128xi32, #tpu.memory_space<hbm>>, %arg4: memref<2560x128xi32, #tpu.memory_space<hbm>>, %arg5: memref<2x10240x128xf32, #tpu.memory_space<hbm>>, %arg6: memref<2x10240x128xf32, #tpu.memory_space<hbm>>, %arg7: memref<32x128xi32, #tpu.memory_space<vmem>>, %arg8: memref<32x128xi32, #tpu.memory_space<vmem>>, %arg9: memref<128x128xf32, #tpu.memory_space<vmem>>, %arg10: memref<128x128xf32, #tpu.memory_space<vmem>>, %arg11: memref<10240x128xf32, #tpu.memory_space<vmem_shared>>, %arg12: memref<!tpu.dma_semaphore, #tpu.memory_space<semaphore_mem>>, %arg13: memref<!tpu.dma_semaphore, #tpu.memory_space<semaphore_mem>>) attributes {dimension_semantics = [#tpu.dimension_semantics<core_parallel>, #tpu.dimension_semantics<subcore_parallel>], iteration_bounds = array<i64: 2, 16>, scalar_prefetch = 0 : i64, scratch_operands = 7 : i64, tpu.core_type = #tpu.core_type<sc_vector_subcore>, window_params = [{transform_indices = #map}, {transform_indices = #map1}, {transform_indices = #map}, {transform_indices = #map1}, {transform_indices = #map1}]} {
    %mul3A = arith.constant 640 : i32
    %mul3A_0 = arith.muli %arg1, %mul3A : i32
    %mul3A_1 = arith.constant 640 : i32
    %mul3A_2 = arith.muli %arg1, %mul3A_1 : i32
    "tpu.region"() ({
      %run_scoped3A = tpu.sem_alloc : memref<!tpu.dma_semaphore, #tpu.memory_space<semaphore_mem>>
      %dma_start3A = arith.constant 0 : i32
      %dma_start3A_13 = tpu.memref_slice %arg11[%mul3A_2, %dma_start3A] : memref<10240x128xf32, #tpu.memory_space<vmem_shared>> -> memref<640x128xf32, #tpu.memory_space<vmem_shared>>
      %dma_start3A_14 = arith.constant 0 : i32
      %dma_start3A_15 = tpu.memref_slice %arg5[%arg0, %mul3A_0, %dma_start3A_14] : memref<2x10240x128xf32, #tpu.memory_space<hbm>> -> memref<1x640x128xf32, #tpu.memory_space<hbm>>
      %dma_start3A_16 = tpu.memref_squeeze %dma_start3A_15 : memref<1x640x128xf32, #tpu.memory_space<hbm>> -> memref<640x128xf32, #tpu.memory_space<hbm>>
      tpu.enqueue_dma source(%dma_start3A_16 : memref<640x128xf32, #tpu.memory_space<hbm>>) target(%dma_start3A_13 : memref<640x128xf32, #tpu.memory_space<vmem_shared>>) target_semaphore(%run_scoped3A : memref<!tpu.dma_semaphore, #tpu.memory_space<semaphore_mem>>)
      %dma_wait3A = arith.constant 0 : i32
      %dma_wait3A_17 = tpu.memref_slice %arg11[%mul3A_2, %dma_wait3A] : memref<10240x128xf32, #tpu.memory_space<vmem_shared>> -> memref<640x128xf32, #tpu.memory_space<vmem_shared>>
      %dma_wait3A_18 = arith.constant 0 : i32
      %dma_wait3A_19 = tpu.memref_slice %arg5[%arg0, %mul3A_0, %dma_wait3A_18] : memref<2x10240x128xf32, #tpu.memory_space<hbm>> -> memref<1x640x128xf32, #tpu.memory_space<hbm>>
      %dma_wait3A_20 = tpu.memref_squeeze %dma_wait3A_19 : memref<1x640x128xf32, #tpu.memory_space<hbm>> -> memref<640x128xf32, #tpu.memory_space<hbm>>
      tpu.wait_dma2 semaphore(%run_scoped3A : memref<!tpu.dma_semaphore, #tpu.memory_space<semaphore_mem>>) src(%dma_wait3A_20 : memref<640x128xf32, #tpu.memory_space<hbm>>) dst(%dma_wait3A_17 : memref<640x128xf32, #tpu.memory_space<vmem_shared>>)
      tpu.yield
    }) : () -> ()
    %barrier3A = arith.constant 0 : index
    tpu.barrier barrier_id(%barrier3A)
    %scan3A = arith.constant 0 : i32
    %scan3A_3 = arith.constant 0 : i32
    %scan3A_4 = arith.constant 5 : i32
    %scan3A_5 = arith.addi %scan3A_3, %scan3A_4 : i32
    %scan3A_6 = arith.constant 1 : i32
    scf.for %scan3A_13 = %scan3A_3 to %scan3A_5 step %scan3A_6  : i32 {
      %mul3A_14 = arith.constant 160 : i32
      %mul3A_15 = arith.muli %arg1, %mul3A_14 : i32
      %mul3A_16 = arith.constant 32 : i32
      %mul3A_17 = arith.muli %scan3A_13, %mul3A_16 : i32
      %add3A = arith.addi %mul3A_15, %mul3A_17 : i32
      "tpu.region"() ({
        %run_scoped3A_51 = tpu.sem_alloc : memref<!tpu.dma_semaphore, #tpu.memory_space<semaphore_mem>>
        %dma_start3A_52 = arith.constant 0 : i32
        %dma_start3A_53 = tpu.memref_slice %arg3[%arg0, %add3A, %dma_start3A_52] : memref<2x2560x128xi32, #tpu.memory_space<hbm>> -> memref<1x32x128xi32, #tpu.memory_space<hbm>>
        %dma_start3A_54 = tpu.memref_squeeze %dma_start3A_53 : memref<1x32x128xi32, #tpu.memory_space<hbm>> -> memref<32x128xi32, #tpu.memory_space<hbm>>
        %dma_start3A_55 = arith.constant 0 : i32
        %dma_start3A_56 = tpu.memref_slice %arg3[%arg0, %add3A, %dma_start3A_55] : memref<2x2560x128xi32, #tpu.memory_space<hbm>> -> memref<1x32x128xi32, #tpu.memory_space<hbm>>
        %dma_start3A_57 = tpu.memref_squeeze %dma_start3A_56 : memref<1x32x128xi32, #tpu.memory_space<hbm>> -> memref<32x128xi32, #tpu.memory_space<hbm>>
        tpu.enqueue_dma source(%dma_start3A_57 : memref<32x128xi32, #tpu.memory_space<hbm>>) target(%arg7 : memref<32x128xi32, #tpu.memory_space<vmem>>) target_semaphore(%run_scoped3A_51 : memref<!tpu.dma_semaphore, #tpu.memory_space<semaphore_mem>>)
        %dma_wait3A_58 = arith.constant 0 : i32
        %dma_wait3A_59 = tpu.memref_slice %arg3[%arg0, %add3A, %dma_wait3A_58] : memref<2x2560x128xi32, #tpu.memory_space<hbm>> -> memref<1x32x128xi32, #tpu.memory_space<hbm>>
        %dma_wait3A_60 = tpu.memref_squeeze %dma_wait3A_59 : memref<1x32x128xi32, #tpu.memory_space<hbm>> -> memref<32x128xi32, #tpu.memory_space<hbm>>
        %dma_wait3A_61 = arith.constant 0 : i32
        %dma_wait3A_62 = tpu.memref_slice %arg3[%arg0, %add3A, %dma_wait3A_61] : memref<2x2560x128xi32, #tpu.memory_space<hbm>> -> memref<1x32x128xi32, #tpu.memory_space<hbm>>
        %dma_wait3A_63 = tpu.memref_squeeze %dma_wait3A_62 : memref<1x32x128xi32, #tpu.memory_space<hbm>> -> memref<32x128xi32, #tpu.memory_space<hbm>>
        tpu.wait_dma2 semaphore(%run_scoped3A_51 : memref<!tpu.dma_semaphore, #tpu.memory_space<semaphore_mem>>) src(%dma_wait3A_63 : memref<32x128xi32, #tpu.memory_space<hbm>>) dst(%arg7 : memref<32x128xi32, #tpu.memory_space<vmem>>)
        tpu.yield
      }) : () -> ()
      "tpu.region"() ({
        %run_scoped3A_51 = tpu.sem_alloc : memref<!tpu.dma_semaphore, #tpu.memory_space<semaphore_mem>>
        %dma_start3A_52 = arith.constant 0 : i32
        %dma_start3A_53 = tpu.memref_slice %arg4[%add3A, %dma_start3A_52] : memref<2560x128xi32, #tpu.memory_space<hbm>> -> memref<32x128xi32, #tpu.memory_space<hbm>>
        %dma_start3A_54 = arith.constant 0 : i32
        %dma_start3A_55 = tpu.memref_slice %arg4[%add3A, %dma_start3A_54] : memref<2560x128xi32, #tpu.memory_space<hbm>> -> memref<32x128xi32, #tpu.memory_space<hbm>>
        tpu.enqueue_dma source(%dma_start3A_55 : memref<32x128xi32, #tpu.memory_space<hbm>>) target(%arg8 : memref<32x128xi32, #tpu.memory_space<vmem>>) target_semaphore(%run_scoped3A_51 : memref<!tpu.dma_semaphore, #tpu.memory_space<semaphore_mem>>)
        %dma_wait3A_56 = arith.constant 0 : i32
        %dma_wait3A_57 = tpu.memref_slice %arg4[%add3A, %dma_wait3A_56] : memref<2560x128xi32, #tpu.memory_space<hbm>> -> memref<32x128xi32, #tpu.memory_space<hbm>>
        %dma_wait3A_58 = arith.constant 0 : i32
        %dma_wait3A_59 = tpu.memref_slice %arg4[%add3A, %dma_wait3A_58] : memref<2560x128xi32, #tpu.memory_space<hbm>> -> memref<32x128xi32, #tpu.memory_space<hbm>>
        tpu.wait_dma2 semaphore(%run_scoped3A_51 : memref<!tpu.dma_semaphore, #tpu.memory_space<semaphore_mem>>) src(%dma_wait3A_59 : memref<32x128xi32, #tpu.memory_space<hbm>>) dst(%arg8 : memref<32x128xi32, #tpu.memory_space<vmem>>)
        tpu.yield
      }) : () -> ()
      %dma_start3A = arith.constant 0 : i32
      %dma_start3A_18 = arith.constant 0 : i32
      %dma_start3A_19 = tpu.memref_slice %arg7[%dma_start3A, %dma_start3A_18] : memref<32x128xi32, #tpu.memory_space<vmem>> -> memref<1x128xi32, #tpu.memory_space<vmem>>
      %dma_start3A_20 = tpu.memref_squeeze %dma_start3A_19 : memref<1x128xi32, #tpu.memory_space<vmem>> -> memref<128xi32, #tpu.memory_space<vmem>>
      %dma_start3A_21 = arith.constant 0 : i32
      %dma_start3A_22 = arith.constant 0 : i32
      %dma_start3A_23 = tpu.memref_slice %arg2[%dma_start3A_21, %dma_start3A_22] : memref<20000x128xf32, #tpu.memory_space<hbm>> -> memref<20000x128xf32, #tpu.memory_space<hbm>>
      tpu.enqueue_indirect_dma source(%dma_start3A_23 : memref<20000x128xf32, #tpu.memory_space<hbm>>) target(%arg9 : memref<128x128xf32, #tpu.memory_space<vmem>>) offsets(%dma_start3A_20 : memref<128xi32, #tpu.memory_space<vmem>>) semaphore(%arg12 : memref<!tpu.dma_semaphore, #tpu.memory_space<semaphore_mem>>)
      %dma_start3A_24 = arith.constant 1 : i32
      %dma_start3A_25 = arith.constant 0 : i32
      %dma_start3A_26 = tpu.memref_slice %arg7[%dma_start3A_24, %dma_start3A_25] : memref<32x128xi32, #tpu.memory_space<vmem>> -> memref<1x128xi32, #tpu.memory_space<vmem>>
      %dma_start3A_27 = tpu.memref_squeeze %dma_start3A_26 : memref<1x128xi32, #tpu.memory_space<vmem>> -> memref<128xi32, #tpu.memory_space<vmem>>
      %dma_start3A_28 = arith.constant 0 : i32
      %dma_start3A_29 = arith.constant 0 : i32
      %dma_start3A_30 = tpu.memref_slice %arg2[%dma_start3A_28, %dma_start3A_29] : memref<20000x128xf32, #tpu.memory_space<hbm>> -> memref<20000x128xf32, #tpu.memory_space<hbm>>
      tpu.enqueue_indirect_dma source(%dma_start3A_30 : memref<20000x128xf32, #tpu.memory_space<hbm>>) target(%arg10 : memref<128x128xf32, #tpu.memory_space<vmem>>) offsets(%dma_start3A_27 : memref<128xi32, #tpu.memory_space<vmem>>) semaphore(%arg13 : memref<!tpu.dma_semaphore, #tpu.memory_space<semaphore_mem>>)
      %scan3A_31 = arith.constant 0 : i32
      %scan3A_32 = arith.constant 0 : i32
      %scan3A_33 = arith.constant 15 : i32
      %scan3A_34 = arith.addi %scan3A_32, %scan3A_33 : i32
      %scan3A_35 = arith.constant 1 : i32
      scf.for %scan3A_51 = %scan3A_32 to %scan3A_34 step %scan3A_35  : i32 {
        %mul3A_52 = arith.constant 2 : i32
        %mul3A_53 = arith.muli %mul3A_52, %scan3A_51 : i32
        %dma_wait3A_54 = arith.constant 0 : i32
        %dma_wait3A_55 = tpu.memref_slice %arg7[%mul3A_53, %dma_wait3A_54] : memref<32x128xi32, #tpu.memory_space<vmem>> -> memref<1x128xi32, #tpu.memory_space<vmem>>
        %dma_wait3A_56 = tpu.memref_squeeze %dma_wait3A_55 : memref<1x128xi32, #tpu.memory_space<vmem>> -> memref<128xi32, #tpu.memory_space<vmem>>
        %dma_wait3A_57 = arith.constant 0 : i32
        %dma_wait3A_58 = arith.constant 0 : i32
        %dma_wait3A_59 = tpu.memref_slice %arg2[%dma_wait3A_57, %dma_wait3A_58] : memref<20000x128xf32, #tpu.memory_space<hbm>> -> memref<20000x128xf32, #tpu.memory_space<hbm>>
        tpu.wait_indirect_dma semaphore(%arg12 : memref<!tpu.dma_semaphore, #tpu.memory_space<semaphore_mem>>) src(%dma_wait3A_59 : memref<20000x128xf32, #tpu.memory_space<hbm>>) dst(%arg9 : memref<128x128xf32, #tpu.memory_space<vmem>>)
        "tpu.region"() ({
          %run_scoped3A_84 = tpu.sem_alloc : memref<!tpu.dma_semaphore, #tpu.memory_space<semaphore_mem>>
          %dma_start3A_85 = arith.constant 0 : i32
          %dma_start3A_86 = tpu.memref_slice %arg8[%mul3A_53, %dma_start3A_85] : memref<32x128xi32, #tpu.memory_space<vmem>> -> memref<1x128xi32, #tpu.memory_space<vmem>>
          %dma_start3A_87 = tpu.memref_squeeze %dma_start3A_86 : memref<1x128xi32, #tpu.memory_space<vmem>> -> memref<128xi32, #tpu.memory_space<vmem>>
          %dma_start3A_88 = arith.constant 0 : i32
          %dma_start3A_89 = arith.constant 0 : i32
          %dma_start3A_90 = tpu.memref_slice %arg11[%dma_start3A_88, %dma_start3A_89] : memref<10240x128xf32, #tpu.memory_space<vmem_shared>> -> memref<10240x128xf32, #tpu.memory_space<vmem_shared>>
          tpu.enqueue_indirect_dma source(%arg9 : memref<128x128xf32, #tpu.memory_space<vmem>>) target(%dma_start3A_90 : memref<10240x128xf32, #tpu.memory_space<vmem_shared>>) offsets(%dma_start3A_87 : memref<128xi32, #tpu.memory_space<vmem>>) semaphore(%run_scoped3A_84 : memref<!tpu.dma_semaphore, #tpu.memory_space<semaphore_mem>>) {add = true}
          %dma_wait3A_91 = arith.constant 0 : i32
          %dma_wait3A_92 = tpu.memref_slice %arg8[%mul3A_53, %dma_wait3A_91] : memref<32x128xi32, #tpu.memory_space<vmem>> -> memref<1x128xi32, #tpu.memory_space<vmem>>
          %dma_wait3A_93 = tpu.memref_squeeze %dma_wait3A_92 : memref<1x128xi32, #tpu.memory_space<vmem>> -> memref<128xi32, #tpu.memory_space<vmem>>
          %dma_wait3A_94 = arith.constant 0 : i32
          %dma_wait3A_95 = arith.constant 0 : i32
          %dma_wait3A_96 = tpu.memref_slice %arg11[%dma_wait3A_94, %dma_wait3A_95] : memref<10240x128xf32, #tpu.memory_space<vmem_shared>> -> memref<10240x128xf32, #tpu.memory_space<vmem_shared>>
          tpu.wait_indirect_dma semaphore(%run_scoped3A_84 : memref<!tpu.dma_semaphore, #tpu.memory_space<semaphore_mem>>) src(%arg9 : memref<128x128xf32, #tpu.memory_space<vmem>>) dst(%dma_wait3A_96 : memref<10240x128xf32, #tpu.memory_space<vmem_shared>>)
          tpu.yield
        }) : () -> ()
        %add3A_60 = arith.constant 2 : i32
        %add3A_61 = arith.addi %mul3A_53, %add3A_60 : i32
        %dma_start3A_62 = arith.constant 0 : i32
        %dma_start3A_63 = tpu.memref_slice %arg7[%add3A_61, %dma_start3A_62] : memref<32x128xi32, #tpu.memory_space<vmem>> -> memref<1x128xi32, #tpu.memory_space<vmem>>
        %dma_start3A_64 = tpu.memref_squeeze %dma_start3A_63 : memref<1x128xi32, #tpu.memory_space<vmem>> -> memref<128xi32, #tpu.memory_space<vmem>>
        %dma_start3A_65 = arith.constant 0 : i32
        %dma_start3A_66 = arith.constant 0 : i32
        %dma_start3A_67 = tpu.memref_slice %arg2[%dma_start3A_65, %dma_start3A_66] : memref<20000x128xf32, #tpu.memory_space<hbm>> -> memref<20000x128xf32, #tpu.memory_space<hbm>>
        tpu.enqueue_indirect_dma source(%dma_start3A_67 : memref<20000x128xf32, #tpu.memory_space<hbm>>) target(%arg9 : memref<128x128xf32, #tpu.memory_space<vmem>>) offsets(%dma_start3A_64 : memref<128xi32, #tpu.memory_space<vmem>>) semaphore(%arg12 : memref<!tpu.dma_semaphore, #tpu.memory_space<semaphore_mem>>)
        %add3A_68 = arith.constant 1 : i32
        %add3A_69 = arith.addi %mul3A_53, %add3A_68 : i32
        %dma_wait3A_70 = arith.constant 0 : i32
        %dma_wait3A_71 = tpu.memref_slice %arg7[%add3A_69, %dma_wait3A_70] : memref<32x128xi32, #tpu.memory_space<vmem>> -> memref<1x128xi32, #tpu.memory_space<vmem>>
        %dma_wait3A_72 = tpu.memref_squeeze %dma_wait3A_71 : memref<1x128xi32, #tpu.memory_space<vmem>> -> memref<128xi32, #tpu.memory_space<vmem>>
        %dma_wait3A_73 = arith.constant 0 : i32
        %dma_wait3A_74 = arith.constant 0 : i32
        %dma_wait3A_75 = tpu.memref_slice %arg2[%dma_wait3A_73, %dma_wait3A_74] : memref<20000x128xf32, #tpu.memory_space<hbm>> -> memref<20000x128xf32, #tpu.memory_space<hbm>>
        tpu.wait_indirect_dma semaphore(%arg13 : memref<!tpu.dma_semaphore, #tpu.memory_space<semaphore_mem>>) src(%dma_wait3A_75 : memref<20000x128xf32, #tpu.memory_space<hbm>>) dst(%arg10 : memref<128x128xf32, #tpu.memory_space<vmem>>)
        "tpu.region"() ({
          %run_scoped3A_84 = tpu.sem_alloc : memref<!tpu.dma_semaphore, #tpu.memory_space<semaphore_mem>>
          %dma_start3A_85 = arith.constant 0 : i32
          %dma_start3A_86 = tpu.memref_slice %arg8[%add3A_69, %dma_start3A_85] : memref<32x128xi32, #tpu.memory_space<vmem>> -> memref<1x128xi32, #tpu.memory_space<vmem>>
          %dma_start3A_87 = tpu.memref_squeeze %dma_start3A_86 : memref<1x128xi32, #tpu.memory_space<vmem>> -> memref<128xi32, #tpu.memory_space<vmem>>
          %dma_start3A_88 = arith.constant 0 : i32
          %dma_start3A_89 = arith.constant 0 : i32
          %dma_start3A_90 = tpu.memref_slice %arg11[%dma_start3A_88, %dma_start3A_89] : memref<10240x128xf32, #tpu.memory_space<vmem_shared>> -> memref<10240x128xf32, #tpu.memory_space<vmem_shared>>
          tpu.enqueue_indirect_dma source(%arg10 : memref<128x128xf32, #tpu.memory_space<vmem>>) target(%dma_start3A_90 : memref<10240x128xf32, #tpu.memory_space<vmem_shared>>) offsets(%dma_start3A_87 : memref<128xi32, #tpu.memory_space<vmem>>) semaphore(%run_scoped3A_84 : memref<!tpu.dma_semaphore, #tpu.memory_space<semaphore_mem>>) {add = true}
          %dma_wait3A_91 = arith.constant 0 : i32
          %dma_wait3A_92 = tpu.memref_slice %arg8[%add3A_69, %dma_wait3A_91] : memref<32x128xi32, #tpu.memory_space<vmem>> -> memref<1x128xi32, #tpu.memory_space<vmem>>
          %dma_wait3A_93 = tpu.memref_squeeze %dma_wait3A_92 : memref<1x128xi32, #tpu.memory_space<vmem>> -> memref<128xi32, #tpu.memory_space<vmem>>
          %dma_wait3A_94 = arith.constant 0 : i32
          %dma_wait3A_95 = arith.constant 0 : i32
          %dma_wait3A_96 = tpu.memref_slice %arg11[%dma_wait3A_94, %dma_wait3A_95] : memref<10240x128xf32, #tpu.memory_space<vmem_shared>> -> memref<10240x128xf32, #tpu.memory_space<vmem_shared>>
          tpu.wait_indirect_dma semaphore(%run_scoped3A_84 : memref<!tpu.dma_semaphore, #tpu.memory_space<semaphore_mem>>) src(%arg10 : memref<128x128xf32, #tpu.memory_space<vmem>>) dst(%dma_wait3A_96 : memref<10240x128xf32, #tpu.memory_space<vmem_shared>>)
          tpu.yield
        }) : () -> ()
        %add3A_76 = arith.constant 3 : i32
        %add3A_77 = arith.addi %mul3A_53, %add3A_76 : i32
        %dma_start3A_78 = arith.constant 0 : i32
        %dma_start3A_79 = tpu.memref_slice %arg7[%add3A_77, %dma_start3A_78] : memref<32x128xi32, #tpu.memory_space<vmem>> -> memref<1x128xi32, #tpu.memory_space<vmem>>
        %dma_start3A_80 = tpu.memref_squeeze %dma_start3A_79 : memref<1x128xi32, #tpu.memory_space<vmem>> -> memref<128xi32, #tpu.memory_space<vmem>>
        %dma_start3A_81 = arith.constant 0 : i32
        %dma_start3A_82 = arith.constant 0 : i32
        %dma_start3A_83 = tpu.memref_slice %arg2[%dma_start3A_81, %dma_start3A_82] : memref<20000x128xf32, #tpu.memory_space<hbm>> -> memref<20000x128xf32, #tpu.memory_space<hbm>>
        tpu.enqueue_indirect_dma source(%dma_start3A_83 : memref<20000x128xf32, #tpu.memory_space<hbm>>) target(%arg10 : memref<128x128xf32, #tpu.memory_space<vmem>>) offsets(%dma_start3A_80 : memref<128xi32, #tpu.memory_space<vmem>>) semaphore(%arg13 : memref<!tpu.dma_semaphore, #tpu.memory_space<semaphore_mem>>)
      }
      %scan3A_36 = arith.constant 15 : i32
      %dma_wait3A = arith.constant 30 : i32
      %dma_wait3A_37 = arith.constant 0 : i32
      %dma_wait3A_38 = tpu.memref_slice %arg7[%dma_wait3A, %dma_wait3A_37] : memref<32x128xi32, #tpu.memory_space<vmem>> -> memref<1x128xi32, #tpu.memory_space<vmem>>
      %dma_wait3A_39 = tpu.memref_squeeze %dma_wait3A_38 : memref<1x128xi32, #tpu.memory_space<vmem>> -> memref<128xi32, #tpu.memory_space<vmem>>
      %dma_wait3A_40 = arith.constant 0 : i32
      %dma_wait3A_41 = arith.constant 0 : i32
      %dma_wait3A_42 = tpu.memref_slice %arg2[%dma_wait3A_40, %dma_wait3A_41] : memref<20000x128xf32, #tpu.memory_space<hbm>> -> memref<20000x128xf32, #tpu.memory_space<hbm>>
      tpu.wait_indirect_dma semaphore(%arg12 : memref<!tpu.dma_semaphore, #tpu.memory_space<semaphore_mem>>) src(%dma_wait3A_42 : memref<20000x128xf32, #tpu.memory_space<hbm>>) dst(%arg9 : memref<128x128xf32, #tpu.memory_space<vmem>>)
      %run_scoped3A = arith.constant 30 : i32
      "tpu.region"() ({
        %run_scoped3A_51 = tpu.sem_alloc : memref<!tpu.dma_semaphore, #tpu.memory_space<semaphore_mem>>
        %dma_start3A_52 = arith.constant 0 : i32
        %dma_start3A_53 = tpu.memref_slice %arg8[%run_scoped3A, %dma_start3A_52] : memref<32x128xi32, #tpu.memory_space<vmem>> -> memref<1x128xi32, #tpu.memory_space<vmem>>
        %dma_start3A_54 = tpu.memref_squeeze %dma_start3A_53 : memref<1x128xi32, #tpu.memory_space<vmem>> -> memref<128xi32, #tpu.memory_space<vmem>>
        %dma_start3A_55 = arith.constant 0 : i32
        %dma_start3A_56 = arith.constant 0 : i32
        %dma_start3A_57 = tpu.memref_slice %arg11[%dma_start3A_55, %dma_start3A_56] : memref<10240x128xf32, #tpu.memory_space<vmem_shared>> -> memref<10240x128xf32, #tpu.memory_space<vmem_shared>>
        tpu.enqueue_indirect_dma source(%arg9 : memref<128x128xf32, #tpu.memory_space<vmem>>) target(%dma_start3A_57 : memref<10240x128xf32, #tpu.memory_space<vmem_shared>>) offsets(%dma_start3A_54 : memref<128xi32, #tpu.memory_space<vmem>>) semaphore(%run_scoped3A_51 : memref<!tpu.dma_semaphore, #tpu.memory_space<semaphore_mem>>) {add = true}
        %dma_wait3A_58 = arith.constant 0 : i32
        %dma_wait3A_59 = tpu.memref_slice %arg8[%run_scoped3A, %dma_wait3A_58] : memref<32x128xi32, #tpu.memory_space<vmem>> -> memref<1x128xi32, #tpu.memory_space<vmem>>
        %dma_wait3A_60 = tpu.memref_squeeze %dma_wait3A_59 : memref<1x128xi32, #tpu.memory_space<vmem>> -> memref<128xi32, #tpu.memory_space<vmem>>
        %dma_wait3A_61 = arith.constant 0 : i32
        %dma_wait3A_62 = arith.constant 0 : i32
        %dma_wait3A_63 = tpu.memref_slice %arg11[%dma_wait3A_61, %dma_wait3A_62] : memref<10240x128xf32, #tpu.memory_space<vmem_shared>> -> memref<10240x128xf32, #tpu.memory_space<vmem_shared>>
        tpu.wait_indirect_dma semaphore(%run_scoped3A_51 : memref<!tpu.dma_semaphore, #tpu.memory_space<semaphore_mem>>) src(%arg9 : memref<128x128xf32, #tpu.memory_space<vmem>>) dst(%dma_wait3A_63 : memref<10240x128xf32, #tpu.memory_space<vmem_shared>>)
        tpu.yield
      }) : () -> ()
      %dma_wait3A_43 = arith.constant 31 : i32
      %dma_wait3A_44 = arith.constant 0 : i32
      %dma_wait3A_45 = tpu.memref_slice %arg7[%dma_wait3A_43, %dma_wait3A_44] : memref<32x128xi32, #tpu.memory_space<vmem>> -> memref<1x128xi32, #tpu.memory_space<vmem>>
      %dma_wait3A_46 = tpu.memref_squeeze %dma_wait3A_45 : memref<1x128xi32, #tpu.memory_space<vmem>> -> memref<128xi32, #tpu.memory_space<vmem>>
      %dma_wait3A_47 = arith.constant 0 : i32
      %dma_wait3A_48 = arith.constant 0 : i32
      %dma_wait3A_49 = tpu.memref_slice %arg2[%dma_wait3A_47, %dma_wait3A_48] : memref<20000x128xf32, #tpu.memory_space<hbm>> -> memref<20000x128xf32, #tpu.memory_space<hbm>>
      tpu.wait_indirect_dma semaphore(%arg13 : memref<!tpu.dma_semaphore, #tpu.memory_space<semaphore_mem>>) src(%dma_wait3A_49 : memref<20000x128xf32, #tpu.memory_space<hbm>>) dst(%arg10 : memref<128x128xf32, #tpu.memory_space<vmem>>)
      %run_scoped3A_50 = arith.constant 31 : i32
      "tpu.region"() ({
        %run_scoped3A_51 = tpu.sem_alloc : memref<!tpu.dma_semaphore, #tpu.memory_space<semaphore_mem>>
        %dma_start3A_52 = arith.constant 0 : i32
        %dma_start3A_53 = tpu.memref_slice %arg8[%run_scoped3A_50, %dma_start3A_52] : memref<32x128xi32, #tpu.memory_space<vmem>> -> memref<1x128xi32, #tpu.memory_space<vmem>>
        %dma_start3A_54 = tpu.memref_squeeze %dma_start3A_53 : memref<1x128xi32, #tpu.memory_space<vmem>> -> memref<128xi32, #tpu.memory_space<vmem>>
        %dma_start3A_55 = arith.constant 0 : i32
        %dma_start3A_56 = arith.constant 0 : i32
        %dma_start3A_57 = tpu.memref_slice %arg11[%dma_start3A_55, %dma_start3A_56] : memref<10240x128xf32, #tpu.memory_space<vmem_shared>> -> memref<10240x128xf32, #tpu.memory_space<vmem_shared>>
        tpu.enqueue_indirect_dma source(%arg10 : memref<128x128xf32, #tpu.memory_space<vmem>>) target(%dma_start3A_57 : memref<10240x128xf32, #tpu.memory_space<vmem_shared>>) offsets(%dma_start3A_54 : memref<128xi32, #tpu.memory_space<vmem>>) semaphore(%run_scoped3A_51 : memref<!tpu.dma_semaphore, #tpu.memory_space<semaphore_mem>>) {add = true}
        %dma_wait3A_58 = arith.constant 0 : i32
        %dma_wait3A_59 = tpu.memref_slice %arg8[%run_scoped3A_50, %dma_wait3A_58] : memref<32x128xi32, #tpu.memory_space<vmem>> -> memref<1x128xi32, #tpu.memory_space<vmem>>
        %dma_wait3A_60 = tpu.memref_squeeze %dma_wait3A_59 : memref<1x128xi32, #tpu.memory_space<vmem>> -> memref<128xi32, #tpu.memory_space<vmem>>
        %dma_wait3A_61 = arith.constant 0 : i32
        %dma_wait3A_62 = arith.constant 0 : i32
        %dma_wait3A_63 = tpu.memref_slice %arg11[%dma_wait3A_61, %dma_wait3A_62] : memref<10240x128xf32, #tpu.memory_space<vmem_shared>> -> memref<10240x128xf32, #tpu.memory_space<vmem_shared>>
        tpu.wait_indirect_dma semaphore(%run_scoped3A_51 : memref<!tpu.dma_semaphore, #tpu.memory_space<semaphore_mem>>) src(%arg10 : memref<128x128xf32, #tpu.memory_space<vmem>>) dst(%dma_wait3A_63 : memref<10240x128xf32, #tpu.memory_space<vmem_shared>>)
        tpu.yield
      }) : () -> ()
    }
    %scan3A_7 = arith.constant 5 : i32
    %barrier3A_8 = arith.constant 0 : index
    tpu.barrier barrier_id(%barrier3A_8)
    %mul3A_9 = arith.constant 640 : i32
    %mul3A_10 = arith.muli %arg1, %mul3A_9 : i32
    %mul3A_11 = arith.constant 640 : i32
    %mul3A_12 = arith.muli %arg1, %mul3A_11 : i32
    "tpu.region"() ({
      %run_scoped3A = tpu.sem_alloc : memref<!tpu.dma_semaphore, #tpu.memory_space<semaphore_mem>>
      %dma_start3A = arith.constant 0 : i32
      %dma_start3A_13 = tpu.memref_slice %arg6[%arg0, %mul3A_12, %dma_start3A] : memref<2x10240x128xf32, #tpu.memory_space<hbm>> -> memref<1x640x128xf32, #tpu.memory_space<hbm>>
      %dma_start3A_14 = tpu.memref_squeeze %dma_start3A_13 : memref<1x640x128xf32, #tpu.memory_space<hbm>> -> memref<640x128xf32, #tpu.memory_space<hbm>>
      %dma_start3A_15 = arith.constant 0 : i32
      %dma_start3A_16 = tpu.memref_slice %arg11[%mul3A_10, %dma_start3A_15] : memref<10240x128xf32, #tpu.memory_space<vmem_shared>> -> memref<640x128xf32, #tpu.memory_space<vmem_shared>>
      tpu.enqueue_dma source(%dma_start3A_16 : memref<640x128xf32, #tpu.memory_space<vmem_shared>>) target(%dma_start3A_14 : memref<640x128xf32, #tpu.memory_space<hbm>>) target_semaphore(%run_scoped3A : memref<!tpu.dma_semaphore, #tpu.memory_space<semaphore_mem>>)
      %dma_wait3A = arith.constant 0 : i32
      %dma_wait3A_17 = tpu.memref_slice %arg6[%arg0, %mul3A_12, %dma_wait3A] : memref<2x10240x128xf32, #tpu.memory_space<hbm>> -> memref<1x640x128xf32, #tpu.memory_space<hbm>>
      %dma_wait3A_18 = tpu.memref_squeeze %dma_wait3A_17 : memref<1x640x128xf32, #tpu.memory_space<hbm>> -> memref<640x128xf32, #tpu.memory_space<hbm>>
      %dma_wait3A_19 = arith.constant 0 : i32
      %dma_wait3A_20 = tpu.memref_slice %arg11[%mul3A_10, %dma_wait3A_19] : memref<10240x128xf32, #tpu.memory_space<vmem_shared>> -> memref<640x128xf32, #tpu.memory_space<vmem_shared>>
      tpu.wait_dma2 semaphore(%run_scoped3A : memref<!tpu.dma_semaphore, #tpu.memory_space<semaphore_mem>>) src(%dma_wait3A_20 : memref<640x128xf32, #tpu.memory_space<vmem_shared>>) dst(%dma_wait3A_18 : memref<640x128xf32, #tpu.memory_space<hbm>>)
      tpu.yield
    }) : () -> ()
    return
  }
}

#map = affine_map<(d0, d1) -> (0, 0, 0)>
#map1 = affine_map<(d0, d1) -> (0, 0)>
module attributes {stable_mosaic.version = 14 : i64} {
  func.func @_sc_escatter(%arg0: i32, %arg1: i32, %arg2: memref<2x320000x128xf32, #tpu.memory_space<hbm>>, %arg3: memref<2560x128xi32, #tpu.memory_space<hbm>>, %arg4: memref<2x10240x128xf32, #tpu.memory_space<hbm>>, %arg5: memref<2x10240x128xf32, #tpu.memory_space<hbm>>, %arg6: memref<32x128xi32, #tpu.memory_space<vmem>>, %arg7: memref<128x128xf32, #tpu.memory_space<vmem>>, %arg8: memref<128x128xf32, #tpu.memory_space<vmem>>, %arg9: memref<10240x128xf32, #tpu.memory_space<vmem_shared>>, %arg10: memref<!tpu.dma_semaphore, #tpu.memory_space<semaphore_mem>>, %arg11: memref<!tpu.dma_semaphore, #tpu.memory_space<semaphore_mem>>) attributes {dimension_semantics = [#tpu.dimension_semantics<core_parallel>, #tpu.dimension_semantics<subcore_parallel>], iteration_bounds = array<i64: 2, 16>, scalar_prefetch = 0 : i64, scratch_operands = 6 : i64, tpu.core_type = #tpu.core_type<sc_vector_subcore>, window_params = [{transform_indices = #map}, {transform_indices = #map1}, {transform_indices = #map}, {transform_indices = #map}]} {
    %mul3A = arith.constant 640 : i32
    %mul3A_0 = arith.muli %arg1, %mul3A : i32
    %mul3A_1 = arith.constant 640 : i32
    %mul3A_2 = arith.muli %arg1, %mul3A_1 : i32
    "tpu.region"() ({
      %run_scoped3A = tpu.sem_alloc : memref<!tpu.dma_semaphore, #tpu.memory_space<semaphore_mem>>
      %dma_start3A = arith.constant 0 : i32
      %dma_start3A_13 = tpu.memref_slice %arg9[%mul3A_2, %dma_start3A] : memref<10240x128xf32, #tpu.memory_space<vmem_shared>> -> memref<640x128xf32, #tpu.memory_space<vmem_shared>>
      %dma_start3A_14 = arith.constant 0 : i32
      %dma_start3A_15 = tpu.memref_slice %arg4[%arg0, %mul3A_0, %dma_start3A_14] : memref<2x10240x128xf32, #tpu.memory_space<hbm>> -> memref<1x640x128xf32, #tpu.memory_space<hbm>>
      %dma_start3A_16 = tpu.memref_squeeze %dma_start3A_15 : memref<1x640x128xf32, #tpu.memory_space<hbm>> -> memref<640x128xf32, #tpu.memory_space<hbm>>
      tpu.enqueue_dma source(%dma_start3A_16 : memref<640x128xf32, #tpu.memory_space<hbm>>) target(%dma_start3A_13 : memref<640x128xf32, #tpu.memory_space<vmem_shared>>) target_semaphore(%run_scoped3A : memref<!tpu.dma_semaphore, #tpu.memory_space<semaphore_mem>>)
      %dma_wait3A = arith.constant 0 : i32
      %dma_wait3A_17 = tpu.memref_slice %arg9[%mul3A_2, %dma_wait3A] : memref<10240x128xf32, #tpu.memory_space<vmem_shared>> -> memref<640x128xf32, #tpu.memory_space<vmem_shared>>
      %dma_wait3A_18 = arith.constant 0 : i32
      %dma_wait3A_19 = tpu.memref_slice %arg4[%arg0, %mul3A_0, %dma_wait3A_18] : memref<2x10240x128xf32, #tpu.memory_space<hbm>> -> memref<1x640x128xf32, #tpu.memory_space<hbm>>
      %dma_wait3A_20 = tpu.memref_squeeze %dma_wait3A_19 : memref<1x640x128xf32, #tpu.memory_space<hbm>> -> memref<640x128xf32, #tpu.memory_space<hbm>>
      tpu.wait_dma2 semaphore(%run_scoped3A : memref<!tpu.dma_semaphore, #tpu.memory_space<semaphore_mem>>) src(%dma_wait3A_20 : memref<640x128xf32, #tpu.memory_space<hbm>>) dst(%dma_wait3A_17 : memref<640x128xf32, #tpu.memory_space<vmem_shared>>)
      tpu.yield
    }) : () -> ()
    %barrier3A = arith.constant 0 : index
    tpu.barrier barrier_id(%barrier3A)
    %scan3A = arith.constant 0 : i32
    %scan3A_3 = arith.constant 0 : i32
    %scan3A_4 = arith.constant 5 : i32
    %scan3A_5 = arith.addi %scan3A_3, %scan3A_4 : i32
    %scan3A_6 = arith.constant 1 : i32
    scf.for %scan3A_13 = %scan3A_3 to %scan3A_5 step %scan3A_6  : i32 {
      %mul3A_14 = arith.constant 160 : i32
      %mul3A_15 = arith.muli %arg1, %mul3A_14 : i32
      %mul3A_16 = arith.constant 32 : i32
      %mul3A_17 = arith.muli %scan3A_13, %mul3A_16 : i32
      %add3A = arith.addi %mul3A_15, %mul3A_17 : i32
      "tpu.region"() ({
        %run_scoped3A_132 = tpu.sem_alloc : memref<!tpu.dma_semaphore, #tpu.memory_space<semaphore_mem>>
        %dma_start3A_133 = arith.constant 0 : i32
        %dma_start3A_134 = tpu.memref_slice %arg3[%add3A, %dma_start3A_133] : memref<2560x128xi32, #tpu.memory_space<hbm>> -> memref<32x128xi32, #tpu.memory_space<hbm>>
        %dma_start3A_135 = arith.constant 0 : i32
        %dma_start3A_136 = tpu.memref_slice %arg3[%add3A, %dma_start3A_135] : memref<2560x128xi32, #tpu.memory_space<hbm>> -> memref<32x128xi32, #tpu.memory_space<hbm>>
        tpu.enqueue_dma source(%dma_start3A_136 : memref<32x128xi32, #tpu.memory_space<hbm>>) target(%arg6 : memref<32x128xi32, #tpu.memory_space<vmem>>) target_semaphore(%run_scoped3A_132 : memref<!tpu.dma_semaphore, #tpu.memory_space<semaphore_mem>>)
        %dma_wait3A_137 = arith.constant 0 : i32
        %dma_wait3A_138 = tpu.memref_slice %arg3[%add3A, %dma_wait3A_137] : memref<2560x128xi32, #tpu.memory_space<hbm>> -> memref<32x128xi32, #tpu.memory_space<hbm>>
        %dma_wait3A_139 = arith.constant 0 : i32
        %dma_wait3A_140 = tpu.memref_slice %arg3[%add3A, %dma_wait3A_139] : memref<2560x128xi32, #tpu.memory_space<hbm>> -> memref<32x128xi32, #tpu.memory_space<hbm>>
        tpu.wait_dma2 semaphore(%run_scoped3A_132 : memref<!tpu.dma_semaphore, #tpu.memory_space<semaphore_mem>>) src(%dma_wait3A_140 : memref<32x128xi32, #tpu.memory_space<hbm>>) dst(%arg6 : memref<32x128xi32, #tpu.memory_space<vmem>>)
        tpu.yield
      }) : () -> ()
      %mul3A_18 = arith.constant 32 : i32
      %mul3A_19 = arith.muli %scan3A_13, %mul3A_18 : i32
      %mul3A_20 = arith.constant 156 : i32
      %mul3A_21 = arith.muli %arg1, %mul3A_20 : i32
      %add3A_22 = arith.addi %mul3A_21, %mul3A_19 : i32
      %mul3A_23 = arith.constant 128 : i32
      %mul3A_24 = arith.muli %add3A_22, %mul3A_23 : i32
      %add3A_25 = arith.constant 2496 : i32
      %add3A_26 = arith.addi %add3A_25, %arg1 : i32
      %mul3A_27 = arith.constant 128 : i32
      %mul3A_28 = arith.muli %add3A_26, %mul3A_27 : i32
      %eq3A = arith.constant 156 : i32
      %eq3A_29 = arith.cmpi eq, %mul3A_19, %eq3A : i32
      %lt3A = arith.constant 4 : i32
      %lt3A_30 = arith.cmpi slt, %arg1, %lt3A : i32
      %and3A = arith.andi %eq3A_29, %lt3A_30 : i1
      %lt3A_31 = arith.constant 156 : i32
      %lt3A_32 = arith.cmpi slt, %mul3A_19, %lt3A_31 : i32
      %jit3A = arith.constant 0 : i32
      %select_n3A = arith.select %and3A, %mul3A_28, %jit3A : i32
      %select_n3A_33 = arith.select %lt3A_32, %mul3A_24, %select_n3A : i32
      %dma_start3A = arith.constant 0 : i32
      %dma_start3A_34 = tpu.memref_slice %arg2[%arg0, %select_n3A_33, %dma_start3A] : memref<2x320000x128xf32, #tpu.memory_space<hbm>> -> memref<1x128x128xf32, #tpu.memory_space<hbm>>
      %dma_start3A_35 = tpu.memref_squeeze %dma_start3A_34 : memref<1x128x128xf32, #tpu.memory_space<hbm>> -> memref<128x128xf32, #tpu.memory_space<hbm>>
      %dma_start3A_36 = arith.constant 0 : i32
      %dma_start3A_37 = tpu.memref_slice %arg2[%arg0, %select_n3A_33, %dma_start3A_36] : memref<2x320000x128xf32, #tpu.memory_space<hbm>> -> memref<1x128x128xf32, #tpu.memory_space<hbm>>
      %dma_start3A_38 = tpu.memref_squeeze %dma_start3A_37 : memref<1x128x128xf32, #tpu.memory_space<hbm>> -> memref<128x128xf32, #tpu.memory_space<hbm>>
      tpu.enqueue_dma source(%dma_start3A_38 : memref<128x128xf32, #tpu.memory_space<hbm>>) target(%arg7 : memref<128x128xf32, #tpu.memory_space<vmem>>) target_semaphore(%arg10 : memref<!tpu.dma_semaphore, #tpu.memory_space<semaphore_mem>>)
      %mul3A_39 = arith.constant 32 : i32
      %mul3A_40 = arith.muli %scan3A_13, %mul3A_39 : i32
      %add3A_41 = arith.constant 1 : i32
      %add3A_42 = arith.addi %mul3A_40, %add3A_41 : i32
      %mul3A_43 = arith.constant 156 : i32
      %mul3A_44 = arith.muli %arg1, %mul3A_43 : i32
      %add3A_45 = arith.addi %mul3A_44, %add3A_42 : i32
      %mul3A_46 = arith.constant 128 : i32
      %mul3A_47 = arith.muli %add3A_45, %mul3A_46 : i32
      %add3A_48 = arith.constant 2496 : i32
      %add3A_49 = arith.addi %add3A_48, %arg1 : i32
      %mul3A_50 = arith.constant 128 : i32
      %mul3A_51 = arith.muli %add3A_49, %mul3A_50 : i32
      %eq3A_52 = arith.constant 156 : i32
      %eq3A_53 = arith.cmpi eq, %add3A_42, %eq3A_52 : i32
      %lt3A_54 = arith.constant 4 : i32
      %lt3A_55 = arith.cmpi slt, %arg1, %lt3A_54 : i32
      %and3A_56 = arith.andi %eq3A_53, %lt3A_55 : i1
      %lt3A_57 = arith.constant 156 : i32
      %lt3A_58 = arith.cmpi slt, %add3A_42, %lt3A_57 : i32
      %jit3A_59 = arith.constant 0 : i32
      %select_n3A_60 = arith.select %and3A_56, %mul3A_51, %jit3A_59 : i32
      %select_n3A_61 = arith.select %lt3A_58, %mul3A_47, %select_n3A_60 : i32
      %dma_start3A_62 = arith.constant 0 : i32
      %dma_start3A_63 = tpu.memref_slice %arg2[%arg0, %select_n3A_61, %dma_start3A_62] : memref<2x320000x128xf32, #tpu.memory_space<hbm>> -> memref<1x128x128xf32, #tpu.memory_space<hbm>>
      %dma_start3A_64 = tpu.memref_squeeze %dma_start3A_63 : memref<1x128x128xf32, #tpu.memory_space<hbm>> -> memref<128x128xf32, #tpu.memory_space<hbm>>
      %dma_start3A_65 = arith.constant 0 : i32
      %dma_start3A_66 = tpu.memref_slice %arg2[%arg0, %select_n3A_61, %dma_start3A_65] : memref<2x320000x128xf32, #tpu.memory_space<hbm>> -> memref<1x128x128xf32, #tpu.memory_space<hbm>>
      %dma_start3A_67 = tpu.memref_squeeze %dma_start3A_66 : memref<1x128x128xf32, #tpu.memory_space<hbm>> -> memref<128x128xf32, #tpu.memory_space<hbm>>
      tpu.enqueue_dma source(%dma_start3A_67 : memref<128x128xf32, #tpu.memory_space<hbm>>) target(%arg8 : memref<128x128xf32, #tpu.memory_space<vmem>>) target_semaphore(%arg11 : memref<!tpu.dma_semaphore, #tpu.memory_space<semaphore_mem>>)
      %scan3A_68 = arith.constant 0 : i32
      %scan3A_69 = arith.constant 0 : i32
      %scan3A_70 = arith.constant 15 : i32
      %scan3A_71 = arith.addi %scan3A_69, %scan3A_70 : i32
      %scan3A_72 = arith.constant 1 : i32
      scf.for %scan3A_132 = %scan3A_69 to %scan3A_71 step %scan3A_72  : i32 {
        %mul3A_133 = arith.constant 2 : i32
        %mul3A_134 = arith.muli %mul3A_133, %scan3A_132 : i32
        %mul3A_135 = arith.constant 32 : i32
        %mul3A_136 = arith.muli %scan3A_13, %mul3A_135 : i32
        %add3A_137 = arith.addi %mul3A_136, %mul3A_134 : i32
        %mul3A_138 = arith.constant 156 : i32
        %mul3A_139 = arith.muli %arg1, %mul3A_138 : i32
        %add3A_140 = arith.addi %mul3A_139, %add3A_137 : i32
        %mul3A_141 = arith.constant 128 : i32
        %mul3A_142 = arith.muli %add3A_140, %mul3A_141 : i32
        %add3A_143 = arith.constant 2496 : i32
        %add3A_144 = arith.addi %add3A_143, %arg1 : i32
        %mul3A_145 = arith.constant 128 : i32
        %mul3A_146 = arith.muli %add3A_144, %mul3A_145 : i32
        %eq3A_147 = arith.constant 156 : i32
        %eq3A_148 = arith.cmpi eq, %add3A_137, %eq3A_147 : i32
        %lt3A_149 = arith.constant 4 : i32
        %lt3A_150 = arith.cmpi slt, %arg1, %lt3A_149 : i32
        %and3A_151 = arith.andi %eq3A_148, %lt3A_150 : i1
        %lt3A_152 = arith.constant 156 : i32
        %lt3A_153 = arith.cmpi slt, %add3A_137, %lt3A_152 : i32
        %jit3A_154 = arith.constant 0 : i32
        %select_n3A_155 = arith.select %and3A_151, %mul3A_146, %jit3A_154 : i32
        %select_n3A_156 = arith.select %lt3A_153, %mul3A_142, %select_n3A_155 : i32
        %dma_wait3A_157 = arith.constant 0 : i32
        %dma_wait3A_158 = tpu.memref_slice %arg2[%arg0, %select_n3A_156, %dma_wait3A_157] : memref<2x320000x128xf32, #tpu.memory_space<hbm>> -> memref<1x128x128xf32, #tpu.memory_space<hbm>>
        %dma_wait3A_159 = tpu.memref_squeeze %dma_wait3A_158 : memref<1x128x128xf32, #tpu.memory_space<hbm>> -> memref<128x128xf32, #tpu.memory_space<hbm>>
        %dma_wait3A_160 = arith.constant 0 : i32
        %dma_wait3A_161 = tpu.memref_slice %arg2[%arg0, %select_n3A_156, %dma_wait3A_160] : memref<2x320000x128xf32, #tpu.memory_space<hbm>> -> memref<1x128x128xf32, #tpu.memory_space<hbm>>
        %dma_wait3A_162 = tpu.memref_squeeze %dma_wait3A_161 : memref<1x128x128xf32, #tpu.memory_space<hbm>> -> memref<128x128xf32, #tpu.memory_space<hbm>>
        tpu.wait_dma2 semaphore(%arg10 : memref<!tpu.dma_semaphore, #tpu.memory_space<semaphore_mem>>) src(%dma_wait3A_162 : memref<128x128xf32, #tpu.memory_space<hbm>>) dst(%arg7 : memref<128x128xf32, #tpu.memory_space<vmem>>)
        "tpu.region"() ({
          %run_scoped3A_253 = tpu.sem_alloc : memref<!tpu.dma_semaphore, #tpu.memory_space<semaphore_mem>>
          %dma_start3A_254 = arith.constant 0 : i32
          %dma_start3A_255 = tpu.memref_slice %arg6[%mul3A_134, %dma_start3A_254] : memref<32x128xi32, #tpu.memory_space<vmem>> -> memref<1x128xi32, #tpu.memory_space<vmem>>
          %dma_start3A_256 = tpu.memref_squeeze %dma_start3A_255 : memref<1x128xi32, #tpu.memory_space<vmem>> -> memref<128xi32, #tpu.memory_space<vmem>>
          %dma_start3A_257 = arith.constant 0 : i32
          %dma_start3A_258 = arith.constant 0 : i32
          %dma_start3A_259 = tpu.memref_slice %arg9[%dma_start3A_257, %dma_start3A_258] : memref<10240x128xf32, #tpu.memory_space<vmem_shared>> -> memref<10240x128xf32, #tpu.memory_space<vmem_shared>>
          tpu.enqueue_indirect_dma source(%arg7 : memref<128x128xf32, #tpu.memory_space<vmem>>) target(%dma_start3A_259 : memref<10240x128xf32, #tpu.memory_space<vmem_shared>>) offsets(%dma_start3A_256 : memref<128xi32, #tpu.memory_space<vmem>>) semaphore(%run_scoped3A_253 : memref<!tpu.dma_semaphore, #tpu.memory_space<semaphore_mem>>) {add = true}
          %dma_wait3A_260 = arith.constant 0 : i32
          %dma_wait3A_261 = tpu.memref_slice %arg6[%mul3A_134, %dma_wait3A_260] : memref<32x128xi32, #tpu.memory_space<vmem>> -> memref<1x128xi32, #tpu.memory_space<vmem>>
          %dma_wait3A_262 = tpu.memref_squeeze %dma_wait3A_261 : memref<1x128xi32, #tpu.memory_space<vmem>> -> memref<128xi32, #tpu.memory_space<vmem>>
          %dma_wait3A_263 = arith.constant 0 : i32
          %dma_wait3A_264 = arith.constant 0 : i32
          %dma_wait3A_265 = tpu.memref_slice %arg9[%dma_wait3A_263, %dma_wait3A_264] : memref<10240x128xf32, #tpu.memory_space<vmem_shared>> -> memref<10240x128xf32, #tpu.memory_space<vmem_shared>>
          tpu.wait_indirect_dma semaphore(%run_scoped3A_253 : memref<!tpu.dma_semaphore, #tpu.memory_space<semaphore_mem>>) src(%arg7 : memref<128x128xf32, #tpu.memory_space<vmem>>) dst(%dma_wait3A_265 : memref<10240x128xf32, #tpu.memory_space<vmem_shared>>)
          tpu.yield
        }) : () -> ()
        %mul3A_163 = arith.constant 32 : i32
        %mul3A_164 = arith.muli %scan3A_13, %mul3A_163 : i32
        %add3A_165 = arith.addi %mul3A_164, %mul3A_134 : i32
        %add3A_166 = arith.constant 2 : i32
        %add3A_167 = arith.addi %add3A_165, %add3A_166 : i32
        %mul3A_168 = arith.constant 156 : i32
        %mul3A_169 = arith.muli %arg1, %mul3A_168 : i32
        %add3A_170 = arith.addi %mul3A_169, %add3A_167 : i32
        %mul3A_171 = arith.constant 128 : i32
        %mul3A_172 = arith.muli %add3A_170, %mul3A_171 : i32
        %add3A_173 = arith.constant 2496 : i32
        %add3A_174 = arith.addi %add3A_173, %arg1 : i32
        %mul3A_175 = arith.constant 128 : i32
        %mul3A_176 = arith.muli %add3A_174, %mul3A_175 : i32
        %eq3A_177 = arith.constant 156 : i32
        %eq3A_178 = arith.cmpi eq, %add3A_167, %eq3A_177 : i32
        %lt3A_179 = arith.constant 4 : i32
        %lt3A_180 = arith.cmpi slt, %arg1, %lt3A_179 : i32
        %and3A_181 = arith.andi %eq3A_178, %lt3A_180 : i1
        %lt3A_182 = arith.constant 156 : i32
        %lt3A_183 = arith.cmpi slt, %add3A_167, %lt3A_182 : i32
        %jit3A_184 = arith.constant 0 : i32
        %select_n3A_185 = arith.select %and3A_181, %mul3A_176, %jit3A_184 : i32
        %select_n3A_186 = arith.select %lt3A_183, %mul3A_172, %select_n3A_185 : i32
        %dma_start3A_187 = arith.constant 0 : i32
        %dma_start3A_188 = tpu.memref_slice %arg2[%arg0, %select_n3A_186, %dma_start3A_187] : memref<2x320000x128xf32, #tpu.memory_space<hbm>> -> memref<1x128x128xf32, #tpu.memory_space<hbm>>
        %dma_start3A_189 = tpu.memref_squeeze %dma_start3A_188 : memref<1x128x128xf32, #tpu.memory_space<hbm>> -> memref<128x128xf32, #tpu.memory_space<hbm>>
        %dma_start3A_190 = arith.constant 0 : i32
        %dma_start3A_191 = tpu.memref_slice %arg2[%arg0, %select_n3A_186, %dma_start3A_190] : memref<2x320000x128xf32, #tpu.memory_space<hbm>> -> memref<1x128x128xf32, #tpu.memory_space<hbm>>
        %dma_start3A_192 = tpu.memref_squeeze %dma_start3A_191 : memref<1x128x128xf32, #tpu.memory_space<hbm>> -> memref<128x128xf32, #tpu.memory_space<hbm>>
        tpu.enqueue_dma source(%dma_start3A_192 : memref<128x128xf32, #tpu.memory_space<hbm>>) target(%arg7 : memref<128x128xf32, #tpu.memory_space<vmem>>) target_semaphore(%arg10 : memref<!tpu.dma_semaphore, #tpu.memory_space<semaphore_mem>>)
        %add3A_193 = arith.constant 1 : i32
        %add3A_194 = arith.addi %mul3A_134, %add3A_193 : i32
        %mul3A_195 = arith.constant 32 : i32
        %mul3A_196 = arith.muli %scan3A_13, %mul3A_195 : i32
        %add3A_197 = arith.addi %mul3A_196, %add3A_194 : i32
        %mul3A_198 = arith.constant 156 : i32
        %mul3A_199 = arith.muli %arg1, %mul3A_198 : i32
        %add3A_200 = arith.addi %mul3A_199, %add3A_197 : i32
        %mul3A_201 = arith.constant 128 : i32
        %mul3A_202 = arith.muli %add3A_200, %mul3A_201 : i32
        %add3A_203 = arith.constant 2496 : i32
        %add3A_204 = arith.addi %add3A_203, %arg1 : i32
        %mul3A_205 = arith.constant 128 : i32
        %mul3A_206 = arith.muli %add3A_204, %mul3A_205 : i32
        %eq3A_207 = arith.constant 156 : i32
        %eq3A_208 = arith.cmpi eq, %add3A_197, %eq3A_207 : i32
        %lt3A_209 = arith.constant 4 : i32
        %lt3A_210 = arith.cmpi slt, %arg1, %lt3A_209 : i32
        %and3A_211 = arith.andi %eq3A_208, %lt3A_210 : i1
        %lt3A_212 = arith.constant 156 : i32
        %lt3A_213 = arith.cmpi slt, %add3A_197, %lt3A_212 : i32
        %jit3A_214 = arith.constant 0 : i32
        %select_n3A_215 = arith.select %and3A_211, %mul3A_206, %jit3A_214 : i32
        %select_n3A_216 = arith.select %lt3A_213, %mul3A_202, %select_n3A_215 : i32
        %dma_wait3A_217 = arith.constant 0 : i32
        %dma_wait3A_218 = tpu.memref_slice %arg2[%arg0, %select_n3A_216, %dma_wait3A_217] : memref<2x320000x128xf32, #tpu.memory_space<hbm>> -> memref<1x128x128xf32, #tpu.memory_space<hbm>>
        %dma_wait3A_219 = tpu.memref_squeeze %dma_wait3A_218 : memref<1x128x128xf32, #tpu.memory_space<hbm>> -> memref<128x128xf32, #tpu.memory_space<hbm>>
        %dma_wait3A_220 = arith.constant 0 : i32
        %dma_wait3A_221 = tpu.memref_slice %arg2[%arg0, %select_n3A_216, %dma_wait3A_220] : memref<2x320000x128xf32, #tpu.memory_space<hbm>> -> memref<1x128x128xf32, #tpu.memory_space<hbm>>
        %dma_wait3A_222 = tpu.memref_squeeze %dma_wait3A_221 : memref<1x128x128xf32, #tpu.memory_space<hbm>> -> memref<128x128xf32, #tpu.memory_space<hbm>>
        tpu.wait_dma2 semaphore(%arg11 : memref<!tpu.dma_semaphore, #tpu.memory_space<semaphore_mem>>) src(%dma_wait3A_222 : memref<128x128xf32, #tpu.memory_space<hbm>>) dst(%arg8 : memref<128x128xf32, #tpu.memory_space<vmem>>)
        "tpu.region"() ({
          %run_scoped3A_253 = tpu.sem_alloc : memref<!tpu.dma_semaphore, #tpu.memory_space<semaphore_mem>>
          %dma_start3A_254 = arith.constant 0 : i32
          %dma_start3A_255 = tpu.memref_slice %arg6[%add3A_194, %dma_start3A_254] : memref<32x128xi32, #tpu.memory_space<vmem>> -> memref<1x128xi32, #tpu.memory_space<vmem>>
          %dma_start3A_256 = tpu.memref_squeeze %dma_start3A_255 : memref<1x128xi32, #tpu.memory_space<vmem>> -> memref<128xi32, #tpu.memory_space<vmem>>
          %dma_start3A_257 = arith.constant 0 : i32
          %dma_start3A_258 = arith.constant 0 : i32
          %dma_start3A_259 = tpu.memref_slice %arg9[%dma_start3A_257, %dma_start3A_258] : memref<10240x128xf32, #tpu.memory_space<vmem_shared>> -> memref<10240x128xf32, #tpu.memory_space<vmem_shared>>
          tpu.enqueue_indirect_dma source(%arg8 : memref<128x128xf32, #tpu.memory_space<vmem>>) target(%dma_start3A_259 : memref<10240x128xf32, #tpu.memory_space<vmem_shared>>) offsets(%dma_start3A_256 : memref<128xi32, #tpu.memory_space<vmem>>) semaphore(%run_scoped3A_253 : memref<!tpu.dma_semaphore, #tpu.memory_space<semaphore_mem>>) {add = true}
          %dma_wait3A_260 = arith.constant 0 : i32
          %dma_wait3A_261 = tpu.memref_slice %arg6[%add3A_194, %dma_wait3A_260] : memref<32x128xi32, #tpu.memory_space<vmem>> -> memref<1x128xi32, #tpu.memory_space<vmem>>
          %dma_wait3A_262 = tpu.memref_squeeze %dma_wait3A_261 : memref<1x128xi32, #tpu.memory_space<vmem>> -> memref<128xi32, #tpu.memory_space<vmem>>
          %dma_wait3A_263 = arith.constant 0 : i32
          %dma_wait3A_264 = arith.constant 0 : i32
          %dma_wait3A_265 = tpu.memref_slice %arg9[%dma_wait3A_263, %dma_wait3A_264] : memref<10240x128xf32, #tpu.memory_space<vmem_shared>> -> memref<10240x128xf32, #tpu.memory_space<vmem_shared>>
          tpu.wait_indirect_dma semaphore(%run_scoped3A_253 : memref<!tpu.dma_semaphore, #tpu.memory_space<semaphore_mem>>) src(%arg8 : memref<128x128xf32, #tpu.memory_space<vmem>>) dst(%dma_wait3A_265 : memref<10240x128xf32, #tpu.memory_space<vmem_shared>>)
          tpu.yield
        }) : () -> ()
        %mul3A_223 = arith.constant 32 : i32
        %mul3A_224 = arith.muli %scan3A_13, %mul3A_223 : i32
        %add3A_225 = arith.addi %mul3A_224, %mul3A_134 : i32
        %add3A_226 = arith.constant 3 : i32
        %add3A_227 = arith.addi %add3A_225, %add3A_226 : i32
        %mul3A_228 = arith.constant 156 : i32
        %mul3A_229 = arith.muli %arg1, %mul3A_228 : i32
        %add3A_230 = arith.addi %mul3A_229, %add3A_227 : i32
        %mul3A_231 = arith.constant 128 : i32
        %mul3A_232 = arith.muli %add3A_230, %mul3A_231 : i32
        %add3A_233 = arith.constant 2496 : i32
        %add3A_234 = arith.addi %add3A_233, %arg1 : i32
        %mul3A_235 = arith.constant 128 : i32
        %mul3A_236 = arith.muli %add3A_234, %mul3A_235 : i32
        %eq3A_237 = arith.constant 156 : i32
        %eq3A_238 = arith.cmpi eq, %add3A_227, %eq3A_237 : i32
        %lt3A_239 = arith.constant 4 : i32
        %lt3A_240 = arith.cmpi slt, %arg1, %lt3A_239 : i32
        %and3A_241 = arith.andi %eq3A_238, %lt3A_240 : i1
        %lt3A_242 = arith.constant 156 : i32
        %lt3A_243 = arith.cmpi slt, %add3A_227, %lt3A_242 : i32
        %jit3A_244 = arith.constant 0 : i32
        %select_n3A_245 = arith.select %and3A_241, %mul3A_236, %jit3A_244 : i32
        %select_n3A_246 = arith.select %lt3A_243, %mul3A_232, %select_n3A_245 : i32
        %dma_start3A_247 = arith.constant 0 : i32
        %dma_start3A_248 = tpu.memref_slice %arg2[%arg0, %select_n3A_246, %dma_start3A_247] : memref<2x320000x128xf32, #tpu.memory_space<hbm>> -> memref<1x128x128xf32, #tpu.memory_space<hbm>>
        %dma_start3A_249 = tpu.memref_squeeze %dma_start3A_248 : memref<1x128x128xf32, #tpu.memory_space<hbm>> -> memref<128x128xf32, #tpu.memory_space<hbm>>
        %dma_start3A_250 = arith.constant 0 : i32
        %dma_start3A_251 = tpu.memref_slice %arg2[%arg0, %select_n3A_246, %dma_start3A_250] : memref<2x320000x128xf32, #tpu.memory_space<hbm>> -> memref<1x128x128xf32, #tpu.memory_space<hbm>>
        %dma_start3A_252 = tpu.memref_squeeze %dma_start3A_251 : memref<1x128x128xf32, #tpu.memory_space<hbm>> -> memref<128x128xf32, #tpu.memory_space<hbm>>
        tpu.enqueue_dma source(%dma_start3A_252 : memref<128x128xf32, #tpu.memory_space<hbm>>) target(%arg8 : memref<128x128xf32, #tpu.memory_space<vmem>>) target_semaphore(%arg11 : memref<!tpu.dma_semaphore, #tpu.memory_space<semaphore_mem>>)
      }
      %scan3A_73 = arith.constant 15 : i32
      %mul3A_74 = arith.constant 32 : i32
      %mul3A_75 = arith.muli %scan3A_13, %mul3A_74 : i32
      %add3A_76 = arith.constant 30 : i32
      %add3A_77 = arith.addi %mul3A_75, %add3A_76 : i32
      %mul3A_78 = arith.constant 156 : i32
      %mul3A_79 = arith.muli %arg1, %mul3A_78 : i32
      %add3A_80 = arith.addi %mul3A_79, %add3A_77 : i32
      %mul3A_81 = arith.constant 128 : i32
      %mul3A_82 = arith.muli %add3A_80, %mul3A_81 : i32
      %add3A_83 = arith.constant 2496 : i32
      %add3A_84 = arith.addi %add3A_83, %arg1 : i32
      %mul3A_85 = arith.constant 128 : i32
      %mul3A_86 = arith.muli %add3A_84, %mul3A_85 : i32
      %eq3A_87 = arith.constant 156 : i32
      %eq3A_88 = arith.cmpi eq, %add3A_77, %eq3A_87 : i32
      %lt3A_89 = arith.constant 4 : i32
      %lt3A_90 = arith.cmpi slt, %arg1, %lt3A_89 : i32
      %and3A_91 = arith.andi %eq3A_88, %lt3A_90 : i1
      %lt3A_92 = arith.constant 156 : i32
      %lt3A_93 = arith.cmpi slt, %add3A_77, %lt3A_92 : i32
      %jit3A_94 = arith.constant 0 : i32
      %select_n3A_95 = arith.select %and3A_91, %mul3A_86, %jit3A_94 : i32
      %select_n3A_96 = arith.select %lt3A_93, %mul3A_82, %select_n3A_95 : i32
      %dma_wait3A = arith.constant 0 : i32
      %dma_wait3A_97 = tpu.memref_slice %arg2[%arg0, %select_n3A_96, %dma_wait3A] : memref<2x320000x128xf32, #tpu.memory_space<hbm>> -> memref<1x128x128xf32, #tpu.memory_space<hbm>>
      %dma_wait3A_98 = tpu.memref_squeeze %dma_wait3A_97 : memref<1x128x128xf32, #tpu.memory_space<hbm>> -> memref<128x128xf32, #tpu.memory_space<hbm>>
      %dma_wait3A_99 = arith.constant 0 : i32
      %dma_wait3A_100 = tpu.memref_slice %arg2[%arg0, %select_n3A_96, %dma_wait3A_99] : memref<2x320000x128xf32, #tpu.memory_space<hbm>> -> memref<1x128x128xf32, #tpu.memory_space<hbm>>
      %dma_wait3A_101 = tpu.memref_squeeze %dma_wait3A_100 : memref<1x128x128xf32, #tpu.memory_space<hbm>> -> memref<128x128xf32, #tpu.memory_space<hbm>>
      tpu.wait_dma2 semaphore(%arg10 : memref<!tpu.dma_semaphore, #tpu.memory_space<semaphore_mem>>) src(%dma_wait3A_101 : memref<128x128xf32, #tpu.memory_space<hbm>>) dst(%arg7 : memref<128x128xf32, #tpu.memory_space<vmem>>)
      %run_scoped3A = arith.constant 30 : i32
      "tpu.region"() ({
        %run_scoped3A_132 = tpu.sem_alloc : memref<!tpu.dma_semaphore, #tpu.memory_space<semaphore_mem>>
        %dma_start3A_133 = arith.constant 0 : i32
        %dma_start3A_134 = tpu.memref_slice %arg6[%run_scoped3A, %dma_start3A_133] : memref<32x128xi32, #tpu.memory_space<vmem>> -> memref<1x128xi32, #tpu.memory_space<vmem>>
        %dma_start3A_135 = tpu.memref_squeeze %dma_start3A_134 : memref<1x128xi32, #tpu.memory_space<vmem>> -> memref<128xi32, #tpu.memory_space<vmem>>
        %dma_start3A_136 = arith.constant 0 : i32
        %dma_start3A_137 = arith.constant 0 : i32
        %dma_start3A_138 = tpu.memref_slice %arg9[%dma_start3A_136, %dma_start3A_137] : memref<10240x128xf32, #tpu.memory_space<vmem_shared>> -> memref<10240x128xf32, #tpu.memory_space<vmem_shared>>
        tpu.enqueue_indirect_dma source(%arg7 : memref<128x128xf32, #tpu.memory_space<vmem>>) target(%dma_start3A_138 : memref<10240x128xf32, #tpu.memory_space<vmem_shared>>) offsets(%dma_start3A_135 : memref<128xi32, #tpu.memory_space<vmem>>) semaphore(%run_scoped3A_132 : memref<!tpu.dma_semaphore, #tpu.memory_space<semaphore_mem>>) {add = true}
        %dma_wait3A_139 = arith.constant 0 : i32
        %dma_wait3A_140 = tpu.memref_slice %arg6[%run_scoped3A, %dma_wait3A_139] : memref<32x128xi32, #tpu.memory_space<vmem>> -> memref<1x128xi32, #tpu.memory_space<vmem>>
        %dma_wait3A_141 = tpu.memref_squeeze %dma_wait3A_140 : memref<1x128xi32, #tpu.memory_space<vmem>> -> memref<128xi32, #tpu.memory_space<vmem>>
        %dma_wait3A_142 = arith.constant 0 : i32
        %dma_wait3A_143 = arith.constant 0 : i32
        %dma_wait3A_144 = tpu.memref_slice %arg9[%dma_wait3A_142, %dma_wait3A_143] : memref<10240x128xf32, #tpu.memory_space<vmem_shared>> -> memref<10240x128xf32, #tpu.memory_space<vmem_shared>>
        tpu.wait_indirect_dma semaphore(%run_scoped3A_132 : memref<!tpu.dma_semaphore, #tpu.memory_space<semaphore_mem>>) src(%arg7 : memref<128x128xf32, #tpu.memory_space<vmem>>) dst(%dma_wait3A_144 : memref<10240x128xf32, #tpu.memory_space<vmem_shared>>)
        tpu.yield
      }) : () -> ()
      %mul3A_102 = arith.constant 32 : i32
      %mul3A_103 = arith.muli %scan3A_13, %mul3A_102 : i32
      %add3A_104 = arith.constant 31 : i32
      %add3A_105 = arith.addi %mul3A_103, %add3A_104 : i32
      %mul3A_106 = arith.constant 156 : i32
      %mul3A_107 = arith.muli %arg1, %mul3A_106 : i32
      %add3A_108 = arith.addi %mul3A_107, %add3A_105 : i32
      %mul3A_109 = arith.constant 128 : i32
      %mul3A_110 = arith.muli %add3A_108, %mul3A_109 : i32
      %add3A_111 = arith.constant 2496 : i32
      %add3A_112 = arith.addi %add3A_111, %arg1 : i32
      %mul3A_113 = arith.constant 128 : i32
      %mul3A_114 = arith.muli %add3A_112, %mul3A_113 : i32
      %eq3A_115 = arith.constant 156 : i32
      %eq3A_116 = arith.cmpi eq, %add3A_105, %eq3A_115 : i32
      %lt3A_117 = arith.constant 4 : i32
      %lt3A_118 = arith.cmpi slt, %arg1, %lt3A_117 : i32
      %and3A_119 = arith.andi %eq3A_116, %lt3A_118 : i1
      %lt3A_120 = arith.constant 156 : i32
      %lt3A_121 = arith.cmpi slt, %add3A_105, %lt3A_120 : i32
      %jit3A_122 = arith.constant 0 : i32
      %select_n3A_123 = arith.select %and3A_119, %mul3A_114, %jit3A_122 : i32
      %select_n3A_124 = arith.select %lt3A_121, %mul3A_110, %select_n3A_123 : i32
      %dma_wait3A_125 = arith.constant 0 : i32
      %dma_wait3A_126 = tpu.memref_slice %arg2[%arg0, %select_n3A_124, %dma_wait3A_125] : memref<2x320000x128xf32, #tpu.memory_space<hbm>> -> memref<1x128x128xf32, #tpu.memory_space<hbm>>
      %dma_wait3A_127 = tpu.memref_squeeze %dma_wait3A_126 : memref<1x128x128xf32, #tpu.memory_space<hbm>> -> memref<128x128xf32, #tpu.memory_space<hbm>>
      %dma_wait3A_128 = arith.constant 0 : i32
      %dma_wait3A_129 = tpu.memref_slice %arg2[%arg0, %select_n3A_124, %dma_wait3A_128] : memref<2x320000x128xf32, #tpu.memory_space<hbm>> -> memref<1x128x128xf32, #tpu.memory_space<hbm>>
      %dma_wait3A_130 = tpu.memref_squeeze %dma_wait3A_129 : memref<1x128x128xf32, #tpu.memory_space<hbm>> -> memref<128x128xf32, #tpu.memory_space<hbm>>
      tpu.wait_dma2 semaphore(%arg11 : memref<!tpu.dma_semaphore, #tpu.memory_space<semaphore_mem>>) src(%dma_wait3A_130 : memref<128x128xf32, #tpu.memory_space<hbm>>) dst(%arg8 : memref<128x128xf32, #tpu.memory_space<vmem>>)
      %run_scoped3A_131 = arith.constant 31 : i32
      "tpu.region"() ({
        %run_scoped3A_132 = tpu.sem_alloc : memref<!tpu.dma_semaphore, #tpu.memory_space<semaphore_mem>>
        %dma_start3A_133 = arith.constant 0 : i32
        %dma_start3A_134 = tpu.memref_slice %arg6[%run_scoped3A_131, %dma_start3A_133] : memref<32x128xi32, #tpu.memory_space<vmem>> -> memref<1x128xi32, #tpu.memory_space<vmem>>
        %dma_start3A_135 = tpu.memref_squeeze %dma_start3A_134 : memref<1x128xi32, #tpu.memory_space<vmem>> -> memref<128xi32, #tpu.memory_space<vmem>>
        %dma_start3A_136 = arith.constant 0 : i32
        %dma_start3A_137 = arith.constant 0 : i32
        %dma_start3A_138 = tpu.memref_slice %arg9[%dma_start3A_136, %dma_start3A_137] : memref<10240x128xf32, #tpu.memory_space<vmem_shared>> -> memref<10240x128xf32, #tpu.memory_space<vmem_shared>>
        tpu.enqueue_indirect_dma source(%arg8 : memref<128x128xf32, #tpu.memory_space<vmem>>) target(%dma_start3A_138 : memref<10240x128xf32, #tpu.memory_space<vmem_shared>>) offsets(%dma_start3A_135 : memref<128xi32, #tpu.memory_space<vmem>>) semaphore(%run_scoped3A_132 : memref<!tpu.dma_semaphore, #tpu.memory_space<semaphore_mem>>) {add = true}
        %dma_wait3A_139 = arith.constant 0 : i32
        %dma_wait3A_140 = tpu.memref_slice %arg6[%run_scoped3A_131, %dma_wait3A_139] : memref<32x128xi32, #tpu.memory_space<vmem>> -> memref<1x128xi32, #tpu.memory_space<vmem>>
        %dma_wait3A_141 = tpu.memref_squeeze %dma_wait3A_140 : memref<1x128xi32, #tpu.memory_space<vmem>> -> memref<128xi32, #tpu.memory_space<vmem>>
        %dma_wait3A_142 = arith.constant 0 : i32
        %dma_wait3A_143 = arith.constant 0 : i32
        %dma_wait3A_144 = tpu.memref_slice %arg9[%dma_wait3A_142, %dma_wait3A_143] : memref<10240x128xf32, #tpu.memory_space<vmem_shared>> -> memref<10240x128xf32, #tpu.memory_space<vmem_shared>>
        tpu.wait_indirect_dma semaphore(%run_scoped3A_132 : memref<!tpu.dma_semaphore, #tpu.memory_space<semaphore_mem>>) src(%arg8 : memref<128x128xf32, #tpu.memory_space<vmem>>) dst(%dma_wait3A_144 : memref<10240x128xf32, #tpu.memory_space<vmem_shared>>)
        tpu.yield
      }) : () -> ()
    }
    %scan3A_7 = arith.constant 5 : i32
    %barrier3A_8 = arith.constant 0 : index
    tpu.barrier barrier_id(%barrier3A_8)
    %mul3A_9 = arith.constant 640 : i32
    %mul3A_10 = arith.muli %arg1, %mul3A_9 : i32
    %mul3A_11 = arith.constant 640 : i32
    %mul3A_12 = arith.muli %arg1, %mul3A_11 : i32
    "tpu.region"() ({
      %run_scoped3A = tpu.sem_alloc : memref<!tpu.dma_semaphore, #tpu.memory_space<semaphore_mem>>
      %dma_start3A = arith.constant 0 : i32
      %dma_start3A_13 = tpu.memref_slice %arg5[%arg0, %mul3A_12, %dma_start3A] : memref<2x10240x128xf32, #tpu.memory_space<hbm>> -> memref<1x640x128xf32, #tpu.memory_space<hbm>>
      %dma_start3A_14 = tpu.memref_squeeze %dma_start3A_13 : memref<1x640x128xf32, #tpu.memory_space<hbm>> -> memref<640x128xf32, #tpu.memory_space<hbm>>
      %dma_start3A_15 = arith.constant 0 : i32
      %dma_start3A_16 = tpu.memref_slice %arg9[%mul3A_10, %dma_start3A_15] : memref<10240x128xf32, #tpu.memory_space<vmem_shared>> -> memref<640x128xf32, #tpu.memory_space<vmem_shared>>
      tpu.enqueue_dma source(%dma_start3A_16 : memref<640x128xf32, #tpu.memory_space<vmem_shared>>) target(%dma_start3A_14 : memref<640x128xf32, #tpu.memory_space<hbm>>) target_semaphore(%run_scoped3A : memref<!tpu.dma_semaphore, #tpu.memory_space<semaphore_mem>>)
      %dma_wait3A = arith.constant 0 : i32
      %dma_wait3A_17 = tpu.memref_slice %arg5[%arg0, %mul3A_12, %dma_wait3A] : memref<2x10240x128xf32, #tpu.memory_space<hbm>> -> memref<1x640x128xf32, #tpu.memory_space<hbm>>
      %dma_wait3A_18 = tpu.memref_squeeze %dma_wait3A_17 : memref<1x640x128xf32, #tpu.memory_space<hbm>> -> memref<640x128xf32, #tpu.memory_space<hbm>>
      %dma_wait3A_19 = arith.constant 0 : i32
      %dma_wait3A_20 = tpu.memref_slice %arg9[%mul3A_10, %dma_wait3A_19] : memref<10240x128xf32, #tpu.memory_space<vmem_shared>> -> memref<640x128xf32, #tpu.memory_space<vmem_shared>>
      tpu.wait_dma2 semaphore(%run_scoped3A : memref<!tpu.dma_semaphore, #tpu.memory_space<semaphore_mem>>) src(%dma_wait3A_20 : memref<640x128xf32, #tpu.memory_space<vmem_shared>>) dst(%dma_wait3A_18 : memref<640x128xf32, #tpu.memory_space<hbm>>)
      tpu.yield
    }) : () -> ()
    return
  }
}

#map = affine_map<(d0, d1) -> (0, 0)>
#map1 = affine_map<(d0, d1) -> (0, 0, 0)>
module attributes {stable_mosaic.version = 14 : i64} {
  func.func @_sc_scatter(%arg0: i32, %arg1: i32, %arg2: memref<20000x128xf32, #tpu.memory_space<hbm>>, %arg3: memref<2x2560x128xi32, #tpu.memory_space<hbm>>, %arg4: memref<2560x128xi32, #tpu.memory_space<hbm>>, %arg5: memref<2x10240x128xf32, #tpu.memory_space<hbm>>, %arg6: memref<2x10240x128xf32, #tpu.memory_space<hbm>>, %arg7: memref<32x128xi32, #tpu.memory_space<vmem>>, %arg8: memref<32x128xi32, #tpu.memory_space<vmem>>, %arg9: memref<128x128xf32, #tpu.memory_space<vmem>>, %arg10: memref<128x128xf32, #tpu.memory_space<vmem>>, %arg11: memref<10240x128xf32, #tpu.memory_space<vmem_shared>>, %arg12: memref<!tpu.dma_semaphore, #tpu.memory_space<semaphore_mem>>, %arg13: memref<!tpu.dma_semaphore, #tpu.memory_space<semaphore_mem>>) attributes {dimension_semantics = [#tpu.dimension_semantics<core_parallel>, #tpu.dimension_semantics<subcore_parallel>], iteration_bounds = array<i64: 2, 16>, scalar_prefetch = 0 : i64, scratch_operands = 7 : i64, tpu.core_type = #tpu.core_type<sc_vector_subcore>, window_params = [{transform_indices = #map}, {transform_indices = #map1}, {transform_indices = #map}, {transform_indices = #map1}, {transform_indices = #map1}]} {
    %mul3A = arith.constant 640 : i32
    %mul3A_0 = arith.muli %arg1, %mul3A : i32
    %mul3A_1 = arith.constant 640 : i32
    %mul3A_2 = arith.muli %arg1, %mul3A_1 : i32
    "tpu.region"() ({
      %run_scoped3A = tpu.sem_alloc : memref<!tpu.dma_semaphore, #tpu.memory_space<semaphore_mem>>
      %dma_start3A = arith.constant 0 : i32
      %dma_start3A_13 = tpu.memref_slice %arg11[%mul3A_2, %dma_start3A] : memref<10240x128xf32, #tpu.memory_space<vmem_shared>> -> memref<640x128xf32, #tpu.memory_space<vmem_shared>>
      %dma_start3A_14 = arith.constant 0 : i32
      %dma_start3A_15 = tpu.memref_slice %arg5[%arg0, %mul3A_0, %dma_start3A_14] : memref<2x10240x128xf32, #tpu.memory_space<hbm>> -> memref<1x640x128xf32, #tpu.memory_space<hbm>>
      %dma_start3A_16 = tpu.memref_squeeze %dma_start3A_15 : memref<1x640x128xf32, #tpu.memory_space<hbm>> -> memref<640x128xf32, #tpu.memory_space<hbm>>
      tpu.enqueue_dma source(%dma_start3A_16 : memref<640x128xf32, #tpu.memory_space<hbm>>) target(%dma_start3A_13 : memref<640x128xf32, #tpu.memory_space<vmem_shared>>) target_semaphore(%run_scoped3A : memref<!tpu.dma_semaphore, #tpu.memory_space<semaphore_mem>>)
      %dma_wait3A = arith.constant 0 : i32
      %dma_wait3A_17 = tpu.memref_slice %arg11[%mul3A_2, %dma_wait3A] : memref<10240x128xf32, #tpu.memory_space<vmem_shared>> -> memref<640x128xf32, #tpu.memory_space<vmem_shared>>
      %dma_wait3A_18 = arith.constant 0 : i32
      %dma_wait3A_19 = tpu.memref_slice %arg5[%arg0, %mul3A_0, %dma_wait3A_18] : memref<2x10240x128xf32, #tpu.memory_space<hbm>> -> memref<1x640x128xf32, #tpu.memory_space<hbm>>
      %dma_wait3A_20 = tpu.memref_squeeze %dma_wait3A_19 : memref<1x640x128xf32, #tpu.memory_space<hbm>> -> memref<640x128xf32, #tpu.memory_space<hbm>>
      tpu.wait_dma2 semaphore(%run_scoped3A : memref<!tpu.dma_semaphore, #tpu.memory_space<semaphore_mem>>) src(%dma_wait3A_20 : memref<640x128xf32, #tpu.memory_space<hbm>>) dst(%dma_wait3A_17 : memref<640x128xf32, #tpu.memory_space<vmem_shared>>)
      tpu.yield
    }) : () -> ()
    %barrier3A = arith.constant 0 : index
    tpu.barrier barrier_id(%barrier3A)
    %scan3A = arith.constant 0 : i32
    %scan3A_3 = arith.constant 0 : i32
    %scan3A_4 = arith.constant 5 : i32
    %scan3A_5 = arith.addi %scan3A_3, %scan3A_4 : i32
    %scan3A_6 = arith.constant 1 : i32
    scf.for %scan3A_13 = %scan3A_3 to %scan3A_5 step %scan3A_6  : i32 {
      %mul3A_14 = arith.constant 160 : i32
      %mul3A_15 = arith.muli %arg1, %mul3A_14 : i32
      %mul3A_16 = arith.constant 32 : i32
      %mul3A_17 = arith.muli %scan3A_13, %mul3A_16 : i32
      %add3A = arith.addi %mul3A_15, %mul3A_17 : i32
      "tpu.region"() ({
        %run_scoped3A_51 = tpu.sem_alloc : memref<!tpu.dma_semaphore, #tpu.memory_space<semaphore_mem>>
        %dma_start3A_52 = arith.constant 0 : i32
        %dma_start3A_53 = tpu.memref_slice %arg3[%arg0, %add3A, %dma_start3A_52] : memref<2x2560x128xi32, #tpu.memory_space<hbm>> -> memref<1x32x128xi32, #tpu.memory_space<hbm>>
        %dma_start3A_54 = tpu.memref_squeeze %dma_start3A_53 : memref<1x32x128xi32, #tpu.memory_space<hbm>> -> memref<32x128xi32, #tpu.memory_space<hbm>>
        %dma_start3A_55 = arith.constant 0 : i32
        %dma_start3A_56 = tpu.memref_slice %arg3[%arg0, %add3A, %dma_start3A_55] : memref<2x2560x128xi32, #tpu.memory_space<hbm>> -> memref<1x32x128xi32, #tpu.memory_space<hbm>>
        %dma_start3A_57 = tpu.memref_squeeze %dma_start3A_56 : memref<1x32x128xi32, #tpu.memory_space<hbm>> -> memref<32x128xi32, #tpu.memory_space<hbm>>
        tpu.enqueue_dma source(%dma_start3A_57 : memref<32x128xi32, #tpu.memory_space<hbm>>) target(%arg7 : memref<32x128xi32, #tpu.memory_space<vmem>>) target_semaphore(%run_scoped3A_51 : memref<!tpu.dma_semaphore, #tpu.memory_space<semaphore_mem>>)
        %dma_wait3A_58 = arith.constant 0 : i32
        %dma_wait3A_59 = tpu.memref_slice %arg3[%arg0, %add3A, %dma_wait3A_58] : memref<2x2560x128xi32, #tpu.memory_space<hbm>> -> memref<1x32x128xi32, #tpu.memory_space<hbm>>
        %dma_wait3A_60 = tpu.memref_squeeze %dma_wait3A_59 : memref<1x32x128xi32, #tpu.memory_space<hbm>> -> memref<32x128xi32, #tpu.memory_space<hbm>>
        %dma_wait3A_61 = arith.constant 0 : i32
        %dma_wait3A_62 = tpu.memref_slice %arg3[%arg0, %add3A, %dma_wait3A_61] : memref<2x2560x128xi32, #tpu.memory_space<hbm>> -> memref<1x32x128xi32, #tpu.memory_space<hbm>>
        %dma_wait3A_63 = tpu.memref_squeeze %dma_wait3A_62 : memref<1x32x128xi32, #tpu.memory_space<hbm>> -> memref<32x128xi32, #tpu.memory_space<hbm>>
        tpu.wait_dma2 semaphore(%run_scoped3A_51 : memref<!tpu.dma_semaphore, #tpu.memory_space<semaphore_mem>>) src(%dma_wait3A_63 : memref<32x128xi32, #tpu.memory_space<hbm>>) dst(%arg7 : memref<32x128xi32, #tpu.memory_space<vmem>>)
        tpu.yield
      }) : () -> ()
      "tpu.region"() ({
        %run_scoped3A_51 = tpu.sem_alloc : memref<!tpu.dma_semaphore, #tpu.memory_space<semaphore_mem>>
        %dma_start3A_52 = arith.constant 0 : i32
        %dma_start3A_53 = tpu.memref_slice %arg4[%add3A, %dma_start3A_52] : memref<2560x128xi32, #tpu.memory_space<hbm>> -> memref<32x128xi32, #tpu.memory_space<hbm>>
        %dma_start3A_54 = arith.constant 0 : i32
        %dma_start3A_55 = tpu.memref_slice %arg4[%add3A, %dma_start3A_54] : memref<2560x128xi32, #tpu.memory_space<hbm>> -> memref<32x128xi32, #tpu.memory_space<hbm>>
        tpu.enqueue_dma source(%dma_start3A_55 : memref<32x128xi32, #tpu.memory_space<hbm>>) target(%arg8 : memref<32x128xi32, #tpu.memory_space<vmem>>) target_semaphore(%run_scoped3A_51 : memref<!tpu.dma_semaphore, #tpu.memory_space<semaphore_mem>>)
        %dma_wait3A_56 = arith.constant 0 : i32
        %dma_wait3A_57 = tpu.memref_slice %arg4[%add3A, %dma_wait3A_56] : memref<2560x128xi32, #tpu.memory_space<hbm>> -> memref<32x128xi32, #tpu.memory_space<hbm>>
        %dma_wait3A_58 = arith.constant 0 : i32
        %dma_wait3A_59 = tpu.memref_slice %arg4[%add3A, %dma_wait3A_58] : memref<2560x128xi32, #tpu.memory_space<hbm>> -> memref<32x128xi32, #tpu.memory_space<hbm>>
        tpu.wait_dma2 semaphore(%run_scoped3A_51 : memref<!tpu.dma_semaphore, #tpu.memory_space<semaphore_mem>>) src(%dma_wait3A_59 : memref<32x128xi32, #tpu.memory_space<hbm>>) dst(%arg8 : memref<32x128xi32, #tpu.memory_space<vmem>>)
        tpu.yield
      }) : () -> ()
      %dma_start3A = arith.constant 0 : i32
      %dma_start3A_18 = arith.constant 0 : i32
      %dma_start3A_19 = tpu.memref_slice %arg7[%dma_start3A, %dma_start3A_18] : memref<32x128xi32, #tpu.memory_space<vmem>> -> memref<1x128xi32, #tpu.memory_space<vmem>>
      %dma_start3A_20 = tpu.memref_squeeze %dma_start3A_19 : memref<1x128xi32, #tpu.memory_space<vmem>> -> memref<128xi32, #tpu.memory_space<vmem>>
      %dma_start3A_21 = arith.constant 0 : i32
      %dma_start3A_22 = arith.constant 0 : i32
      %dma_start3A_23 = tpu.memref_slice %arg2[%dma_start3A_21, %dma_start3A_22] : memref<20000x128xf32, #tpu.memory_space<hbm>> -> memref<20000x128xf32, #tpu.memory_space<hbm>>
      tpu.enqueue_indirect_dma source(%dma_start3A_23 : memref<20000x128xf32, #tpu.memory_space<hbm>>) target(%arg9 : memref<128x128xf32, #tpu.memory_space<vmem>>) offsets(%dma_start3A_20 : memref<128xi32, #tpu.memory_space<vmem>>) semaphore(%arg12 : memref<!tpu.dma_semaphore, #tpu.memory_space<semaphore_mem>>)
      %dma_start3A_24 = arith.constant 1 : i32
      %dma_start3A_25 = arith.constant 0 : i32
      %dma_start3A_26 = tpu.memref_slice %arg7[%dma_start3A_24, %dma_start3A_25] : memref<32x128xi32, #tpu.memory_space<vmem>> -> memref<1x128xi32, #tpu.memory_space<vmem>>
      %dma_start3A_27 = tpu.memref_squeeze %dma_start3A_26 : memref<1x128xi32, #tpu.memory_space<vmem>> -> memref<128xi32, #tpu.memory_space<vmem>>
      %dma_start3A_28 = arith.constant 0 : i32
      %dma_start3A_29 = arith.constant 0 : i32
      %dma_start3A_30 = tpu.memref_slice %arg2[%dma_start3A_28, %dma_start3A_29] : memref<20000x128xf32, #tpu.memory_space<hbm>> -> memref<20000x128xf32, #tpu.memory_space<hbm>>
      tpu.enqueue_indirect_dma source(%dma_start3A_30 : memref<20000x128xf32, #tpu.memory_space<hbm>>) target(%arg10 : memref<128x128xf32, #tpu.memory_space<vmem>>) offsets(%dma_start3A_27 : memref<128xi32, #tpu.memory_space<vmem>>) semaphore(%arg13 : memref<!tpu.dma_semaphore, #tpu.memory_space<semaphore_mem>>)
      %scan3A_31 = arith.constant 0 : i32
      %scan3A_32 = arith.constant 0 : i32
      %scan3A_33 = arith.constant 15 : i32
      %scan3A_34 = arith.addi %scan3A_32, %scan3A_33 : i32
      %scan3A_35 = arith.constant 1 : i32
      scf.for %scan3A_51 = %scan3A_32 to %scan3A_34 step %scan3A_35  : i32 {
        %mul3A_52 = arith.constant 2 : i32
        %mul3A_53 = arith.muli %mul3A_52, %scan3A_51 : i32
        %dma_wait3A_54 = arith.constant 0 : i32
        %dma_wait3A_55 = tpu.memref_slice %arg7[%mul3A_53, %dma_wait3A_54] : memref<32x128xi32, #tpu.memory_space<vmem>> -> memref<1x128xi32, #tpu.memory_space<vmem>>
        %dma_wait3A_56 = tpu.memref_squeeze %dma_wait3A_55 : memref<1x128xi32, #tpu.memory_space<vmem>> -> memref<128xi32, #tpu.memory_space<vmem>>
        %dma_wait3A_57 = arith.constant 0 : i32
        %dma_wait3A_58 = arith.constant 0 : i32
        %dma_wait3A_59 = tpu.memref_slice %arg2[%dma_wait3A_57, %dma_wait3A_58] : memref<20000x128xf32, #tpu.memory_space<hbm>> -> memref<20000x128xf32, #tpu.memory_space<hbm>>
        tpu.wait_indirect_dma semaphore(%arg12 : memref<!tpu.dma_semaphore, #tpu.memory_space<semaphore_mem>>) src(%dma_wait3A_59 : memref<20000x128xf32, #tpu.memory_space<hbm>>) dst(%arg9 : memref<128x128xf32, #tpu.memory_space<vmem>>)
        "tpu.region"() ({
          %run_scoped3A_84 = tpu.sem_alloc : memref<!tpu.dma_semaphore, #tpu.memory_space<semaphore_mem>>
          %dma_start3A_85 = arith.constant 0 : i32
          %dma_start3A_86 = tpu.memref_slice %arg8[%mul3A_53, %dma_start3A_85] : memref<32x128xi32, #tpu.memory_space<vmem>> -> memref<1x128xi32, #tpu.memory_space<vmem>>
          %dma_start3A_87 = tpu.memref_squeeze %dma_start3A_86 : memref<1x128xi32, #tpu.memory_space<vmem>> -> memref<128xi32, #tpu.memory_space<vmem>>
          %dma_start3A_88 = arith.constant 0 : i32
          %dma_start3A_89 = arith.constant 0 : i32
          %dma_start3A_90 = tpu.memref_slice %arg11[%dma_start3A_88, %dma_start3A_89] : memref<10240x128xf32, #tpu.memory_space<vmem_shared>> -> memref<10240x128xf32, #tpu.memory_space<vmem_shared>>
          tpu.enqueue_indirect_dma source(%arg9 : memref<128x128xf32, #tpu.memory_space<vmem>>) target(%dma_start3A_90 : memref<10240x128xf32, #tpu.memory_space<vmem_shared>>) offsets(%dma_start3A_87 : memref<128xi32, #tpu.memory_space<vmem>>) semaphore(%run_scoped3A_84 : memref<!tpu.dma_semaphore, #tpu.memory_space<semaphore_mem>>) {add = true}
          %dma_wait3A_91 = arith.constant 0 : i32
          %dma_wait3A_92 = tpu.memref_slice %arg8[%mul3A_53, %dma_wait3A_91] : memref<32x128xi32, #tpu.memory_space<vmem>> -> memref<1x128xi32, #tpu.memory_space<vmem>>
          %dma_wait3A_93 = tpu.memref_squeeze %dma_wait3A_92 : memref<1x128xi32, #tpu.memory_space<vmem>> -> memref<128xi32, #tpu.memory_space<vmem>>
          %dma_wait3A_94 = arith.constant 0 : i32
          %dma_wait3A_95 = arith.constant 0 : i32
          %dma_wait3A_96 = tpu.memref_slice %arg11[%dma_wait3A_94, %dma_wait3A_95] : memref<10240x128xf32, #tpu.memory_space<vmem_shared>> -> memref<10240x128xf32, #tpu.memory_space<vmem_shared>>
          tpu.wait_indirect_dma semaphore(%run_scoped3A_84 : memref<!tpu.dma_semaphore, #tpu.memory_space<semaphore_mem>>) src(%arg9 : memref<128x128xf32, #tpu.memory_space<vmem>>) dst(%dma_wait3A_96 : memref<10240x128xf32, #tpu.memory_space<vmem_shared>>)
          tpu.yield
        }) : () -> ()
        %add3A_60 = arith.constant 2 : i32
        %add3A_61 = arith.addi %mul3A_53, %add3A_60 : i32
        %dma_start3A_62 = arith.constant 0 : i32
        %dma_start3A_63 = tpu.memref_slice %arg7[%add3A_61, %dma_start3A_62] : memref<32x128xi32, #tpu.memory_space<vmem>> -> memref<1x128xi32, #tpu.memory_space<vmem>>
        %dma_start3A_64 = tpu.memref_squeeze %dma_start3A_63 : memref<1x128xi32, #tpu.memory_space<vmem>> -> memref<128xi32, #tpu.memory_space<vmem>>
        %dma_start3A_65 = arith.constant 0 : i32
        %dma_start3A_66 = arith.constant 0 : i32
        %dma_start3A_67 = tpu.memref_slice %arg2[%dma_start3A_65, %dma_start3A_66] : memref<20000x128xf32, #tpu.memory_space<hbm>> -> memref<20000x128xf32, #tpu.memory_space<hbm>>
        tpu.enqueue_indirect_dma source(%dma_start3A_67 : memref<20000x128xf32, #tpu.memory_space<hbm>>) target(%arg9 : memref<128x128xf32, #tpu.memory_space<vmem>>) offsets(%dma_start3A_64 : memref<128xi32, #tpu.memory_space<vmem>>) semaphore(%arg12 : memref<!tpu.dma_semaphore, #tpu.memory_space<semaphore_mem>>)
        %add3A_68 = arith.constant 1 : i32
        %add3A_69 = arith.addi %mul3A_53, %add3A_68 : i32
        %dma_wait3A_70 = arith.constant 0 : i32
        %dma_wait3A_71 = tpu.memref_slice %arg7[%add3A_69, %dma_wait3A_70] : memref<32x128xi32, #tpu.memory_space<vmem>> -> memref<1x128xi32, #tpu.memory_space<vmem>>
        %dma_wait3A_72 = tpu.memref_squeeze %dma_wait3A_71 : memref<1x128xi32, #tpu.memory_space<vmem>> -> memref<128xi32, #tpu.memory_space<vmem>>
        %dma_wait3A_73 = arith.constant 0 : i32
        %dma_wait3A_74 = arith.constant 0 : i32
        %dma_wait3A_75 = tpu.memref_slice %arg2[%dma_wait3A_73, %dma_wait3A_74] : memref<20000x128xf32, #tpu.memory_space<hbm>> -> memref<20000x128xf32, #tpu.memory_space<hbm>>
        tpu.wait_indirect_dma semaphore(%arg13 : memref<!tpu.dma_semaphore, #tpu.memory_space<semaphore_mem>>) src(%dma_wait3A_75 : memref<20000x128xf32, #tpu.memory_space<hbm>>) dst(%arg10 : memref<128x128xf32, #tpu.memory_space<vmem>>)
        "tpu.region"() ({
          %run_scoped3A_84 = tpu.sem_alloc : memref<!tpu.dma_semaphore, #tpu.memory_space<semaphore_mem>>
          %dma_start3A_85 = arith.constant 0 : i32
          %dma_start3A_86 = tpu.memref_slice %arg8[%add3A_69, %dma_start3A_85] : memref<32x128xi32, #tpu.memory_space<vmem>> -> memref<1x128xi32, #tpu.memory_space<vmem>>
          %dma_start3A_87 = tpu.memref_squeeze %dma_start3A_86 : memref<1x128xi32, #tpu.memory_space<vmem>> -> memref<128xi32, #tpu.memory_space<vmem>>
          %dma_start3A_88 = arith.constant 0 : i32
          %dma_start3A_89 = arith.constant 0 : i32
          %dma_start3A_90 = tpu.memref_slice %arg11[%dma_start3A_88, %dma_start3A_89] : memref<10240x128xf32, #tpu.memory_space<vmem_shared>> -> memref<10240x128xf32, #tpu.memory_space<vmem_shared>>
          tpu.enqueue_indirect_dma source(%arg10 : memref<128x128xf32, #tpu.memory_space<vmem>>) target(%dma_start3A_90 : memref<10240x128xf32, #tpu.memory_space<vmem_shared>>) offsets(%dma_start3A_87 : memref<128xi32, #tpu.memory_space<vmem>>) semaphore(%run_scoped3A_84 : memref<!tpu.dma_semaphore, #tpu.memory_space<semaphore_mem>>) {add = true}
          %dma_wait3A_91 = arith.constant 0 : i32
          %dma_wait3A_92 = tpu.memref_slice %arg8[%add3A_69, %dma_wait3A_91] : memref<32x128xi32, #tpu.memory_space<vmem>> -> memref<1x128xi32, #tpu.memory_space<vmem>>
          %dma_wait3A_93 = tpu.memref_squeeze %dma_wait3A_92 : memref<1x128xi32, #tpu.memory_space<vmem>> -> memref<128xi32, #tpu.memory_space<vmem>>
          %dma_wait3A_94 = arith.constant 0 : i32
          %dma_wait3A_95 = arith.constant 0 : i32
          %dma_wait3A_96 = tpu.memref_slice %arg11[%dma_wait3A_94, %dma_wait3A_95] : memref<10240x128xf32, #tpu.memory_space<vmem_shared>> -> memref<10240x128xf32, #tpu.memory_space<vmem_shared>>
          tpu.wait_indirect_dma semaphore(%run_scoped3A_84 : memref<!tpu.dma_semaphore, #tpu.memory_space<semaphore_mem>>) src(%arg10 : memref<128x128xf32, #tpu.memory_space<vmem>>) dst(%dma_wait3A_96 : memref<10240x128xf32, #tpu.memory_space<vmem_shared>>)
          tpu.yield
        }) : () -> ()
        %add3A_76 = arith.constant 3 : i32
        %add3A_77 = arith.addi %mul3A_53, %add3A_76 : i32
        %dma_start3A_78 = arith.constant 0 : i32
        %dma_start3A_79 = tpu.memref_slice %arg7[%add3A_77, %dma_start3A_78] : memref<32x128xi32, #tpu.memory_space<vmem>> -> memref<1x128xi32, #tpu.memory_space<vmem>>
        %dma_start3A_80 = tpu.memref_squeeze %dma_start3A_79 : memref<1x128xi32, #tpu.memory_space<vmem>> -> memref<128xi32, #tpu.memory_space<vmem>>
        %dma_start3A_81 = arith.constant 0 : i32
        %dma_start3A_82 = arith.constant 0 : i32
        %dma_start3A_83 = tpu.memref_slice %arg2[%dma_start3A_81, %dma_start3A_82] : memref<20000x128xf32, #tpu.memory_space<hbm>> -> memref<20000x128xf32, #tpu.memory_space<hbm>>
        tpu.enqueue_indirect_dma source(%dma_start3A_83 : memref<20000x128xf32, #tpu.memory_space<hbm>>) target(%arg10 : memref<128x128xf32, #tpu.memory_space<vmem>>) offsets(%dma_start3A_80 : memref<128xi32, #tpu.memory_space<vmem>>) semaphore(%arg13 : memref<!tpu.dma_semaphore, #tpu.memory_space<semaphore_mem>>)
      }
      %scan3A_36 = arith.constant 15 : i32
      %dma_wait3A = arith.constant 30 : i32
      %dma_wait3A_37 = arith.constant 0 : i32
      %dma_wait3A_38 = tpu.memref_slice %arg7[%dma_wait3A, %dma_wait3A_37] : memref<32x128xi32, #tpu.memory_space<vmem>> -> memref<1x128xi32, #tpu.memory_space<vmem>>
      %dma_wait3A_39 = tpu.memref_squeeze %dma_wait3A_38 : memref<1x128xi32, #tpu.memory_space<vmem>> -> memref<128xi32, #tpu.memory_space<vmem>>
      %dma_wait3A_40 = arith.constant 0 : i32
      %dma_wait3A_41 = arith.constant 0 : i32
      %dma_wait3A_42 = tpu.memref_slice %arg2[%dma_wait3A_40, %dma_wait3A_41] : memref<20000x128xf32, #tpu.memory_space<hbm>> -> memref<20000x128xf32, #tpu.memory_space<hbm>>
      tpu.wait_indirect_dma semaphore(%arg12 : memref<!tpu.dma_semaphore, #tpu.memory_space<semaphore_mem>>) src(%dma_wait3A_42 : memref<20000x128xf32, #tpu.memory_space<hbm>>) dst(%arg9 : memref<128x128xf32, #tpu.memory_space<vmem>>)
      %run_scoped3A = arith.constant 30 : i32
      "tpu.region"() ({
        %run_scoped3A_51 = tpu.sem_alloc : memref<!tpu.dma_semaphore, #tpu.memory_space<semaphore_mem>>
        %dma_start3A_52 = arith.constant 0 : i32
        %dma_start3A_53 = tpu.memref_slice %arg8[%run_scoped3A, %dma_start3A_52] : memref<32x128xi32, #tpu.memory_space<vmem>> -> memref<1x128xi32, #tpu.memory_space<vmem>>
        %dma_start3A_54 = tpu.memref_squeeze %dma_start3A_53 : memref<1x128xi32, #tpu.memory_space<vmem>> -> memref<128xi32, #tpu.memory_space<vmem>>
        %dma_start3A_55 = arith.constant 0 : i32
        %dma_start3A_56 = arith.constant 0 : i32
        %dma_start3A_57 = tpu.memref_slice %arg11[%dma_start3A_55, %dma_start3A_56] : memref<10240x128xf32, #tpu.memory_space<vmem_shared>> -> memref<10240x128xf32, #tpu.memory_space<vmem_shared>>
        tpu.enqueue_indirect_dma source(%arg9 : memref<128x128xf32, #tpu.memory_space<vmem>>) target(%dma_start3A_57 : memref<10240x128xf32, #tpu.memory_space<vmem_shared>>) offsets(%dma_start3A_54 : memref<128xi32, #tpu.memory_space<vmem>>) semaphore(%run_scoped3A_51 : memref<!tpu.dma_semaphore, #tpu.memory_space<semaphore_mem>>) {add = true}
        %dma_wait3A_58 = arith.constant 0 : i32
        %dma_wait3A_59 = tpu.memref_slice %arg8[%run_scoped3A, %dma_wait3A_58] : memref<32x128xi32, #tpu.memory_space<vmem>> -> memref<1x128xi32, #tpu.memory_space<vmem>>
        %dma_wait3A_60 = tpu.memref_squeeze %dma_wait3A_59 : memref<1x128xi32, #tpu.memory_space<vmem>> -> memref<128xi32, #tpu.memory_space<vmem>>
        %dma_wait3A_61 = arith.constant 0 : i32
        %dma_wait3A_62 = arith.constant 0 : i32
        %dma_wait3A_63 = tpu.memref_slice %arg11[%dma_wait3A_61, %dma_wait3A_62] : memref<10240x128xf32, #tpu.memory_space<vmem_shared>> -> memref<10240x128xf32, #tpu.memory_space<vmem_shared>>
        tpu.wait_indirect_dma semaphore(%run_scoped3A_51 : memref<!tpu.dma_semaphore, #tpu.memory_space<semaphore_mem>>) src(%arg9 : memref<128x128xf32, #tpu.memory_space<vmem>>) dst(%dma_wait3A_63 : memref<10240x128xf32, #tpu.memory_space<vmem_shared>>)
        tpu.yield
      }) : () -> ()
      %dma_wait3A_43 = arith.constant 31 : i32
      %dma_wait3A_44 = arith.constant 0 : i32
      %dma_wait3A_45 = tpu.memref_slice %arg7[%dma_wait3A_43, %dma_wait3A_44] : memref<32x128xi32, #tpu.memory_space<vmem>> -> memref<1x128xi32, #tpu.memory_space<vmem>>
      %dma_wait3A_46 = tpu.memref_squeeze %dma_wait3A_45 : memref<1x128xi32, #tpu.memory_space<vmem>> -> memref<128xi32, #tpu.memory_space<vmem>>
      %dma_wait3A_47 = arith.constant 0 : i32
      %dma_wait3A_48 = arith.constant 0 : i32
      %dma_wait3A_49 = tpu.memref_slice %arg2[%dma_wait3A_47, %dma_wait3A_48] : memref<20000x128xf32, #tpu.memory_space<hbm>> -> memref<20000x128xf32, #tpu.memory_space<hbm>>
      tpu.wait_indirect_dma semaphore(%arg13 : memref<!tpu.dma_semaphore, #tpu.memory_space<semaphore_mem>>) src(%dma_wait3A_49 : memref<20000x128xf32, #tpu.memory_space<hbm>>) dst(%arg10 : memref<128x128xf32, #tpu.memory_space<vmem>>)
      %run_scoped3A_50 = arith.constant 31 : i32
      "tpu.region"() ({
        %run_scoped3A_51 = tpu.sem_alloc : memref<!tpu.dma_semaphore, #tpu.memory_space<semaphore_mem>>
        %dma_start3A_52 = arith.constant 0 : i32
        %dma_start3A_53 = tpu.memref_slice %arg8[%run_scoped3A_50, %dma_start3A_52] : memref<32x128xi32, #tpu.memory_space<vmem>> -> memref<1x128xi32, #tpu.memory_space<vmem>>
        %dma_start3A_54 = tpu.memref_squeeze %dma_start3A_53 : memref<1x128xi32, #tpu.memory_space<vmem>> -> memref<128xi32, #tpu.memory_space<vmem>>
        %dma_start3A_55 = arith.constant 0 : i32
        %dma_start3A_56 = arith.constant 0 : i32
        %dma_start3A_57 = tpu.memref_slice %arg11[%dma_start3A_55, %dma_start3A_56] : memref<10240x128xf32, #tpu.memory_space<vmem_shared>> -> memref<10240x128xf32, #tpu.memory_space<vmem_shared>>
        tpu.enqueue_indirect_dma source(%arg10 : memref<128x128xf32, #tpu.memory_space<vmem>>) target(%dma_start3A_57 : memref<10240x128xf32, #tpu.memory_space<vmem_shared>>) offsets(%dma_start3A_54 : memref<128xi32, #tpu.memory_space<vmem>>) semaphore(%run_scoped3A_51 : memref<!tpu.dma_semaphore, #tpu.memory_space<semaphore_mem>>) {add = true}
        %dma_wait3A_58 = arith.constant 0 : i32
        %dma_wait3A_59 = tpu.memref_slice %arg8[%run_scoped3A_50, %dma_wait3A_58] : memref<32x128xi32, #tpu.memory_space<vmem>> -> memref<1x128xi32, #tpu.memory_space<vmem>>
        %dma_wait3A_60 = tpu.memref_squeeze %dma_wait3A_59 : memref<1x128xi32, #tpu.memory_space<vmem>> -> memref<128xi32, #tpu.memory_space<vmem>>
        %dma_wait3A_61 = arith.constant 0 : i32
        %dma_wait3A_62 = arith.constant 0 : i32
        %dma_wait3A_63 = tpu.memref_slice %arg11[%dma_wait3A_61, %dma_wait3A_62] : memref<10240x128xf32, #tpu.memory_space<vmem_shared>> -> memref<10240x128xf32, #tpu.memory_space<vmem_shared>>
        tpu.wait_indirect_dma semaphore(%run_scoped3A_51 : memref<!tpu.dma_semaphore, #tpu.memory_space<semaphore_mem>>) src(%arg10 : memref<128x128xf32, #tpu.memory_space<vmem>>) dst(%dma_wait3A_63 : memref<10240x128xf32, #tpu.memory_space<vmem_shared>>)
        tpu.yield
      }) : () -> ()
    }
    %scan3A_7 = arith.constant 5 : i32
    %barrier3A_8 = arith.constant 0 : index
    tpu.barrier barrier_id(%barrier3A_8)
    %mul3A_9 = arith.constant 640 : i32
    %mul3A_10 = arith.muli %arg1, %mul3A_9 : i32
    %mul3A_11 = arith.constant 640 : i32
    %mul3A_12 = arith.muli %arg1, %mul3A_11 : i32
    "tpu.region"() ({
      %run_scoped3A = tpu.sem_alloc : memref<!tpu.dma_semaphore, #tpu.memory_space<semaphore_mem>>
      %dma_start3A = arith.constant 0 : i32
      %dma_start3A_13 = tpu.memref_slice %arg6[%arg0, %mul3A_12, %dma_start3A] : memref<2x10240x128xf32, #tpu.memory_space<hbm>> -> memref<1x640x128xf32, #tpu.memory_space<hbm>>
      %dma_start3A_14 = tpu.memref_squeeze %dma_start3A_13 : memref<1x640x128xf32, #tpu.memory_space<hbm>> -> memref<640x128xf32, #tpu.memory_space<hbm>>
      %dma_start3A_15 = arith.constant 0 : i32
      %dma_start3A_16 = tpu.memref_slice %arg11[%mul3A_10, %dma_start3A_15] : memref<10240x128xf32, #tpu.memory_space<vmem_shared>> -> memref<640x128xf32, #tpu.memory_space<vmem_shared>>
      tpu.enqueue_dma source(%dma_start3A_16 : memref<640x128xf32, #tpu.memory_space<vmem_shared>>) target(%dma_start3A_14 : memref<640x128xf32, #tpu.memory_space<hbm>>) target_semaphore(%run_scoped3A : memref<!tpu.dma_semaphore, #tpu.memory_space<semaphore_mem>>)
      %dma_wait3A = arith.constant 0 : i32
      %dma_wait3A_17 = tpu.memref_slice %arg6[%arg0, %mul3A_12, %dma_wait3A] : memref<2x10240x128xf32, #tpu.memory_space<hbm>> -> memref<1x640x128xf32, #tpu.memory_space<hbm>>
      %dma_wait3A_18 = tpu.memref_squeeze %dma_wait3A_17 : memref<1x640x128xf32, #tpu.memory_space<hbm>> -> memref<640x128xf32, #tpu.memory_space<hbm>>
      %dma_wait3A_19 = arith.constant 0 : i32
      %dma_wait3A_20 = tpu.memref_slice %arg11[%mul3A_10, %dma_wait3A_19] : memref<10240x128xf32, #tpu.memory_space<vmem_shared>> -> memref<640x128xf32, #tpu.memory_space<vmem_shared>>
      tpu.wait_dma2 semaphore(%run_scoped3A : memref<!tpu.dma_semaphore, #tpu.memory_space<semaphore_mem>>) src(%dma_wait3A_20 : memref<640x128xf32, #tpu.memory_space<vmem_shared>>) dst(%dma_wait3A_18 : memref<640x128xf32, #tpu.memory_space<hbm>>)
      tpu.yield
    }) : () -> ()
    return
  }
}

module attributes {stable_mosaic.version = 14 : i64} {
  func.func @_proj_body(%arg0: i32, %arg1: memref<4000x16xf32, #tpu.memory_space<vmem>>, %arg2: memref<16x256xf32, #tpu.memory_space<vmem>>, %arg3: memref<2x4000x128xf32, #tpu.memory_space<vmem>>) attributes {dimension_semantics = [#tpu.dimension_semantics<arbitrary>], iteration_bounds = array<i64: 80>, scalar_prefetch = 0 : i64, scratch_operands = 0 : i64, tpu.core_type = #tpu.core_type<tc>, window_params = [{transform_indices = @transform_0, window_bounds = array<i64: 4000, 16>}, {pipeline_mode = #tpu.pipeline_mode<synchronous>, transform_indices = @transform_1, window_bounds = array<i64: 16, 256>}, {transform_indices = @transform_2, window_bounds = array<i64: 2, 4000, 128>}]} {
    %get3A = arith.constant 0 : index
    %get3A_0 = arith.constant 0 : index
    %get3A_1 = vector.load %arg1[%get3A, %get3A_0] : memref<4000x16xf32, #tpu.memory_space<vmem>>, vector<4000x16xf32>
    %get3A_2 = arith.constant 0 : index
    %get3A_3 = arith.constant 0 : index
    %get3A_4 = vector.load %arg2[%get3A_2, %get3A_3] : memref<16x256xf32, #tpu.memory_space<vmem>>, vector<16x256xf32>
    %dot_general3A = arith.constant dense<0.000000e+00> : vector<4000x256xf32>
    %dot_general3A_5 = tpu.matmul %get3A_1, %get3A_4, %dot_general3A {dimension_numbers = #tpu.dot_dimension_numbers<[1], [0], [0], [1], [0, 0, 1, 1], [], []>, transpose_lhs_hint = false} : vector<4000x16xf32>, vector<16x256xf32>, vector<4000x256xf32> -> vector<4000x256xf32>
    %max3A = arith.constant 0.000000e+00 : f32
    %max3A_6 = vector.broadcast %max3A : f32 to vector<4000x256xf32>
    %max3A_7 = arith.maximumf %dot_general3A_5, %max3A_6 : vector<4000x256xf32>
    %slice3A = vector.extract_strided_slice %max3A_7 {offsets = [0, 0], sizes = [4000, 128], strides = [1, 1]} : vector<4000x256xf32> to vector<4000x128xf32>
    %swap3A = arith.constant 0 : index
    %swap3A_8 = arith.constant 0 : index
    %swap3A_9 = arith.constant 0 : index
    %swap3A_10 = vector.load %arg3[%swap3A, %swap3A_8, %swap3A_9] : memref<2x4000x128xf32, #tpu.memory_space<vmem>>, vector<1x4000x128xf32>
    %swap3A_11 = vector.shape_cast %swap3A_10 : vector<1x4000x128xf32> to vector<4000x128xf32>
    %swap3A_12 = vector.shape_cast %slice3A : vector<4000x128xf32> to vector<1x4000x128xf32>
    tpu.vector_store %arg3[%swap3A, %swap3A_8, %swap3A_9], %swap3A_12 {strides = array<i32>} : memref<2x4000x128xf32, #tpu.memory_space<vmem>>, vector<1x4000x128xf32>,
    %slice3A_13 = vector.extract_strided_slice %max3A_7 {offsets = [0, 128], sizes = [4000, 128], strides = [1, 1]} : vector<4000x256xf32> to vector<4000x128xf32>
    %swap3A_14 = arith.constant 1 : index
    %swap3A_15 = arith.constant 0 : index
    %swap3A_16 = arith.constant 0 : index
    %swap3A_17 = vector.load %arg3[%swap3A_14, %swap3A_15, %swap3A_16] : memref<2x4000x128xf32, #tpu.memory_space<vmem>>, vector<1x4000x128xf32>
    %swap3A_18 = vector.shape_cast %swap3A_17 : vector<1x4000x128xf32> to vector<4000x128xf32>
    %swap3A_19 = vector.shape_cast %slice3A_13 : vector<4000x128xf32> to vector<1x4000x128xf32>
    tpu.vector_store %arg3[%swap3A_14, %swap3A_15, %swap3A_16], %swap3A_19 {strides = array<i32>} : memref<2x4000x128xf32, #tpu.memory_space<vmem>>, vector<1x4000x128xf32>,
    return
  }
  func.func @transform_0(%arg0: i32) -> (i32, i32) {
    %c0_i32 = arith.constant 0 : i32
    %c0_i32_0 = arith.constant 0 : i32
    return %arg0, %c0_i32 : i32, i32
  }
  func.func @transform_1(%arg0: i32) -> (i32, i32) {
    %c0_i32 = arith.constant 0 : i32
    %c0_i32_0 = arith.constant 0 : i32
    %c0_i32_1 = arith.constant 0 : i32
    return %c0_i32, %c0_i32_0 : i32, i32
  }
  func.func @transform_2(%arg0: i32) -> (i32, i32, i32) {
    %c0_i32 = arith.constant 0 : i32
    %c0_i32_0 = arith.constant 0 : i32
    %c0_i32_1 = arith.constant 0 : i32
    return %c0_i32, %arg0, %c0_i32_0 : i32, i32, i32
  }
}

module attributes {stable_mosaic.version = 14 : i64} {
  func.func @_proj_body(%arg0: i32, %arg1: memref<1000x128xf32, #tpu.memory_space<vmem>>, %arg2: memref<128x256xf32, #tpu.memory_space<vmem>>, %arg3: memref<2x1000x128xf32, #tpu.memory_space<vmem>>) attributes {dimension_semantics = [#tpu.dimension_semantics<arbitrary>], iteration_bounds = array<i64: 10>, scalar_prefetch = 0 : i64, scratch_operands = 0 : i64, tpu.core_type = #tpu.core_type<tc>, window_params = [{transform_indices = @transform_0, window_bounds = array<i64: 1000, 128>}, {pipeline_mode = #tpu.pipeline_mode<synchronous>, transform_indices = @transform_1, window_bounds = array<i64: 128, 256>}, {transform_indices = @transform_2, window_bounds = array<i64: 2, 1000, 128>}]} {
    %get3A = arith.constant 0 : index
    %get3A_0 = arith.constant 0 : index
    %get3A_1 = vector.load %arg1[%get3A, %get3A_0] : memref<1000x128xf32, #tpu.memory_space<vmem>>, vector<1000x128xf32>
    %get3A_2 = arith.constant 0 : index
    %get3A_3 = arith.constant 0 : index
    %get3A_4 = vector.load %arg2[%get3A_2, %get3A_3] : memref<128x256xf32, #tpu.memory_space<vmem>>, vector<128x256xf32>
    %dot_general3A = arith.constant dense<0.000000e+00> : vector<1000x256xf32>
    %dot_general3A_5 = tpu.matmul %get3A_1, %get3A_4, %dot_general3A {dimension_numbers = #tpu.dot_dimension_numbers<[1], [0], [0], [1], [0, 0, 1, 1], [], []>, transpose_lhs_hint = false} : vector<1000x128xf32>, vector<128x256xf32>, vector<1000x256xf32> -> vector<1000x256xf32>
    %max3A = arith.constant 0.000000e+00 : f32
    %max3A_6 = vector.broadcast %max3A : f32 to vector<1000x256xf32>
    %max3A_7 = arith.maximumf %dot_general3A_5, %max3A_6 : vector<1000x256xf32>
    %slice3A = vector.extract_strided_slice %max3A_7 {offsets = [0, 0], sizes = [1000, 128], strides = [1, 1]} : vector<1000x256xf32> to vector<1000x128xf32>
    %swap3A = arith.constant 0 : index
    %swap3A_8 = arith.constant 0 : index
    %swap3A_9 = arith.constant 0 : index
    %swap3A_10 = vector.load %arg3[%swap3A, %swap3A_8, %swap3A_9] : memref<2x1000x128xf32, #tpu.memory_space<vmem>>, vector<1x1000x128xf32>
    %swap3A_11 = vector.shape_cast %swap3A_10 : vector<1x1000x128xf32> to vector<1000x128xf32>
    %swap3A_12 = vector.shape_cast %slice3A : vector<1000x128xf32> to vector<1x1000x128xf32>
    tpu.vector_store %arg3[%swap3A, %swap3A_8, %swap3A_9], %swap3A_12 {strides = array<i32>} : memref<2x1000x128xf32, #tpu.memory_space<vmem>>, vector<1x1000x128xf32>,
    %slice3A_13 = vector.extract_strided_slice %max3A_7 {offsets = [0, 128], sizes = [1000, 128], strides = [1, 1]} : vector<1000x256xf32> to vector<1000x128xf32>
    %swap3A_14 = arith.constant 1 : index
    %swap3A_15 = arith.constant 0 : index
    %swap3A_16 = arith.constant 0 : index
    %swap3A_17 = vector.load %arg3[%swap3A_14, %swap3A_15, %swap3A_16] : memref<2x1000x128xf32, #tpu.memory_space<vmem>>, vector<1x1000x128xf32>
    %swap3A_18 = vector.shape_cast %swap3A_17 : vector<1x1000x128xf32> to vector<1000x128xf32>
    %swap3A_19 = vector.shape_cast %slice3A_13 : vector<1000x128xf32> to vector<1x1000x128xf32>
    tpu.vector_store %arg3[%swap3A_14, %swap3A_15, %swap3A_16], %swap3A_19 {strides = array<i32>} : memref<2x1000x128xf32, #tpu.memory_space<vmem>>, vector<1x1000x128xf32>,
    return
  }
  func.func @transform_0(%arg0: i32) -> (i32, i32) {
    %c0_i32 = arith.constant 0 : i32
    %c0_i32_0 = arith.constant 0 : i32
    return %arg0, %c0_i32 : i32, i32
  }
  func.func @transform_1(%arg0: i32) -> (i32, i32) {
    %c0_i32 = arith.constant 0 : i32
    %c0_i32_0 = arith.constant 0 : i32
    %c0_i32_1 = arith.constant 0 : i32
    return %c0_i32, %c0_i32_0 : i32, i32
  }
  func.func @transform_2(%arg0: i32) -> (i32, i32, i32) {
    %c0_i32 = arith.constant 0 : i32
    %c0_i32_0 = arith.constant 0 : i32
    %c0_i32_1 = arith.constant 0 : i32
    return %c0_i32, %arg0, %c0_i32_0 : i32, i32, i32
  }
}

module attributes {stable_mosaic.version = 14 : i64} {
  func.func @_update_body(%arg0: i32, %arg1: memref<2x1000x128xf32, #tpu.memory_space<vmem>>, %arg2: memref<2x1000x128xf32, #tpu.memory_space<vmem>>, %arg3: memref<256x256xf32, #tpu.memory_space<vmem>>, %arg4: memref<2x1000x128xf32, #tpu.memory_space<vmem>>) attributes {dimension_semantics = [#tpu.dimension_semantics<arbitrary>], iteration_bounds = array<i64: 10>, scalar_prefetch = 0 : i64, scratch_operands = 0 : i64, tpu.core_type = #tpu.core_type<tc>, window_params = [{transform_indices = @transform_0, window_bounds = array<i64: 2, 1000, 128>}, {transform_indices = @transform_1, window_bounds = array<i64: 2, 1000, 128>}, {pipeline_mode = #tpu.pipeline_mode<synchronous>, transform_indices = @transform_2, window_bounds = array<i64: 256, 256>}, {transform_indices = @transform_3, window_bounds = array<i64: 2, 1000, 128>}]} {
    %get3A = arith.constant 0 : index
    %get3A_0 = arith.constant 0 : index
    %get3A_1 = arith.constant 0 : index
    %get3A_2 = vector.load %arg1[%get3A, %get3A_0, %get3A_1] : memref<2x1000x128xf32, #tpu.memory_space<vmem>>, vector<1x1000x128xf32>
    %get3A_3 = vector.shape_cast %get3A_2 : vector<1x1000x128xf32> to vector<1000x128xf32>
    %get3A_4 = arith.constant 1 : index
    %get3A_5 = arith.constant 0 : index
    %get3A_6 = arith.constant 0 : index
    %get3A_7 = vector.load %arg1[%get3A_4, %get3A_5, %get3A_6] : memref<2x1000x128xf32, #tpu.memory_space<vmem>>, vector<1x1000x128xf32>
    %get3A_8 = vector.shape_cast %get3A_7 : vector<1x1000x128xf32> to vector<1000x128xf32>
    %concatenate3A = tpu.concatenate %get3A_3, %get3A_8 in 1 : vector<1000x128xf32>, vector<1000x128xf32> -> vector<1000x256xf32>
    %get3A_9 = arith.constant 0 : index
    %get3A_10 = arith.constant 0 : index
    %get3A_11 = arith.constant 0 : index
    %get3A_12 = vector.load %arg2[%get3A_9, %get3A_10, %get3A_11] : memref<2x1000x128xf32, #tpu.memory_space<vmem>>, vector<1x1000x128xf32>
    %get3A_13 = vector.shape_cast %get3A_12 : vector<1x1000x128xf32> to vector<1000x128xf32>
    %get3A_14 = arith.constant 1 : index
    %get3A_15 = arith.constant 0 : index
    %get3A_16 = arith.constant 0 : index
    %get3A_17 = vector.load %arg2[%get3A_14, %get3A_15, %get3A_16] : memref<2x1000x128xf32, #tpu.memory_space<vmem>>, vector<1x1000x128xf32>
    %get3A_18 = vector.shape_cast %get3A_17 : vector<1x1000x128xf32> to vector<1000x128xf32>
    %concatenate3A_19 = tpu.concatenate %get3A_13, %get3A_18 in 1 : vector<1000x128xf32>, vector<1000x128xf32> -> vector<1000x256xf32>
    %get3A_20 = arith.constant 0 : index
    %get3A_21 = arith.constant 0 : index
    %get3A_22 = vector.load %arg3[%get3A_20, %get3A_21] : memref<256x256xf32, #tpu.memory_space<vmem>>, vector<256x256xf32>
    %dot_general3A = arith.constant dense<0.000000e+00> : vector<1000x256xf32>
    %dot_general3A_23 = tpu.matmul %concatenate3A, %get3A_22, %dot_general3A {dimension_numbers = #tpu.dot_dimension_numbers<[1], [0], [0], [1], [0, 0, 1, 1], [], []>, transpose_lhs_hint = false} : vector<1000x256xf32>, vector<256x256xf32>, vector<1000x256xf32> -> vector<1000x256xf32>
    %add3A = arith.addf %concatenate3A_19, %dot_general3A_23 : vector<1000x256xf32>
    %max3A = arith.constant 0.000000e+00 : f32
    %max3A_24 = vector.broadcast %max3A : f32 to vector<1000x256xf32>
    %max3A_25 = arith.maximumf %add3A, %max3A_24 : vector<1000x256xf32>
    %slice3A = vector.extract_strided_slice %max3A_25 {offsets = [0, 0], sizes = [1000, 128], strides = [1, 1]} : vector<1000x256xf32> to vector<1000x128xf32>
    %swap3A = arith.constant 0 : index
    %swap3A_26 = arith.constant 0 : index
    %swap3A_27 = arith.constant 0 : index
    %swap3A_28 = vector.load %arg4[%swap3A, %swap3A_26, %swap3A_27] : memref<2x1000x128xf32, #tpu.memory_space<vmem>>, vector<1x1000x128xf32>
    %swap3A_29 = vector.shape_cast %swap3A_28 : vector<1x1000x128xf32> to vector<1000x128xf32>
    %swap3A_30 = vector.shape_cast %slice3A : vector<1000x128xf32> to vector<1x1000x128xf32>
    tpu.vector_store %arg4[%swap3A, %swap3A_26, %swap3A_27], %swap3A_30 {strides = array<i32>} : memref<2x1000x128xf32, #tpu.memory_space<vmem>>, vector<1x1000x128xf32>,
    %slice3A_31 = vector.extract_strided_slice %max3A_25 {offsets = [0, 128], sizes = [1000, 128], strides = [1, 1]} : vector<1000x256xf32> to vector<1000x128xf32>
    %swap3A_32 = arith.constant 1 : index
    %swap3A_33 = arith.constant 0 : index
    %swap3A_34 = arith.constant 0 : index
    %swap3A_35 = vector.load %arg4[%swap3A_32, %swap3A_33, %swap3A_34] : memref<2x1000x128xf32, #tpu.memory_space<vmem>>, vector<1x1000x128xf32>
    %swap3A_36 = vector.shape_cast %swap3A_35 : vector<1x1000x128xf32> to vector<1000x128xf32>
    %swap3A_37 = vector.shape_cast %slice3A_31 : vector<1000x128xf32> to vector<1x1000x128xf32>
    tpu.vector_store %arg4[%swap3A_32, %swap3A_33, %swap3A_34], %swap3A_37 {strides = array<i32>} : memref<2x1000x128xf32, #tpu.memory_space<vmem>>, vector<1x1000x128xf32>,
    return
  }
  func.func @transform_0(%arg0: i32) -> (i32, i32, i32) {
    %c0_i32 = arith.constant 0 : i32
    %c0_i32_0 = arith.constant 0 : i32
    %c0_i32_1 = arith.constant 0 : i32
    return %c0_i32, %arg0, %c0_i32_0 : i32, i32, i32
  }
  func.func @transform_1(%arg0: i32) -> (i32, i32, i32) {
    %c0_i32 = arith.constant 0 : i32
    %c0_i32_0 = arith.constant 0 : i32
    %c0_i32_1 = arith.constant 0 : i32
    return %c0_i32, %arg0, %c0_i32_0 : i32, i32, i32
  }
  func.func @transform_2(%arg0: i32) -> (i32, i32) {
    %c0_i32 = arith.constant 0 : i32
    %c0_i32_0 = arith.constant 0 : i32
    %c0_i32_1 = arith.constant 0 : i32
    return %c0_i32, %c0_i32_0 : i32, i32
  }
  func.func @transform_3(%arg0: i32) -> (i32, i32, i32) {
    %c0_i32 = arith.constant 0 : i32
    %c0_i32_0 = arith.constant 0 : i32
    %c0_i32_1 = arith.constant 0 : i32
    return %c0_i32, %arg0, %c0_i32_0 : i32, i32, i32
  }
}

module attributes {stable_mosaic.version = 14 : i64} {
  func.func @_readout_body(%arg0: memref<2x10000x128xf32, #tpu.memory_space<vmem>>, %arg1: memref<1x10000xi32, #tpu.memory_space<vmem>>, %arg2: memref<256x256xf32, #tpu.memory_space<vmem>>, %arg3: memref<256xf32, #tpu.memory_space<vmem>>, %arg4: memref<256x12xf32, #tpu.memory_space<vmem>>, %arg5: memref<12xf32, #tpu.memory_space<vmem>>, %arg6: memref<256x12xf32, #tpu.memory_space<vmem>>) attributes {dimension_semantics = [], scalar_prefetch = 0 : i64, scratch_operands = 0 : i64, tpu.core_type = #tpu.core_type<tc>} {
    %get3A = arith.constant 0 : index
    %get3A_0 = arith.constant 0 : index
    %get3A_1 = arith.constant 0 : index
    %get3A_2 = vector.load %arg0[%get3A, %get3A_0, %get3A_1] : memref<2x10000x128xf32, #tpu.memory_space<vmem>>, vector<1x10000x128xf32>
    %get3A_3 = vector.shape_cast %get3A_2 : vector<1x10000x128xf32> to vector<10000x128xf32>
    %get3A_4 = arith.constant 1 : index
    %get3A_5 = arith.constant 0 : index
    %get3A_6 = arith.constant 0 : index
    %get3A_7 = vector.load %arg0[%get3A_4, %get3A_5, %get3A_6] : memref<2x10000x128xf32, #tpu.memory_space<vmem>>, vector<1x10000x128xf32>
    %get3A_8 = vector.shape_cast %get3A_7 : vector<1x10000x128xf32> to vector<10000x128xf32>
    %concatenate3A = tpu.concatenate %get3A_3, %get3A_8 in 1 : vector<10000x128xf32>, vector<10000x128xf32> -> vector<10000x256xf32>
    %get3A_9 = arith.constant 0 : index
    %get3A_10 = arith.constant 0 : index
    %get3A_11 = vector.load %arg1[%get3A_9, %get3A_10] : memref<1x10000xi32, #tpu.memory_space<vmem>>, vector<1x10000xi32>
    %iota3A = tpu.iota {dimensions = array<i32: 0>} : vector<256x1xi32>
    %eq3A = vector.broadcast %get3A_11 : vector<1x10000xi32> to vector<256x10000xi32>
    %eq3A_12 = vector.broadcast %iota3A : vector<256x1xi32> to vector<256x10000xi32>
    %eq3A_13 = arith.cmpi eq, %eq3A, %eq3A_12 : vector<256x10000xi32>
    %convert_element_type3A = arith.extui %eq3A_13 : vector<256x10000xi1> to vector<256x10000xi32>
    %convert_element_type3A_14 = arith.sitofp %convert_element_type3A : vector<256x10000xi32> to vector<256x10000xf32>
    %dot_general3A = arith.constant dense<0.000000e+00> : vector<256x256xf32>
    %dot_general3A_15 = tpu.matmul %convert_element_type3A_14, %concatenate3A, %dot_general3A {dimension_numbers = #tpu.dot_dimension_numbers<[1], [0], [0], [1], [0, 0, 1, 1], [], []>, transpose_lhs_hint = false} : vector<256x10000xf32>, vector<10000x256xf32>, vector<256x256xf32> -> vector<256x256xf32>
    %reduce_sum3A = arith.constant dense<0.000000e+00> : vector<256xf32>
    %reduce_sum3A_16 = vector.multi_reduction <add>, %convert_element_type3A_14, %reduce_sum3A [1] : vector<256x10000xf32> to vector<256xf32>
    %broadcast_in_dim3A = vector.shape_cast %reduce_sum3A_16 : vector<256xf32> to vector<256x1xf32>
    %max3A = arith.constant 1.000000e+00 : f32
    %max3A_17 = vector.broadcast %max3A : f32 to vector<256x1xf32>
    %max3A_18 = arith.maximumf %broadcast_in_dim3A, %max3A_17 : vector<256x1xf32>
    %div3A = vector.broadcast %max3A_18 : vector<256x1xf32> to vector<256x256xf32>
    %div3A_19 = arith.divf %dot_general3A_15, %div3A : vector<256x256xf32>
    %get3A_20 = arith.constant 0 : index
    %get3A_21 = arith.constant 0 : index
    %get3A_22 = vector.load %arg2[%get3A_20, %get3A_21] : memref<256x256xf32, #tpu.memory_space<vmem>>, vector<256x256xf32>
    %dot_general3A_23 = arith.constant dense<0.000000e+00> : vector<256x256xf32>
    %dot_general3A_24 = tpu.matmul %div3A_19, %get3A_22, %dot_general3A_23 {dimension_numbers = #tpu.dot_dimension_numbers<[1], [0], [0], [1], [0, 0, 1, 1], [], []>, transpose_lhs_hint = false} : vector<256x256xf32>, vector<256x256xf32>, vector<256x256xf32> -> vector<256x256xf32>
    %get3A_25 = arith.constant 0 : index
    %get3A_26 = vector.load %arg3[%get3A_25] : memref<256xf32, #tpu.memory_space<vmem>>, vector<256xf32>
    %broadcast_in_dim3A_27 = vector.shape_cast %get3A_26 : vector<256xf32> to vector<1x256xf32>
    %add3A = vector.broadcast %broadcast_in_dim3A_27 : vector<1x256xf32> to vector<256x256xf32>
    %add3A_28 = arith.addf %dot_general3A_24, %add3A : vector<256x256xf32>
    %max3A_29 = arith.constant 0.000000e+00 : f32
    %max3A_30 = vector.broadcast %max3A_29 : f32 to vector<256x256xf32>
    %max3A_31 = arith.maximumf %add3A_28, %max3A_30 : vector<256x256xf32>
    %get3A_32 = arith.constant 0 : index
    %get3A_33 = arith.constant 0 : index
    %get3A_34 = vector.load %arg4[%get3A_32, %get3A_33] : memref<256x12xf32, #tpu.memory_space<vmem>>, vector<256x12xf32>
    %dot_general3A_35 = arith.constant dense<0.000000e+00> : vector<256x12xf32>
    %dot_general3A_36 = tpu.matmul %max3A_31, %get3A_34, %dot_general3A_35 {dimension_numbers = #tpu.dot_dimension_numbers<[1], [0], [0], [1], [0, 0, 1, 1], [], []>, transpose_lhs_hint = false} : vector<256x256xf32>, vector<256x12xf32>, vector<256x12xf32> -> vector<256x12xf32>
    %get3A_37 = arith.constant 0 : index
    %get3A_38 = vector.load %arg5[%get3A_37] : memref<12xf32, #tpu.memory_space<vmem>>, vector<12xf32>
    %broadcast_in_dim3A_39 = vector.shape_cast %get3A_38 : vector<12xf32> to vector<1x12xf32>
    %add3A_40 = vector.broadcast %broadcast_in_dim3A_39 : vector<1x12xf32> to vector<256x12xf32>
    %add3A_41 = arith.addf %dot_general3A_36, %add3A_40 : vector<256x12xf32>
    %swap3A = arith.constant 0 : index
    %swap3A_42 = arith.constant 0 : index
    %swap3A_43 = vector.load %arg6[%swap3A, %swap3A_42] : memref<256x12xf32, #tpu.memory_space<vmem>>, vector<256x12xf32>
    tpu.vector_store %arg6[%swap3A, %swap3A_42], %add3A_41 {strides = array<i32>} : memref<256x12xf32, #tpu.memory_space<vmem>>, vector<256x12xf32>,
    return
  }
}

</mosaic_0001>

<sc_bundles>
// kernel: kernel.12.cloned.1.call-start
scs
__scs_entry_jumppad:
0x0: {  	(pc) =	sbr.rel $0x88, $3  }
0x1: {  	(tag) =	ssettag $0x0;
	lr =	simm.s32 $0x1  }
0x2: {  	[smem:$0x3F96] =	sst lr;
	_ =	strace $0xD0000000  }
0x3: {  	_ = 	snop  }
0x4: {  	_ = 	snop  }
0x5: {  	_ = 	snop  }
0x6: {  	_ = 	snop  }
0x7: {  	_ = 	snop  }
__scs_overlays_trampoline_lowered:
0x8: {  	[smem:$0x3FA5] =	sst s0  }
0x9: {  	[smem:$0x3FA6] =	sst s1  }
0xa: {  	[smem:$0x3FA7] =	sst s2  }
0xb: {  	[smem:$0x3FA8] =	sst s3  }
0xc: {  	[smem:$0x3FA9] =	sst s4  }
0xd: {  	[smem:$0x3FAA] =	sst s5  }
0xe: {  	[smem:$0x3FAB] =	sst s6  }
0xf: {  	[smem:$0x3FAC] =	sst s7  }
0x10: {  	[smem:$0x3FAD] =	sst s8  }
0x11: {  	[smem:$0x3FAE] =	sst s9;
	s0 =	simm.s32 @!p0 $0x0  }
0x12: {  	s1 =	sld [smem:$0x3F94];
	s0 =	simm.s32 @p0 $0x1  }
0x13: {  	[smem:$0x3FAF] =	sst s0;
	s0 =	simm.s32 @!p1 $0x0  }
0x14: {  	s2 =	sld [smem:$0x3F93];
	s0 =	simm.s32 @p1 $0x1  }
0x15: {  	[smem:$0x3FB0] =	sst s0;
	s0 =	simm.s32 @!p2 $0x0  }
0x16: {  	s3 =	sld [smem:$0x3FDB];
	s0 =	simm.s32 @p2 $0x1  }
0x17: {  	s4 =	simm.s32 $0x1BF5;
	[smem:$0x3FB2] =	sst s0  }
0x18: {  	s0 =	sld [smem:$0x3F95];
	_ =	swait.ge [sflag:s4], $0x0  }
0x19: {  	s7 =	sld [smem:$0x3F96]  }
0x1a: {  	s8 =	sadd.s32 $0xFFFFE003, lr  }
0x1b: {  	s9 =	sadd.s32 $0xFFFFFEF7, lr;
	s5 =	simm.s32 $0xFFFFFFFF;
	p2 =	slt.u32 s8, $0xFFFFF086  }
0x1c: {  	p1 =	slt.u32 s9, $0xF7A;
	s5 =	simm.s32 @!p2 $0x0  }
0x1d: {  	s5 =	simm.s32 @p1 $0x1;
	p0 =	seq.s32 s7, s2  }
0x1e: {  	s7 =	smul.u32 @!p0 $0xF7A, s2;
	p2 =	seq.s32 @!p0 s5, $0x0  }
0x1f: {  	s9 =	smul.u32 $0xF7A, s1;
	s8 =	simm.s32 @!p0 $0x1BF5;
	p2 =	por !p2, p0  }
0x20: {  	[sflag:s8] =	ssyncset.s32 @!p0 $0xFFFFF086;
	s6 =	sadd.s32 @!p0 s3, s7;
	s7 =	simm.s32 @!p0 $0x108  }
0x21: {  	s3 =	sadd.s32 s3, s9;
	s6 =	sadd.s32 @!p0 $0x88, s6;
	s7 =	simm.s32 @p2 $0x1082  }
0x22: {  	[simem:s7], [sflag:s8] =	dma.local @!p0 [hbm:s6], $0xF7A  }
0x23: {  	s9 =	sor.u32 $0xD0000000, s2;
	s6 =	simm.s32 $0x108;
	_ =	swait.ge @!p0 [sflag:s8], $0x0  }
0x24: {  	s3 =	sadd.s32 $0x88, s3;
	s6 =	simm.s32 @!p1 $0x1082;
	[sflag:s4] =	ssyncset.s32 $0xFFFFF086  }
0x25: {  	[simem:s6], [sflag:s4] =	dma.local [hbm:s3], $0xF7A  }
0x26: {  	[smem:$0x3F96] =	sst s1;
	(tag) =	ssettag s2;
	_ =	strace s9  }
0x27: {  	s1 =	sld [smem:$0x3FA6]  }
0x28: {  	s2 =	sld [smem:$0x3FA7]  }
0x29: {  	s4 =	sld [smem:$0x3FA9]  }
0x2a: {  	p0 =	seq.s32 s5, $0x0;
	s5 =	sld [smem:$0x3FAA]  }
0x2b: {  	s6 =	sld [smem:$0x3FAB]  }
0x2c: {  	s7 =	sld [smem:$0x3FAC]  }
0x2d: {  	s3 =	simm.s32 $0x108;
	s8 =	sld [smem:$0x3FAD]  }
0x2e: {  	s3 =	simm.s32 @!p0 $0x1082;
	s9 =	sld [smem:$0x3FAE]  }
0x2f: {  	lr =	sadd.s32 s0, s3;
	s0 =	sld [smem:$0x3FA5]  }
0x30: {  	s3 =	sld [smem:$0x3FA8]  }
0x31: {  	[smem:$0x3FB1] =	sst s10  }
0x32: {  	s10 =	sld [smem:$0x3FAF];
	_ =	sdelay $0x3  }
0x33: {  	p0 =	seq.s32 s10, $0x1;
	s10 =	sld [smem:$0x3FB1];
	_ =	sdelay $0x3  }
0x34: {  	[smem:$0x3FB1] =	sst s10  }
0x35: {  	s10 =	sld [smem:$0x3FB0];
	_ =	sdelay $0x3  }
0x36: {  	p1 =	seq.s32 s10, $0x1;
	s10 =	sld [smem:$0x3FB1];
	_ =	sdelay $0x3  }
0x37: {  	[smem:$0x3FB1] =	sst s10  }
0x38: {  	s10 =	sld [smem:$0x3FB2]  }
0x39: {  	_ = 	snop;
	(pc) =	sbr.ind lr, $3  }
0x3a: {  	_ = 	snop  }
0x3b: {  	_ = 	snop  }
0x3c: {  	p2 =	seq.s32 s10, $0x1;
	s10 =	sld [smem:$0x3FB1]  }
0x3d: {  	_ =	shalt  }
0x3e: {  	_ =	shalt  }
0x3f: {  	_ =	shalt  }
0x40: {  	_ =	shalt  }
0x41: {  	_ =	shalt  }
0x42: {  	_ =	shalt  }
0x43: {  	_ =	shalt  }
0x44: {  	_ =	shalt  }
0x45: {  	_ =	shalt  }
0x46: {  	_ =	shalt  }
0x47: {  	_ =	shalt  }
0x48: {  	_ =	shalt  }
0x49: {  	_ =	shalt  }
0x4a: {  	_ =	shalt  }
0x4b: {  	_ =	shalt  }
0x4c: {  	_ =	shalt  }
0x4d: {  	_ =	shalt  }
0x4e: {  	_ =	shalt  }
0x4f: {  	_ =	shalt  }
0x50: {  	_ =	shalt  }
0x51: {  	_ =	shalt  }
0x52: {  	_ =	shalt  }
0x53: {  	_ =	shalt  }
0x54: {  	_ =	shalt  }
0x55: {  	_ =	shalt  }
0x56: {  	_ =	shalt  }
0x57: {  	_ =	shalt  }
0x58: {  	_ =	shalt  }
0x59: {  	_ =	shalt  }
0x5a: {  	_ =	shalt  }
0x5b: {  	_ =	shalt  }
0x5c: {  	_ =	shalt  }
0x5d: {  	_ =	shalt  }
0x5e: {  	_ =	shalt  }
0x5f: {  	_ =	shalt  }
0x60: {  	_ =	shalt  }
0x61: {  	_ =	shalt  }
0x62: {  	_ =	shalt  }
0x63: {  	_ =	shalt  }
0x64: {  	_ =	shalt  }
0x65: {  	_ =	shalt  }
0x66: {  	_ =	shalt  }
0x67: {  	_ =	shalt  }
0x68: {  	_ =	shalt  }
0x69: {  	_ =	shalt  }
0x6a: {  	_ =	shalt  }
0x6b: {  	_ =	shalt  }
0x6c: {  	_ =	shalt  }
0x6d: {  	_ =	shalt  }
0x6e: {  	_ =	shalt  }
0x6f: {  	_ =	shalt  }
0x70: {  	_ =	shalt  }
0x71: {  	_ =	shalt  }
0x72: {  	_ =	shalt  }
0x73: {  	_ =	shalt  }
0x74: {  	_ =	shalt  }
0x75: {  	_ =	shalt  }
0x76: {  	_ =	shalt  }
0x77: {  	_ =	shalt  }
0x78: {  	_ =	shalt  }
0x79: {  	_ =	shalt  }
0x7a: {  	_ =	shalt  }
0x7b: {  	_ =	shalt  }
0x7c: {  	_ =	shalt  }
0x7d: {  	_ =	shalt  }
0x7e: {  	_ =	shalt  }
0x7f: {  	_ =	shalt  }
0x80: {  	_ =	shalt  }
0x81: {  	_ =	shalt  }
0x82: {  	_ =	shalt  }
0x83: {  	_ =	shalt  }
0x84: {  	_ =	shalt  }
0x85: {  	_ =	shalt  }
0x86: {  	_ =	shalt  }
0x87: {  	_ =	shalt  }
.Lfunc_end0:
.L_simem_size_0:
called_computation_lowered:
.L_overlay_start_0:
0x88: {  	s2 =	sld [smem:$0x3FD9]  }
0x89: {  	s3 =	sld [smem:$0x3FFE];
	_ =	sdelay $0x1  }
0x8a: {  	s1 =	srdreg.scid  }
0x8b: {  	s0 =	sand.u32 $0x1, s1  }
0x8c: {  	s16 =	sshll.u32 s0, $0xA;
	s2 =	sadd.s32 s3, s2  }
0x8d: {  	s2 =	sadd.s32 s2, s16  }
0x8e: {  	[smem:$0x3FBD] =	sst s2  }
0x8f: {  	_ = 	snop  }
0x90: {  	(tm) =	ssettm $0x1  }
0x91: {  	s17 =	sld [smem:$0x3FFB];
	_ =	sdelay $0x3  }
0x92: {  	_ =	strace s17  }
0x93: {  	s2 =	sld [smem:$0x3FFC];
	_ =	sdelay $0x3  }
0x94: {  	_ =	strace s2  }
0x95: {  	s2 =	sld [smem:$0x3FFD];
	_ =	sdelay $0x3  }
0x96: {  	_ =	strace s2  }
0x97: {  	_ =	strace $0x8FFFFFFF  }
0x98: {  	s18 =	sld [smem:$0x3FDB];
	_ =	sdelay $0x1  }
0x99: {  	s19 =	simm.s32 $_scs_section_size  }
0x9a: {  	s4 =	simm.s32 $_size__tile_overlayer_lowered;
	s5 =	simm.s32 $_tile_overlayer_lowered  }
0x9b: {  	s22 =	simm.s32 $0x1BFF;
	s21 =	sshll.u32 s5, $0x1;
	s2 =	sadd.s32 s19, s18  }
0x9c: {  	s6 =	simm.s32 $0x0;
	s20 =	sshll.u32 s4, $0x1;
	s4 =	sadd.s32 s21, s2  }
0x9d: {  	[timem:s6], [sflag:s22] =	dma.local [hbm:s4], s20  }
0x9e: {  	_ =	swait.ge [sflag:s22], s20  }
0x9f: {  	s3 =	ssub.s32 $0x0, s20;
	[sflag:s22] =	ssyncset.done $0x0  }
0xa0: {  	[sflag:s22] =	ssyncadd.s32 s3;
	_ =	sdelay $0x1  }
0xa1: {  	s23 =	simm.s32 $0x1B8B  }
0xa2: {  	_ =	swait.ge [sflag:s23], $0x1  }
0xa3: {  	[sflag:s23] =	ssyncset.done $0x0  }
0xa4: {  	s25 =	simm.s32 $0x1B8E;
	s24 =	sld [smem:$0x3FFE];
	[sflag:s23] =	ssyncadd.s32 $0xFFFFFFFF  }
0xa5: {  	s26 =	simm.s32 $execute0_lowered;
	[smem:$0x3FD2] =	sst s25  }
0xa6: {  	s4 =	sshll.u32 s26, $0x1;
	_ =	strace $0x80000046;
	[dreg:$0x1] =	wrdreg $0xFFFFFFFF  }
0xa7: {  	s28 =	simm.s32 $_size_execute0_lowered;
	s2 =	sadd.s32 s2, s4;
	[dreg:$0x0] =	wrdreg $0x0  }
0xa8: {  	s4 =	sshll.u32 s28, $0x1;
	[dreg:$0x2] =	wrdreg s2  }
0xa9: {  	[dreg:$0x3] =	wrdreg s4  }
0xaa: {  	[dreg:$0x4] =	wrdreg $0xC0  }
0xab: {  	_ =	task [dreg:s6], $0x5FFFF  }
0xac: {  	[dreg:$0x1] =	wrdreg $0xFFFFFFFF  }
0xad: {  	[dreg:$0x0] =	wrdreg $0x60  }
0xae: {  	[dreg:$0x2] =	wrdreg s24  }
0xaf: {  	[dreg:$0x3] =	wrdreg $0x90000  }
0xb0: {  	[dreg:$0x4] =	wrdreg $0x9  }
0xb1: {  	_ =	task.clear_ibuf [dreg:s6], $0x5FFFF;
	_ =	strace $0x90000046  }
0xb2: {  	s29 =	simm.s32 $0x9;
	_ =	strace $0x80000048  }
0xb3: {  	_ =	swait.ge [sflag:s29], $0x1  }
0xb4: {  	[sflag:s29] =	ssyncadd.s32 $0xFFFFFFFF  }
0xb5: {  	_ =	strace $0x90000048  }
0xb6: {  	_ =	sfence  }
0xb7: {  	s30 =	sld [smem:$0x0];
	_ =	sdelay $0x2  }
0xb8: {  	s31 =	sshll.u32 s1, $0xD;
	s1 =	sshrl.u32 s1, $0x2  }
0xb9: {  	s3 =	sand.u32 $0x4000, s31;
	s1 =	sadd.s32 s1, s30  }
0xba: {  	s0 =	sor.u32 s3, s0;
	s1 =	sshll.u32 s1, $0x11  }
0xbb: {  	s0 =	sor.u32 s1, s0  }
0xbc: {  	s0 =	sadd.s32 $0x8F2B, s0  }
0xbd: {  	[sflag:s0] =	ssyncadd.remote.s32 $0x1  }
0xbe: {  	_ =	sfence.sel $0xFFFF  }
0xbf: {  	[dreg:$0x0] =	wrdreg $0xFFFFFFFF;
	(pc) =	sbr.abs _section_cstart, $3  }
0xc0: {  	[dreg:$0x1] =	wrdreg $0xFFFFFFFF  }
0xc1: {  	_ =	task.clear_ibuf [dreg:s6], $0x2FFFF;
	_ =	strace $0x9FFFFFFF  }
0xc2: {  	(tm) =	ssettm $0x7FFFFFFF  }
0xc3: {  	_ =	shalt  }
tec
execute0_lowered:
.L_overlay_start_1:
0x0: {  	(tag) =	ssettag $0x1  }
0x1: {  	s0 =	rddreg [dreg:$0x0]  }
0x2: {  	s1 =	srdreg.scid;
	s2 =	rddreg [dreg:$0x1]  }
0x3: {  	s20 =	stileid.u32;
	s3 =	simm.s32 $0x0;
	s17 =	simm.s32 $0x3  }
0x4: {  	s18 =	simm.s32 $0x1000;
	s19 =	simm.s32 $0x5000;
	s21 =	simm.s32 $0x80  }
0x5: {  	s22 =	simm.s32 $0x2;
	s23 =	simm.s32 $0xF00;
	s24 =	simm.s32 $0xF80  }
0x6: {  	s25 =	simm.s32 $0x0;
	s1 =	sand.u32 $0x1, s1;
	s6 =	smul.u32 $0x14000, s20  }
0x7: {  	[smem:$0x7FF] =	sst s3;
	s4 =	sadd.s32 $0x502C00, s0;
	s8 =	smul.u32 $0x50000, s20  }
0x8: {  	s10 =	sshll.u32 s20, $0x6;
	s11 =	sshll.u32 s20, $0xE;
	s30 =	smul.u32 $0x270000, s20  }
0x9: {  	p0 =	slt.u32 s20, $0x4;
	s5 =	smul.u32 $0x140000, s1;
	_ =	strace $0x80000047  }
0xa: {  	s7 =	ssub.s32 $0x2, s1;
	s9 =	smul.u32 $0x2710000, s1;
	s10 =	sor.u32 $0x1C03, s10  }
0xb: {  	s14 =	sor.u32 $0x2700000, s11;
	s26 =	sshrl.u32 s7, $0x1;
	s28 =	sshrl.u32 s8, $0x2  }
0xc: {  	s8 =	smul.u32 $0x9C, s20;
	s5 =	sadd.s32 s6, s5;
	s13 =	ssub.s32 s7, s26  }
0xd: {  	s15 =	sadd.s32 s28, s2;
	s7 =	sor.u32 $0xC000, s30;
	s6 =	sshrl.u32 s5, $0x3  }
0xe: {  	s5 =	sadd.s32 $0x16C00, s0;
	s31 =	smax.u32 s13, $0x1;
	s0 =	sadd.s32 s6, s0  }
0xf: {  	s12 =	sor.u32 $0x1, s8;
	[dreg:$0x5] =	wrdreg s31;
	s29 =	sadd.s32 $0x20C00, s0  }
0x10: {  	s16 =	sshrl.u32 s15, $0x3;
	s0 =	sadd.s32 $0x70C00, s0;
	[dreg:$0x3] =	wrdreg s29  }
0x11: {  	s6 =	smul.u32 $0xA0, s20;
	s20 =	simm.s32 $0x1;
	[dreg:$0x4] =	wrdreg s0  }
.LBB2_1:
0x12: {  	s0 =	rddreg [dreg:$0x3]  }
0x13: {  	[spmem:s16], [sflag:s10] =	dma.local [hbm:s0], $0x2800  }
0x14: {  	_ =	swait.ge [sflag:s17], $0x2800  }
0x15: {  	[sflag:s17] =	ssyncset.done $0x0  }
0x16: {  	s26 =	simm.s32 $0x13400;
	s1 =	simm.s32 $0x0;
	[sflag:s17] =	ssyncadd.s32 $0xFFFFD800  }
0x17: {  	s30 =	simm.s32 $0x0;
	s0 =	smov.u32 s7;
	[bflag:$0x0] =	sbarrier.arrive $0xFFFF  }
.LBB2_2:
0x18: {  	s28 =	sshll.u32 s30, $0x5  }
0x19: {  	s29 =	sadd.s32 s6, s28  }
0x1a: {  	s29 =	sshll.u32 s29, $0x4  }
0x1b: {  	s31 =	simm.s32 $0x0;
	s15 =	sadd.s32 s8, s28;
	s29 =	sadd.s32 s5, s29  }
0x1c: {  	[tilespmem:s31], [sflag:$0x3] =	stream.linear.gather [hbm4b:s29+s31], $0x1000, $0x38;
	[tilespmem:$0x1D000] =	vst v63  }
0x1d: {  	s28 =	sadd.s32 s28, s12;
	s29 =	sshll.u32 s15, $0xE  }
0x1e: {  	s28 =	sshll.u32 s28, $0xE;
	_ =	swait.ge [sflag:s17], $0x1000;
	s29 =	sadd.s32 s9, s29  }
0x1f: {  	s28 =	sadd.s32 s9, s28;
	[sflag:s17] =	ssyncset.done $0x0;
	s29 =	sshrl.u32 s29, $0x3  }
0x20: {  	s28 =	sshrl.u32 s28, $0x3;
	[sflag:s17] =	ssyncadd.s32 $0xFFFFF000;
	s29 =	sadd.s32 s4, s29  }
0x21: {  	[tilespmem:s18], [sflag:$0x1] =	stream.linear.gather [hbm4b:s29+s31], $0x4000, $0x38;
	[tilespmem:$0x1D000] =	vst v63  }
0x22: {  	s28 =	sadd.s32 s4, s28  }
0x23: {  	[tilespmem:s19], [sflag:$0x2] =	stream.linear.gather [hbm4b:s28+s31], $0x4000, $0x38;
	[tilespmem:$0x1D000] =	vst v63  }
0x24: {  	p1 =	seq.s32 s26, $0x0;
	s28 =	smov.u32 s14  }
0x25: {  	s29 =	sadd.s32 $0xFFFFC000, s0;
	s28 =	simm.s32 @!p1 $0x0;
	_ =	swait.ge [sflag:s20], $0x4000  }
0x26: {  	p1 =	slt.u32 s1, $0x9A;
	[sflag:s20] =	ssyncset.done $0x0;
	s28 =	simm.s32 @!p0 $0x0  }
0x27: {  	s31 =	simm.s32 $0x0;
	[sflag:s20] =	ssyncadd.s32 $0xFFFFC000;
	s28 =	smov.u32 @p1 s29  }
0x28: {  	[spmem:s2] =	stream.indirect.scatter.add.f32 [tilespmem:s18], [sflag:$0x3], $0x80, s31, s21, $0xb8;
	[tilespmem:$0x1D000] =	vst v63  }
0x29: {  	s28 =	sadd.s32 s9, s28;
	_ =	swait.ge [sflag:s17], $0x4000  }
0x2a: {  	s28 =	sshrl.u32 s28, $0x3;
	[sflag:s17] =	ssyncset.done $0x0  }
0x2b: {  	s28 =	sadd.s32 s4, s28;
	[sflag:s17] =	ssyncadd.s32 $0xFFFFC000  }
0x2c: {  	[tilespmem:s18], [sflag:$0x1] =	stream.linear.gather [hbm4b:s28+s3], $0x4000, $0x38;
	[tilespmem:$0x1D000] =	vst v63  }
0x2d: {  	_ =	swait.ge [sflag:s22], $0x4000  }
0x2e: {  	[sflag:s22] =	ssyncset.done $0x0  }
0x2f: {  	p2 =	slt.u32 s1, $0x99;
	s28 =	simm.s32 $0x80;
	[sflag:s22] =	ssyncadd.s32 $0xFFFFC000  }
0x30: {  	[spmem:s2] =	stream.indirect.scatter.add.f32 [tilespmem:s19], [sflag:$0x3], $0x80, s28, s21, $0xb8;
	[tilespmem:$0x1D000] =	vst v63  }
0x31: {  	s15 =	smov.u32 s0;
	s31 =	simm.s32 $0x400;
	s28 =	smov.u32 s1  }
.LBB2_3:
0x32: {  	s29 =	smov.u32 s15;
	s15 =	sadd.s32 $0x8000, s15;
	s28 =	sadd.s32 $0x2, s28  }
0x33: {  	s13 =	smov.u32 s31;
	p1 =	sne.s32 s31, $0x3800;
	s29 =	simm.s32 @!p2 $0x0  }
0x34: {  	s11 =	smov.u32 s14;
	_ =	swait.ge [sflag:s17], $0x4000;
	s29 =	sadd.s32 s9, s29  }
0x35: {  	p2 =	seq.s32 s26, s31;
	[sflag:s17] =	ssyncset.done $0x0;
	s29 =	sshrl.u32 s29, $0x3  }
0x36: {  	s11 =	simm.s32 @!p2 $0x0;
	[sflag:s17] =	ssyncadd.s32 $0xFFFFC000;
	s29 =	sadd.s32 s4, s29  }
0x37: {  	[tilespmem:s19], [sflag:$0x2] =	stream.linear.gather [hbm4b:s29+s3], $0x4000, $0x38;
	[tilespmem:$0x1D000] =	vst v63  }
0x38: {  	s31 =	sadd.s32 $0x400, s31;
	s29 =	sadd.s32 $0xFFFFC000, s15;
	_ =	swait.ge [sflag:s20], $0x4000  }
0x39: {  	p2 =	slt.u32 s28, $0x9A;
	s11 =	simm.s32 @!p0 $0x0;
	[sflag:s20] =	ssyncset.done $0x0  }
0x3a: {  	s13 =	sshra.s32 s13, $0x2;
	s11 =	smov.u32 @p2 s29;
	[sflag:s20] =	ssyncadd.s32 $0xFFFFC000  }
0x3b: {  	[spmem:s2] =	stream.indirect.scatter.add.f32 [tilespmem:s18], [sflag:$0x3], $0x80, s13, s21, $0xb8;
	[tilespmem:$0x1D000] =	vst v63  }
0x3c: {  	s11 =	sadd.s32 s9, s11;
	_ =	swait.ge [sflag:s17], $0x4000  }
0x3d: {  	s11 =	sshrl.u32 s11, $0x3;
	[sflag:s17] =	ssyncset.done $0x0  }
0x3e: {  	s11 =	sadd.s32 s4, s11;
	[sflag:s17] =	ssyncadd.s32 $0xFFFFC000  }
0x3f: {  	[tilespmem:s18], [sflag:$0x1] =	stream.linear.gather [hbm4b:s11+s3], $0x4000, $0x38;
	[tilespmem:$0x1D000] =	vst v63  }
.Ltmp0:
0x40: {  	_ = 	snop;
	(pc) =	sbr.rel @p1 .LBB2_3-.Ltmp0, $4  }
0x41: {  	_ =	swait.ge [sflag:s22], $0x4000  }
0x42: {  	[sflag:s22] =	ssyncset.done $0x0  }
0x43: {  	p2 =	slt.u32 s28, $0x99;
	s11 =	sadd.s32 $0x80, s13;
	[sflag:s22] =	ssyncadd.s32 $0xFFFFC000  }
0x44: {  	[spmem:s2] =	stream.indirect.scatter.add.f32 [tilespmem:s19], [sflag:$0x3], $0x80, s11, s21, $0xb8;
	[tilespmem:$0x1D000] =	vst v63  }
0x45: {  	s15 =	simm.s32 @!p2 $0x0  }
0x46: {  	_ =	swait.ge [sflag:s17], $0x4000;
	s11 =	sadd.s32 s9, s15  }
0x47: {  	[sflag:s17] =	ssyncset.done $0x0;
	s11 =	sshrl.u32 s11, $0x3  }
0x48: {  	[sflag:s17] =	ssyncadd.s32 $0xFFFFC000;
	s11 =	sadd.s32 s4, s11  }
0x49: {  	[tilespmem:s19], [sflag:$0x2] =	stream.linear.gather [hbm4b:s11+s3], $0x4000, $0x38;
	[tilespmem:$0x1D000] =	vst v63  }
0x4a: {  	_ =	swait.ge [sflag:s20], $0x4000  }
0x4b: {  	[sflag:s20] =	ssyncset.done $0x0  }
0x4c: {  	[sflag:s20] =	ssyncadd.s32 $0xFFFFC000  }
0x4d: {  	[spmem:s2] =	stream.indirect.scatter.add.f32 [tilespmem:s18], [sflag:$0x3], $0x80, s23, s21, $0xb8;
	[tilespmem:$0x1D000] =	vst v63  }
0x4e: {  	_ =	swait.ge [sflag:s17], $0x4000  }
0x4f: {  	[sflag:s17] =	ssyncset.done $0x0  }
0x50: {  	[sflag:s17] =	ssyncadd.s32 $0xFFFFC000  }
0x51: {  	s30 =	sadd.s32 $0x1, s30;
	_ =	swait.ge [sflag:s22], $0x4000  }
0x52: {  	p1 =	sne.s32 s30, $0x5;
	[sflag:s22] =	ssyncset.done $0x0  }
.Ltmp1:
0x53: {  	[sflag:s22] =	ssyncadd.s32 $0xFFFFC000;
	(pc) =	sbr.rel @p1 .LBB2_2-.Ltmp1, $4  }
0x54: {  	[spmem:s2] =	stream.indirect.scatter.add.f32 [tilespmem:s19], [sflag:$0x3], $0x80, s24, s21, $0xb8;
	[tilespmem:$0x1D000] =	vst v63  }
0x55: {  	_ =	swait.ge [sflag:s17], $0x4000  }
0x56: {  	s0 =	sadd.s32 $0x80000, s0;
	[sflag:s17] =	ssyncset.done $0x0  }
0x57: {  	s26 =	sadd.s32 $0xFFFFC000, s26;
	s1 =	sadd.s32 $0x20, s1;
	[sflag:s17] =	ssyncadd.s32 $0xFFFFC000  }
0x58: {  	[bflag:$0x0] =	sbarrier.arrive $0xFFFF  }
0x59: {  	s0 =	rddreg [dreg:$0x4]  }
0x5a: {  	[hbm:s0], [sflag:s10] =	dma.local [spmem:s16], $0x2800  }
0x5b: {  	_ =	swait.ge [sflag:s17], $0x2800  }
0x5c: {  	s25 =	sadd.s32 $0x1, s25;
	s31 =	rddreg [dreg:$0x5]  }
0x5d: {  	p1 =	sne.s32 s25, s31  }
.Ltmp2:
0x5e: {  	_ = 	snop;
	(pc) =	sbr.rel @p1 .LBB2_1-.Ltmp2, $3  }
0x5f: {  	_ =	sdelay $0x1  }
0x60: {  	[sflag:s17] =	ssyncset.done $0x0  }
0x61: {  	[sflag:s17] =	ssyncadd.s32 $0xFFFFD800  }
0x62: {  	_ =	sfence.sel $0x180000  }
0x63: {  	[bflag:$0x0] =	sbarrier.arrive $0xFFFF  }
0x64: {  	_ =	strace $0x90000047  }
0x65: {  	s0 =	stileid.u32;
	[bflag:$0x2] =	sbarrier.arrive $0xFFFF  }
0x66: {  	p0 =	sne.s32 s0, $0x0;
	s0 =	rddreg [dreg:$0x2]  }
0x67: {  	s0 =	sadd.s32 @!p0 $0x100000, s0  }
0x68: {  	[sflag:s0] =	ssyncadd.tile.s32 @!p0 $0x1;
	_ =	shalt  }
.Lfunc_end2:
_tile_overlayer_lowered:
.L_overlay_start_2:
0x69: {  	(tag) =	ssettag $0x2  }
0x6a: {  	s0 =	rddreg [dreg:$0x0];
	s2 =	stileid.u32  }
0x6b: {  	s1 =	rddreg [dreg:$0x1];
	p0 =	sne.s32 s2, $0x0  }
0x6c: {  	s3 =	rddreg [dreg:$0x2];
	[bflag:$0x3] =	sbarrier.arrive $0xFFFF;
	s2 =	simm.s32 @!p0 $0x1C03  }
0x6d: {  	[timem:s3], [sflag:s2] =	dma.local @!p0 [hbm:s0], s1  }
0x6e: {  	s0 =	simm.s32 @!p0 $0x3  }
0x6f: {  	_ =	swait.ge @!p0 [sflag:s0], s1  }
0x70: {  	s1 =	ssub.s32 @!p0 $0x0, s1;
	[sflag:s0] =	ssyncset.done @!p0 $0x0  }
0x71: {  	[sflag:s0] =	ssyncadd.s32 @!p0 s1  }
0x72: {  	[bflag:$0x3] =	sbarrier.arrive $0xFFFF  }
0x73: {  	_ =	shalt  }

// kernel: kernel.15.cloned.1.call-start
scs
__scs_entry_jumppad:
0x0: {  	(pc) =	sbr.rel $0x88, $3  }
0x1: {  	(tag) =	ssettag $0x0;
	lr =	simm.s32 $0x1  }
0x2: {  	[smem:$0x3F96] =	sst lr;
	_ =	strace $0xD0000000  }
0x3: {  	_ = 	snop  }
0x4: {  	_ = 	snop  }
0x5: {  	_ = 	snop  }
0x6: {  	_ = 	snop  }
0x7: {  	_ = 	snop  }
__scs_overlays_trampoline_lowered:
0x8: {  	[smem:$0x3FA5] =	sst s0  }
0x9: {  	[smem:$0x3FA6] =	sst s1  }
0xa: {  	[smem:$0x3FA7] =	sst s2  }
0xb: {  	[smem:$0x3FA8] =	sst s3  }
0xc: {  	[smem:$0x3FA9] =	sst s4  }
0xd: {  	[smem:$0x3FAA] =	sst s5  }
0xe: {  	[smem:$0x3FAB] =	sst s6  }
0xf: {  	[smem:$0x3FAC] =	sst s7  }
0x10: {  	[smem:$0x3FAD] =	sst s8  }
0x11: {  	[smem:$0x3FAE] =	sst s9;
	s0 =	simm.s32 @!p0 $0x0  }
0x12: {  	s1 =	sld [smem:$0x3F94];
	s0 =	simm.s32 @p0 $0x1  }
0x13: {  	[smem:$0x3FAF] =	sst s0;
	s0 =	simm.s32 @!p1 $0x0  }
0x14: {  	s2 =	sld [smem:$0x3F93];
	s0 =	simm.s32 @p1 $0x1  }
0x15: {  	[smem:$0x3FB0] =	sst s0;
	s0 =	simm.s32 @!p2 $0x0  }
0x16: {  	s3 =	sld [smem:$0x3FDB];
	s0 =	simm.s32 @p2 $0x1  }
0x17: {  	s4 =	simm.s32 $0x1BF5;
	[smem:$0x3FB2] =	sst s0  }
0x18: {  	s0 =	sld [smem:$0x3F95];
	_ =	swait.ge [sflag:s4], $0x0  }
0x19: {  	s7 =	sld [smem:$0x3F96]  }
0x1a: {  	s8 =	sadd.s32 $0xFFFFE003, lr  }
0x1b: {  	s9 =	sadd.s32 $0xFFFFFEF7, lr;
	s5 =	simm.s32 $0xFFFFFFFF;
	p2 =	slt.u32 s8, $0xFFFFF086  }
0x1c: {  	p1 =	slt.u32 s9, $0xF7A;
	s5 =	simm.s32 @!p2 $0x0  }
0x1d: {  	s5 =	simm.s32 @p1 $0x1;
	p0 =	seq.s32 s7, s2  }
0x1e: {  	s7 =	smul.u32 @!p0 $0xF7A, s2;
	p2 =	seq.s32 @!p0 s5, $0x0  }
0x1f: {  	s9 =	smul.u32 $0xF7A, s1;
	s8 =	simm.s32 @!p0 $0x1BF5;
	p2 =	por !p2, p0  }
0x20: {  	[sflag:s8] =	ssyncset.s32 @!p0 $0xFFFFF086;
	s6 =	sadd.s32 @!p0 s3, s7;
	s7 =	simm.s32 @!p0 $0x108  }
0x21: {  	s3 =	sadd.s32 s3, s9;
	s6 =	sadd.s32 @!p0 $0x88, s6;
	s7 =	simm.s32 @p2 $0x1082  }
0x22: {  	[simem:s7], [sflag:s8] =	dma.local @!p0 [hbm:s6], $0xF7A  }
0x23: {  	s9 =	sor.u32 $0xD0000000, s2;
	s6 =	simm.s32 $0x108;
	_ =	swait.ge @!p0 [sflag:s8], $0x0  }
0x24: {  	s3 =	sadd.s32 $0x88, s3;
	s6 =	simm.s32 @!p1 $0x1082;
	[sflag:s4] =	ssyncset.s32 $0xFFFFF086  }
0x25: {  	[simem:s6], [sflag:s4] =	dma.local [hbm:s3], $0xF7A  }
0x26: {  	[smem:$0x3F96] =	sst s1;
	(tag) =	ssettag s2;
	_ =	strace s9  }
0x27: {  	s1 =	sld [smem:$0x3FA6]  }
0x28: {  	s2 =	sld [smem:$0x3FA7]  }
0x29: {  	s4 =	sld [smem:$0x3FA9]  }
0x2a: {  	p0 =	seq.s32 s5, $0x0;
	s5 =	sld [smem:$0x3FAA]  }
0x2b: {  	s6 =	sld [smem:$0x3FAB]  }
0x2c: {  	s7 =	sld [smem:$0x3FAC]  }
0x2d: {  	s3 =	simm.s32 $0x108;
	s8 =	sld [smem:$0x3FAD]  }
0x2e: {  	s3 =	simm.s32 @!p0 $0x1082;
	s9 =	sld [smem:$0x3FAE]  }
0x2f: {  	lr =	sadd.s32 s0, s3;
	s0 =	sld [smem:$0x3FA5]  }
0x30: {  	s3 =	sld [smem:$0x3FA8]  }
0x31: {  	[smem:$0x3FB1] =	sst s10  }
0x32: {  	s10 =	sld [smem:$0x3FAF];
	_ =	sdelay $0x3  }
0x33: {  	p0 =	seq.s32 s10, $0x1;
	s10 =	sld [smem:$0x3FB1];
	_ =	sdelay $0x3  }
0x34: {  	[smem:$0x3FB1] =	sst s10  }
0x35: {  	s10 =	sld [smem:$0x3FB0];
	_ =	sdelay $0x3  }
0x36: {  	p1 =	seq.s32 s10, $0x1;
	s10 =	sld [smem:$0x3FB1];
	_ =	sdelay $0x3  }
0x37: {  	[smem:$0x3FB1] =	sst s10  }
0x38: {  	s10 =	sld [smem:$0x3FB2]  }
0x39: {  	_ = 	snop;
	(pc) =	sbr.ind lr, $3  }
0x3a: {  	_ = 	snop  }
0x3b: {  	_ = 	snop  }
0x3c: {  	p2 =	seq.s32 s10, $0x1;
	s10 =	sld [smem:$0x3FB1]  }
0x3d: {  	_ =	shalt  }
0x3e: {  	_ =	shalt  }
0x3f: {  	_ =	shalt  }
0x40: {  	_ =	shalt  }
0x41: {  	_ =	shalt  }
0x42: {  	_ =	shalt  }
0x43: {  	_ =	shalt  }
0x44: {  	_ =	shalt  }
0x45: {  	_ =	shalt  }
0x46: {  	_ =	shalt  }
0x47: {  	_ =	shalt  }
0x48: {  	_ =	shalt  }
0x49: {  	_ =	shalt  }
0x4a: {  	_ =	shalt  }
0x4b: {  	_ =	shalt  }
0x4c: {  	_ =	shalt  }
0x4d: {  	_ =	shalt  }
0x4e: {  	_ =	shalt  }
0x4f: {  	_ =	shalt  }
0x50: {  	_ =	shalt  }
0x51: {  	_ =	shalt  }
0x52: {  	_ =	shalt  }
0x53: {  	_ =	shalt  }
0x54: {  	_ =	shalt  }
0x55: {  	_ =	shalt  }
0x56: {  	_ =	shalt  }
0x57: {  	_ =	shalt  }
0x58: {  	_ =	shalt  }
0x59: {  	_ =	shalt  }
0x5a: {  	_ =	shalt  }
0x5b: {  	_ =	shalt  }
0x5c: {  	_ =	shalt  }
0x5d: {  	_ =	shalt  }
0x5e: {  	_ =	shalt  }
0x5f: {  	_ =	shalt  }
0x60: {  	_ =	shalt  }
0x61: {  	_ =	shalt  }
0x62: {  	_ =	shalt  }
0x63: {  	_ =	shalt  }
0x64: {  	_ =	shalt  }
0x65: {  	_ =	shalt  }
0x66: {  	_ =	shalt  }
0x67: {  	_ =	shalt  }
0x68: {  	_ =	shalt  }
0x69: {  	_ =	shalt  }
0x6a: {  	_ =	shalt  }
0x6b: {  	_ =	shalt  }
0x6c: {  	_ =	shalt  }
0x6d: {  	_ =	shalt  }
0x6e: {  	_ =	shalt  }
0x6f: {  	_ =	shalt  }
0x70: {  	_ =	shalt  }
0x71: {  	_ =	shalt  }
0x72: {  	_ =	shalt  }
0x73: {  	_ =	shalt  }
0x74: {  	_ =	shalt  }
0x75: {  	_ =	shalt  }
0x76: {  	_ =	shalt  }
0x77: {  	_ =	shalt  }
0x78: {  	_ =	shalt  }
0x79: {  	_ =	shalt  }
0x7a: {  	_ =	shalt  }
0x7b: {  	_ =	shalt  }
0x7c: {  	_ =	shalt  }
0x7d: {  	_ =	shalt  }
0x7e: {  	_ =	shalt  }
0x7f: {  	_ =	shalt  }
0x80: {  	_ =	shalt  }
0x81: {  	_ =	shalt  }
0x82: {  	_ =	shalt  }
0x83: {  	_ =	shalt  }
0x84: {  	_ =	shalt  }
0x85: {  	_ =	shalt  }
0x86: {  	_ =	shalt  }
0x87: {  	_ =	shalt  }
.Lfunc_end0:
.L_simem_size_0:
called_computation.1_lowered:
.L_overlay_start_0:
0x88: {  	s2 =	sld [smem:$0x3FD9]  }
0x89: {  	s3 =	sld [smem:$0x3FFE];
	_ =	sdelay $0x1  }
0x8a: {  	s1 =	srdreg.scid  }
0x8b: {  	s0 =	sand.u32 $0x1, s1  }
0x8c: {  	s16 =	sshll.u32 s0, $0xA;
	s2 =	sadd.s32 s3, s2  }
0x8d: {  	s2 =	sadd.s32 s2, s16  }
0x8e: {  	[smem:$0x3FBD] =	sst s2  }
0x8f: {  	_ = 	snop  }
0x90: {  	(tm) =	ssettm $0x1  }
0x91: {  	s17 =	sld [smem:$0x3FFB];
	_ =	sdelay $0x3  }
0x92: {  	_ =	strace s17  }
0x93: {  	s2 =	sld [smem:$0x3FFC];
	_ =	sdelay $0x3  }
0x94: {  	_ =	strace s2  }
0x95: {  	s2 =	sld [smem:$0x3FFD];
	_ =	sdelay $0x3  }
0x96: {  	_ =	strace s2  }
0x97: {  	_ =	strace $0x8FFFFFFF  }
0x98: {  	s18 =	sld [smem:$0x3FDB];
	_ =	sdelay $0x1  }
0x99: {  	s19 =	simm.s32 $_scs_section_size  }
0x9a: {  	s4 =	simm.s32 $_size__tile_overlayer_lowered;
	s5 =	simm.s32 $_tile_overlayer_lowered  }
0x9b: {  	s22 =	simm.s32 $0x1BFF;
	s21 =	sshll.u32 s5, $0x1;
	s2 =	sadd.s32 s19, s18  }
0x9c: {  	s6 =	simm.s32 $0x0;
	s20 =	sshll.u32 s4, $0x1;
	s4 =	sadd.s32 s21, s2  }
0x9d: {  	[timem:s6], [sflag:s22] =	dma.local [hbm:s4], s20  }
0x9e: {  	_ =	swait.ge [sflag:s22], s20  }
0x9f: {  	s3 =	ssub.s32 $0x0, s20;
	[sflag:s22] =	ssyncset.done $0x0  }
0xa0: {  	[sflag:s22] =	ssyncadd.s32 s3;
	_ =	sdelay $0x1  }
0xa1: {  	s23 =	simm.s32 $0x1B8B  }
0xa2: {  	_ =	swait.ge [sflag:s23], $0x1  }
0xa3: {  	[sflag:s23] =	ssyncset.done $0x0  }
0xa4: {  	s25 =	simm.s32 $0x1B8E;
	s24 =	sld [smem:$0x3FFE];
	[sflag:s23] =	ssyncadd.s32 $0xFFFFFFFF  }
0xa5: {  	s26 =	simm.s32 $execute0_lowered;
	[smem:$0x3FD2] =	sst s25  }
0xa6: {  	s4 =	sshll.u32 s26, $0x1;
	_ =	strace $0x80000049;
	[dreg:$0x1] =	wrdreg $0xFFFFFFFF  }
0xa7: {  	s28 =	simm.s32 $_size_execute0_lowered;
	s2 =	sadd.s32 s2, s4;
	[dreg:$0x0] =	wrdreg $0x0  }
0xa8: {  	s4 =	sshll.u32 s28, $0x1;
	[dreg:$0x2] =	wrdreg s2  }
0xa9: {  	[dreg:$0x3] =	wrdreg s4  }
0xaa: {  	[dreg:$0x4] =	wrdreg $0xC0  }
0xab: {  	_ =	task [dreg:s6], $0x5FFFF  }
0xac: {  	[dreg:$0x1] =	wrdreg $0xFFFFFFFF  }
0xad: {  	[dreg:$0x0] =	wrdreg $0x60  }
0xae: {  	[dreg:$0x2] =	wrdreg s24  }
0xaf: {  	[dreg:$0x3] =	wrdreg $0xA0000  }
0xb0: {  	[dreg:$0x4] =	wrdreg $0x9  }
0xb1: {  	_ =	task.clear_ibuf [dreg:s6], $0x5FFFF;
	_ =	strace $0x90000049  }
0xb2: {  	s29 =	simm.s32 $0x9;
	_ =	strace $0x8000004B  }
0xb3: {  	_ =	swait.ge [sflag:s29], $0x1  }
0xb4: {  	[sflag:s29] =	ssyncadd.s32 $0xFFFFFFFF  }
0xb5: {  	_ =	strace $0x9000004B  }
0xb6: {  	_ =	sfence  }
0xb7: {  	s30 =	sld [smem:$0x0];
	_ =	sdelay $0x2  }
0xb8: {  	s31 =	sshll.u32 s1, $0xD;
	s1 =	sshrl.u32 s1, $0x2  }
0xb9: {  	s3 =	sand.u32 $0x4000, s31;
	s1 =	sadd.s32 s1, s30  }
0xba: {  	s0 =	sor.u32 s3, s0;
	s1 =	sshll.u32 s1, $0x11  }
0xbb: {  	s0 =	sor.u32 s1, s0  }
0xbc: {  	s0 =	sadd.s32 $0x8F2B, s0  }
0xbd: {  	[sflag:s0] =	ssyncadd.remote.s32 $0x1  }
0xbe: {  	_ =	sfence.sel $0xFFFF  }
0xbf: {  	[dreg:$0x0] =	wrdreg $0xFFFFFFFF;
	(pc) =	sbr.abs _section_cstart, $3  }
0xc0: {  	[dreg:$0x1] =	wrdreg $0xFFFFFFFF  }
0xc1: {  	_ =	task.clear_ibuf [dreg:s6], $0x2FFFF;
	_ =	strace $0x9FFFFFFF  }
0xc2: {  	(tm) =	ssettm $0x7FFFFFFF  }
0xc3: {  	_ =	shalt  }
tec
execute0_lowered:
.L_overlay_start_1:
0x0: {  	(tag) =	ssettag $0x1  }
0x1: {  	s7 =	rddreg [dreg:$0x0]  }
0x2: {  	s1 =	rddreg [dreg:$0x1]  }
0x3: {  	s0 =	rddreg [dreg:$0x2];
	s3 =	simm.s32 $0x0  }
0x4: {  	s2 =	srdreg.scid;
	s15 =	simm.s32 $0x1000;
	s16 =	simm.s32 $0x80  }
0x5: {  	s17 =	simm.s32 $0x2000;
	s18 =	simm.s32 $0x6000;
	s19 =	simm.s32 $0x1  }
0x6: {  	s20 =	simm.s32 $0x2;
	s21 =	simm.s32 $0x1F00;
	s10 =	sand.u32 $0x1, s2  }
0x7: {  	s22 =	simm.s32 $0x1F80;
	s2 =	stileid.u32;
	s6 =	smul.u32 $0x140000, s10  }
0x8: {  	[smem:$0x7FF] =	sst s3;
	s5 =	sadd.s32 $0x118E00, s7;
	s8 =	smul.u32 $0x14000, s2  }
0x9: {  	s4 =	sadd.s32 $0xC0C00, s7;
	_ =	strace $0x8000004A;
	s11 =	smul.u32 $0x50000, s2  }
0xa: {  	s9 =	ssub.s32 $0x2, s10;
	s31 =	sshll.u32 s2, $0x6;
	s10 =	smul.u32 $0x50000, s10  }
0xb: {  	s12 =	sshrl.u32 s9, $0x1;
	s8 =	sadd.s32 s8, s6;
	s6 =	sadd.s32 $0x10EE00, s7  }
0xc: {  	s12 =	ssub.s32 s9, s12;
	s30 =	sshrl.u32 s11, $0x2;
	s8 =	sshrl.u32 s8, $0x3  }
0xd: {  	s9 =	sor.u32 $0x1C03, s31;
	s14 =	sadd.s32 s30, s1;
	s13 =	sadd.s32 s8, s7  }
0xe: {  	s12 =	smax.u32 s12, $0x1;
	s7 =	smul.u32 $0x5000, s2;
	s8 =	sadd.s32 $0x70C00, s13  }
0xf: {  	s11 =	sadd.s32 $0x3000, s13;
	s13 =	sshrl.u32 s14, $0x3;
	s14 =	simm.s32 $0x3  }
.LBB2_1:
0x10: {  	[spmem:s13], [sflag:s9] =	dma.local [hbm:s8], $0x2800  }
0x11: {  	_ =	swait.ge [sflag:s14], $0x2800  }
0x12: {  	[sflag:s14] =	ssyncset.done $0x0  }
0x13: {  	[sflag:s14] =	ssyncadd.s32 $0xFFFFD800  }
0x14: {  	s23 =	simm.s32 $0x0;
	[bflag:$0x0] =	sbarrier.arrive $0xFFFF  }
.LBB2_2:
0x15: {  	s24 =	sshll.u32 s23, $0xC  }
0x16: {  	s24 =	sadd.s32 s7, s24  }
0x17: {  	s25 =	sadd.s32 s10, s24  }
0x18: {  	s25 =	sshrl.u32 s25, $0x3  }
0x19: {  	s26 =	simm.s32 $0x0;
	s25 =	sadd.s32 s5, s25  }
0x1a: {  	[tilespmem:s26], [sflag:$0x3] =	stream.linear.gather [hbm4b:s25+s26], $0x1000, $0x38;
	[tilespmem:$0x1E000] =	vst v63  }
0x1b: {  	_ =	swait.ge [sflag:s14], $0x1000  }
0x1c: {  	s24 =	sshrl.u32 s24, $0x3;
	[sflag:s14] =	ssyncset.done $0x0  }
0x1d: {  	s24 =	sadd.s32 s6, s24;
	[sflag:s14] =	ssyncadd.s32 $0xFFFFF000  }
0x1e: {  	[tilespmem:s15], [sflag:$0x3] =	stream.linear.gather [hbm4b:s24+s26], $0x1000, $0x38;
	[tilespmem:$0x1E000] =	vst v63  }
0x1f: {  	_ =	swait.ge [sflag:s14], $0x1000  }
0x20: {  	[sflag:s14] =	ssyncset.done $0x0  }
0x21: {  	[sflag:s14] =	ssyncadd.s32 $0xFFFFF000  }
0x22: {  	[tilespmem:s17], [sflag:$0x1] =	stream.indirect.gather [hbm4b:s4+s16], $0x80, s26, s16, $0xb8;
	[tilespmem:$0x1E000] =	vst v63  }
0x23: {  	_ = 	snop  }
0x24: {  	[tilespmem:s18], [sflag:$0x2] =	stream.indirect.gather [hbm4b:s4+s16], $0x80, s16, s16, $0xb8;
	[tilespmem:$0x1E000] =	vst v63  }
0x25: {  	_ =	swait.ge [sflag:s19], $0x4000  }
0x26: {  	[sflag:s19] =	ssyncset.done $0x0  }
0x27: {  	s29 =	simm.s32 $0x1000;
	[sflag:s19] =	ssyncadd.s32 $0xFFFFC000  }
0x28: {  	[spmem:s1] =	stream.indirect.scatter.add.f32 [tilespmem:s17], [sflag:$0x3], $0x80, s29, s16, $0xb8;
	[tilespmem:$0x1E000] =	vst v63  }
0x29: {  	_ =	swait.ge [sflag:s14], $0x4000  }
0x2a: {  	[sflag:s14] =	ssyncset.done $0x0  }
0x2b: {  	s30 =	simm.s32 $0x100;
	[sflag:s14] =	ssyncadd.s32 $0xFFFFC000  }
0x2c: {  	[tilespmem:s17], [sflag:$0x1] =	stream.indirect.gather [hbm4b:s4+s16], $0x80, s30, s16, $0xb8;
	[tilespmem:$0x1E000] =	vst v63  }
0x2d: {  	_ =	swait.ge [sflag:s20], $0x4000  }
0x2e: {  	[sflag:s20] =	ssyncset.done $0x0  }
0x2f: {  	s31 =	simm.s32 $0x1080;
	[sflag:s20] =	ssyncadd.s32 $0xFFFFC000  }
0x30: {  	[spmem:s1] =	stream.indirect.scatter.add.f32 [tilespmem:s18], [sflag:$0x3], $0x80, s31, s16, $0xb8;
	[tilespmem:$0x1E000] =	vst v63  }
0x31: {  	_ =	swait.ge [sflag:s14], $0x4000  }
0x32: {  	[sflag:s14] =	ssyncset.done $0x0  }
0x33: {  	s25 =	simm.s32 $0x180;
	s24 =	simm.s32 $0x400;
	[sflag:s14] =	ssyncadd.s32 $0xFFFFC000  }
.LBB2_3:
0x34: {  	[tilespmem:s18], [sflag:$0x2] =	stream.indirect.gather [hbm4b:s4+s16], $0x80, s25, s16, $0xb8;
	[tilespmem:$0x1E000] =	vst v63  }
0x35: {  	s25 =	smov.u32 s24  }
0x36: {  	p0 =	sne.s32 s24, $0x3800;
	s24 =	sadd.s32 $0x400, s24;
	_ =	swait.ge [sflag:s19], $0x4000  }
0x37: {  	s25 =	sshra.s32 s25, $0x2;
	[sflag:s19] =	ssyncset.done $0x0  }
0x38: {  	s26 =	sadd.s32 $0x1000, s25;
	[sflag:s19] =	ssyncadd.s32 $0xFFFFC000  }
0x39: {  	[spmem:s1] =	stream.indirect.scatter.add.f32 [tilespmem:s17], [sflag:$0x3], $0x80, s26, s16, $0xb8;
	[tilespmem:$0x1E000] =	vst v63  }
0x3a: {  	_ =	swait.ge [sflag:s14], $0x4000  }
0x3b: {  	[sflag:s14] =	ssyncset.done $0x0  }
0x3c: {  	s26 =	sadd.s32 $0x100, s25;
	[sflag:s14] =	ssyncadd.s32 $0xFFFFC000  }
0x3d: {  	[tilespmem:s17], [sflag:$0x1] =	stream.indirect.gather [hbm4b:s4+s16], $0x80, s26, s16, $0xb8;
	[tilespmem:$0x1E000] =	vst v63  }
0x3e: {  	_ =	swait.ge [sflag:s20], $0x4000  }
0x3f: {  	[sflag:s20] =	ssyncset.done $0x0  }
.Ltmp0:
0x40: {  	s26 =	sadd.s32 $0x1080, s25;
	[sflag:s20] =	ssyncadd.s32 $0xFFFFC000;
	(pc) =	sbr.rel @p0 .LBB2_3-.Ltmp0, $4  }
0x41: {  	[spmem:s1] =	stream.indirect.scatter.add.f32 [tilespmem:s18], [sflag:$0x3], $0x80, s26, s16, $0xb8;
	[tilespmem:$0x1E000] =	vst v63  }
0x42: {  	_ =	swait.ge [sflag:s14], $0x4000  }
0x43: {  	[sflag:s14] =	ssyncset.done $0x0  }
0x44: {  	s25 =	sadd.s32 $0x180, s25;
	[sflag:s14] =	ssyncadd.s32 $0xFFFFC000  }
0x45: {  	[tilespmem:s18], [sflag:$0x2] =	stream.indirect.gather [hbm4b:s4+s16], $0x80, s25, s16, $0xb8;
	[tilespmem:$0x1E000] =	vst v63  }
0x46: {  	_ =	swait.ge [sflag:s19], $0x4000  }
0x47: {  	[sflag:s19] =	ssyncset.done $0x0  }
0x48: {  	[sflag:s19] =	ssyncadd.s32 $0xFFFFC000  }
0x49: {  	[spmem:s1] =	stream.indirect.scatter.add.f32 [tilespmem:s17], [sflag:$0x3], $0x80, s21, s16, $0xb8;
	[tilespmem:$0x1E000] =	vst v63  }
0x4a: {  	_ =	swait.ge [sflag:s14], $0x4000  }
0x4b: {  	[sflag:s14] =	ssyncset.done $0x0  }
0x4c: {  	[sflag:s14] =	ssyncadd.s32 $0xFFFFC000  }
0x4d: {  	s23 =	sadd.s32 $0x1, s23;
	_ =	swait.ge [sflag:s20], $0x4000  }
0x4e: {  	p0 =	sne.s32 s23, $0x5;
	[sflag:s20] =	ssyncset.done $0x0  }
.Ltmp1:
0x4f: {  	[sflag:s20] =	ssyncadd.s32 $0xFFFFC000;
	(pc) =	sbr.rel @p0 .LBB2_2-.Ltmp1, $4  }
0x50: {  	[spmem:s1] =	stream.indirect.scatter.add.f32 [tilespmem:s18], [sflag:$0x3], $0x80, s22, s16, $0xb8;
	[tilespmem:$0x1E000] =	vst v63  }
0x51: {  	_ =	swait.ge [sflag:s14], $0x4000  }
0x52: {  	[sflag:s14] =	ssyncset.done $0x0  }
0x53: {  	[sflag:s14] =	ssyncadd.s32 $0xFFFFC000  }
0x54: {  	s3 =	sadd.s32 $0x1, s3  }
0x55: {  	p0 =	sne.s32 s3, s12  }
.Ltmp2:
0x56: {  	[bflag:$0x0] =	sbarrier.arrive $0xFFFF;
	(pc) =	sbr.rel @p0 .LBB2_1-.Ltmp2, $4  }
0x57: {  	[hbm:s11], [sflag:s9] =	dma.local [spmem:s13], $0x2800  }
0x58: {  	_ =	swait.ge [sflag:s14], $0x2800  }
0x59: {  	[sflag:s14] =	ssyncset.done $0x0  }
0x5a: {  	[sflag:s14] =	ssyncadd.s32 $0xFFFFD800  }
0x5b: {  	_ =	sfence.sel $0x180000  }
0x5c: {  	[bflag:$0x0] =	sbarrier.arrive $0xFFFF  }
0x5d: {  	p0 =	sne.s32 s2, $0x0;
	_ =	strace $0x9000004A  }
0x5e: {  	s0 =	sadd.s32 @!p0 $0x100000, s0;
	[bflag:$0x2] =	sbarrier.arrive $0xFFFF  }
0x5f: {  	[sflag:s0] =	ssyncadd.tile.s32 @!p0 $0x1;
	_ =	shalt  }
.Lfunc_end2:
_tile_overlayer_lowered:
.L_overlay_start_2:
0x60: {  	(tag) =	ssettag $0x2  }
0x61: {  	s0 =	rddreg [dreg:$0x0];
	s2 =	stileid.u32  }
0x62: {  	s1 =	rddreg [dreg:$0x1];
	p0 =	sne.s32 s2, $0x0  }
0x63: {  	s3 =	rddreg [dreg:$0x2];
	[bflag:$0x3] =	sbarrier.arrive $0xFFFF;
	s2 =	simm.s32 @!p0 $0x1C03  }
0x64: {  	[timem:s3], [sflag:s2] =	dma.local @!p0 [hbm:s0], s1  }
0x65: {  	s0 =	simm.s32 @!p0 $0x3  }
0x66: {  	_ =	swait.ge @!p0 [sflag:s0], s1  }
0x67: {  	s1 =	ssub.s32 @!p0 $0x0, s1;
	[sflag:s0] =	ssyncset.done @!p0 $0x0  }
0x68: {  	[sflag:s0] =	ssyncadd.s32 @!p0 s1  }
0x69: {  	[bflag:$0x3] =	sbarrier.arrive $0xFFFF  }
0x6a: {  	_ =	shalt  }

// kernel: kernel.18.cloned.1.call-start
scs
__scs_entry_jumppad:
0x0: {  	(pc) =	sbr.rel $0x88, $3  }
0x1: {  	(tag) =	ssettag $0x0;
	lr =	simm.s32 $0x1  }
0x2: {  	[smem:$0x3F96] =	sst lr;
	_ =	strace $0xD0000000  }
0x3: {  	_ = 	snop  }
0x4: {  	_ = 	snop  }
0x5: {  	_ = 	snop  }
0x6: {  	_ = 	snop  }
0x7: {  	_ = 	snop  }
__scs_overlays_trampoline_lowered:
0x8: {  	[smem:$0x3FA5] =	sst s0  }
0x9: {  	[smem:$0x3FA6] =	sst s1  }
0xa: {  	[smem:$0x3FA7] =	sst s2  }
0xb: {  	[smem:$0x3FA8] =	sst s3  }
0xc: {  	[smem:$0x3FA9] =	sst s4  }
0xd: {  	[smem:$0x3FAA] =	sst s5  }
0xe: {  	[smem:$0x3FAB] =	sst s6  }
0xf: {  	[smem:$0x3FAC] =	sst s7  }
0x10: {  	[smem:$0x3FAD] =	sst s8  }
0x11: {  	[smem:$0x3FAE] =	sst s9;
	s0 =	simm.s32 @!p0 $0x0  }
0x12: {  	s1 =	sld [smem:$0x3F94];
	s0 =	simm.s32 @p0 $0x1  }
0x13: {  	[smem:$0x3FAF] =	sst s0;
	s0 =	simm.s32 @!p1 $0x0  }
0x14: {  	s2 =	sld [smem:$0x3F93];
	s0 =	simm.s32 @p1 $0x1  }
0x15: {  	[smem:$0x3FB0] =	sst s0;
	s0 =	simm.s32 @!p2 $0x0  }
0x16: {  	s3 =	sld [smem:$0x3FDB];
	s0 =	simm.s32 @p2 $0x1  }
0x17: {  	s4 =	simm.s32 $0x1BF5;
	[smem:$0x3FB2] =	sst s0  }
0x18: {  	s0 =	sld [smem:$0x3F95];
	_ =	swait.ge [sflag:s4], $0x0  }
0x19: {  	s7 =	sld [smem:$0x3F96]  }
0x1a: {  	s8 =	sadd.s32 $0xFFFFE003, lr  }
0x1b: {  	s9 =	sadd.s32 $0xFFFFFEF7, lr;
	s5 =	simm.s32 $0xFFFFFFFF;
	p2 =	slt.u32 s8, $0xFFFFF086  }
0x1c: {  	p1 =	slt.u32 s9, $0xF7A;
	s5 =	simm.s32 @!p2 $0x0  }
0x1d: {  	s5 =	simm.s32 @p1 $0x1;
	p0 =	seq.s32 s7, s2  }
0x1e: {  	s7 =	smul.u32 @!p0 $0xF7A, s2;
	p2 =	seq.s32 @!p0 s5, $0x0  }
0x1f: {  	s9 =	smul.u32 $0xF7A, s1;
	s8 =	simm.s32 @!p0 $0x1BF5;
	p2 =	por !p2, p0  }
0x20: {  	[sflag:s8] =	ssyncset.s32 @!p0 $0xFFFFF086;
	s6 =	sadd.s32 @!p0 s3, s7;
	s7 =	simm.s32 @!p0 $0x108  }
0x21: {  	s3 =	sadd.s32 s3, s9;
	s6 =	sadd.s32 @!p0 $0x88, s6;
	s7 =	simm.s32 @p2 $0x1082  }
0x22: {  	[simem:s7], [sflag:s8] =	dma.local @!p0 [hbm:s6], $0xF7A  }
0x23: {  	s9 =	sor.u32 $0xD0000000, s2;
	s6 =	simm.s32 $0x108;
	_ =	swait.ge @!p0 [sflag:s8], $0x0  }
0x24: {  	s3 =	sadd.s32 $0x88, s3;
	s6 =	simm.s32 @!p1 $0x1082;
	[sflag:s4] =	ssyncset.s32 $0xFFFFF086  }
0x25: {  	[simem:s6], [sflag:s4] =	dma.local [hbm:s3], $0xF7A  }
0x26: {  	[smem:$0x3F96] =	sst s1;
	(tag) =	ssettag s2;
	_ =	strace s9  }
0x27: {  	s1 =	sld [smem:$0x3FA6]  }
0x28: {  	s2 =	sld [smem:$0x3FA7]  }
0x29: {  	s4 =	sld [smem:$0x3FA9]  }
0x2a: {  	p0 =	seq.s32 s5, $0x0;
	s5 =	sld [smem:$0x3FAA]  }
0x2b: {  	s6 =	sld [smem:$0x3FAB]  }
0x2c: {  	s7 =	sld [smem:$0x3FAC]  }
0x2d: {  	s3 =	simm.s32 $0x108;
	s8 =	sld [smem:$0x3FAD]  }
0x2e: {  	s3 =	simm.s32 @!p0 $0x1082;
	s9 =	sld [smem:$0x3FAE]  }
0x2f: {  	lr =	sadd.s32 s0, s3;
	s0 =	sld [smem:$0x3FA5]  }
0x30: {  	s3 =	sld [smem:$0x3FA8]  }
0x31: {  	[smem:$0x3FB1] =	sst s10  }
0x32: {  	s10 =	sld [smem:$0x3FAF];
	_ =	sdelay $0x3  }
0x33: {  	p0 =	seq.s32 s10, $0x1;
	s10 =	sld [smem:$0x3FB1];
	_ =	sdelay $0x3  }
0x34: {  	[smem:$0x3FB1] =	sst s10  }
0x35: {  	s10 =	sld [smem:$0x3FB0];
	_ =	sdelay $0x3  }
0x36: {  	p1 =	seq.s32 s10, $0x1;
	s10 =	sld [smem:$0x3FB1];
	_ =	sdelay $0x3  }
0x37: {  	[smem:$0x3FB1] =	sst s10  }
0x38: {  	s10 =	sld [smem:$0x3FB2]  }
0x39: {  	_ = 	snop;
	(pc) =	sbr.ind lr, $3  }
0x3a: {  	_ = 	snop  }
0x3b: {  	_ = 	snop  }
0x3c: {  	p2 =	seq.s32 s10, $0x1;
	s10 =	sld [smem:$0x3FB1]  }
0x3d: {  	_ =	shalt  }
0x3e: {  	_ =	shalt  }
0x3f: {  	_ =	shalt  }
0x40: {  	_ =	shalt  }
0x41: {  	_ =	shalt  }
0x42: {  	_ =	shalt  }
0x43: {  	_ =	shalt  }
0x44: {  	_ =	shalt  }
0x45: {  	_ =	shalt  }
0x46: {  	_ =	shalt  }
0x47: {  	_ =	shalt  }
0x48: {  	_ =	shalt  }
0x49: {  	_ =	shalt  }
0x4a: {  	_ =	shalt  }
0x4b: {  	_ =	shalt  }
0x4c: {  	_ =	shalt  }
0x4d: {  	_ =	shalt  }
0x4e: {  	_ =	shalt  }
0x4f: {  	_ =	shalt  }
0x50: {  	_ =	shalt  }
0x51: {  	_ =	shalt  }
0x52: {  	_ =	shalt  }
0x53: {  	_ =	shalt  }
0x54: {  	_ =	shalt  }
0x55: {  	_ =	shalt  }
0x56: {  	_ =	shalt  }
0x57: {  	_ =	shalt  }
0x58: {  	_ =	shalt  }
0x59: {  	_ =	shalt  }
0x5a: {  	_ =	shalt  }
0x5b: {  	_ =	shalt  }
0x5c: {  	_ =	shalt  }
0x5d: {  	_ =	shalt  }
0x5e: {  	_ =	shalt  }
0x5f: {  	_ =	shalt  }
0x60: {  	_ =	shalt  }
0x61: {  	_ =	shalt  }
0x62: {  	_ =	shalt  }
0x63: {  	_ =	shalt  }
0x64: {  	_ =	shalt  }
0x65: {  	_ =	shalt  }
0x66: {  	_ =	shalt  }
0x67: {  	_ =	shalt  }
0x68: {  	_ =	shalt  }
0x69: {  	_ =	shalt  }
0x6a: {  	_ =	shalt  }
0x6b: {  	_ =	shalt  }
0x6c: {  	_ =	shalt  }
0x6d: {  	_ =	shalt  }
0x6e: {  	_ =	shalt  }
0x6f: {  	_ =	shalt  }
0x70: {  	_ =	shalt  }
0x71: {  	_ =	shalt  }
0x72: {  	_ =	shalt  }
0x73: {  	_ =	shalt  }
0x74: {  	_ =	shalt  }
0x75: {  	_ =	shalt  }
0x76: {  	_ =	shalt  }
0x77: {  	_ =	shalt  }
0x78: {  	_ =	shalt  }
0x79: {  	_ =	shalt  }
0x7a: {  	_ =	shalt  }
0x7b: {  	_ =	shalt  }
0x7c: {  	_ =	shalt  }
0x7d: {  	_ =	shalt  }
0x7e: {  	_ =	shalt  }
0x7f: {  	_ =	shalt  }
0x80: {  	_ =	shalt  }
0x81: {  	_ =	shalt  }
0x82: {  	_ =	shalt  }
0x83: {  	_ =	shalt  }
0x84: {  	_ =	shalt  }
0x85: {  	_ =	shalt  }
0x86: {  	_ =	shalt  }
0x87: {  	_ =	shalt  }
.Lfunc_end0:
.L_simem_size_0:
called_computation.2_lowered:
.L_overlay_start_0:
0x88: {  	s2 =	sld [smem:$0x3FD9]  }
0x89: {  	s3 =	sld [smem:$0x3FFE];
	_ =	sdelay $0x1  }
0x8a: {  	s1 =	srdreg.scid  }
0x8b: {  	s0 =	sand.u32 $0x1, s1  }
0x8c: {  	s16 =	sshll.u32 s0, $0xA;
	s2 =	sadd.s32 s3, s2  }
0x8d: {  	s2 =	sadd.s32 s2, s16  }
0x8e: {  	[smem:$0x3FBD] =	sst s2  }
0x8f: {  	_ = 	snop  }
0x90: {  	(tm) =	ssettm $0x1  }
0x91: {  	s17 =	sld [smem:$0x3FFB];
	_ =	sdelay $0x3  }
0x92: {  	_ =	strace s17  }
0x93: {  	s2 =	sld [smem:$0x3FFC];
	_ =	sdelay $0x3  }
0x94: {  	_ =	strace s2  }
0x95: {  	s2 =	sld [smem:$0x3FFD];
	_ =	sdelay $0x3  }
0x96: {  	_ =	strace s2  }
0x97: {  	_ =	strace $0x8FFFFFFF  }
0x98: {  	s18 =	sld [smem:$0x3FDB];
	_ =	sdelay $0x1  }
0x99: {  	s19 =	simm.s32 $_scs_section_size  }
0x9a: {  	s4 =	simm.s32 $_size__tile_overlayer_lowered;
	s5 =	simm.s32 $_tile_overlayer_lowered  }
0x9b: {  	s22 =	simm.s32 $0x1BFF;
	s21 =	sshll.u32 s5, $0x1;
	s2 =	sadd.s32 s19, s18  }
0x9c: {  	s6 =	simm.s32 $0x0;
	s20 =	sshll.u32 s4, $0x1;
	s4 =	sadd.s32 s21, s2  }
0x9d: {  	[timem:s6], [sflag:s22] =	dma.local [hbm:s4], s20  }
0x9e: {  	_ =	swait.ge [sflag:s22], s20  }
0x9f: {  	s3 =	ssub.s32 $0x0, s20;
	[sflag:s22] =	ssyncset.done $0x0  }
0xa0: {  	[sflag:s22] =	ssyncadd.s32 s3;
	_ =	sdelay $0x1  }
0xa1: {  	s23 =	simm.s32 $0x1B8B  }
0xa2: {  	_ =	swait.ge [sflag:s23], $0x1  }
0xa3: {  	[sflag:s23] =	ssyncset.done $0x0  }
0xa4: {  	s25 =	simm.s32 $0x1B8E;
	s24 =	sld [smem:$0x3FFE];
	[sflag:s23] =	ssyncadd.s32 $0xFFFFFFFF  }
0xa5: {  	s26 =	simm.s32 $execute0_lowered;
	[smem:$0x3FD2] =	sst s25  }
0xa6: {  	s4 =	sshll.u32 s26, $0x1;
	_ =	strace $0x8000004C;
	[dreg:$0x1] =	wrdreg $0xFFFFFFFF  }
0xa7: {  	s28 =	simm.s32 $_size_execute0_lowered;
	s2 =	sadd.s32 s2, s4;
	[dreg:$0x0] =	wrdreg $0x0  }
0xa8: {  	s4 =	sshll.u32 s28, $0x1;
	[dreg:$0x2] =	wrdreg s2  }
0xa9: {  	[dreg:$0x3] =	wrdreg s4  }
0xaa: {  	[dreg:$0x4] =	wrdreg $0xC0  }
0xab: {  	_ =	task [dreg:s6], $0x5FFFF  }
0xac: {  	[dreg:$0x1] =	wrdreg $0xFFFFFFFF  }
0xad: {  	[dreg:$0x0] =	wrdreg $0x60  }
0xae: {  	[dreg:$0x2] =	wrdreg s24  }
0xaf: {  	[dreg:$0x3] =	wrdreg $0xA0000  }
0xb0: {  	[dreg:$0x4] =	wrdreg $0x9  }
0xb1: {  	_ =	task.clear_ibuf [dreg:s6], $0x5FFFF;
	_ =	strace $0x9000004C  }
0xb2: {  	s29 =	simm.s32 $0x9;
	_ =	strace $0x8000004E  }
0xb3: {  	_ =	swait.ge [sflag:s29], $0x1  }
0xb4: {  	[sflag:s29] =	ssyncadd.s32 $0xFFFFFFFF  }
0xb5: {  	_ =	strace $0x9000004E  }
0xb6: {  	_ =	sfence  }
0xb7: {  	s30 =	sld [smem:$0x0];
	_ =	sdelay $0x2  }
0xb8: {  	s31 =	sshll.u32 s1, $0xD;
	s1 =	sshrl.u32 s1, $0x2  }
0xb9: {  	s3 =	sand.u32 $0x4000, s31;
	s1 =	sadd.s32 s1, s30  }
0xba: {  	s0 =	sor.u32 s3, s0;
	s1 =	sshll.u32 s1, $0x11  }
0xbb: {  	s0 =	sor.u32 s1, s0  }
0xbc: {  	s0 =	sadd.s32 $0x8F2B, s0  }
0xbd: {  	[sflag:s0] =	ssyncadd.remote.s32 $0x1  }
0xbe: {  	_ =	sfence.sel $0xFFFF  }
0xbf: {  	[dreg:$0x0] =	wrdreg $0xFFFFFFFF;
	(pc) =	sbr.abs _section_cstart, $3  }
0xc0: {  	[dreg:$0x1] =	wrdreg $0xFFFFFFFF  }
0xc1: {  	_ =	task.clear_ibuf [dreg:s6], $0x2FFFF;
	_ =	strace $0x9FFFFFFF  }
0xc2: {  	(tm) =	ssettm $0x7FFFFFFF  }
0xc3: {  	_ =	shalt  }
tec
execute0_lowered:
.L_overlay_start_1:
0x0: {  	(tag) =	ssettag $0x1  }
0x1: {  	s7 =	rddreg [dreg:$0x0]  }
0x2: {  	s1 =	rddreg [dreg:$0x1]  }
0x3: {  	s0 =	rddreg [dreg:$0x2];
	s3 =	simm.s32 $0x0  }
0x4: {  	s2 =	srdreg.scid;
	s15 =	simm.s32 $0x1000;
	s16 =	simm.s32 $0x80  }
0x5: {  	s17 =	simm.s32 $0x2000;
	s18 =	simm.s32 $0x6000;
	s19 =	simm.s32 $0x1  }
0x6: {  	s20 =	simm.s32 $0x2;
	s21 =	simm.s32 $0x1F00;
	s10 =	sand.u32 $0x1, s2  }
0x7: {  	s22 =	simm.s32 $0x1F80;
	s2 =	stileid.u32;
	s6 =	smul.u32 $0x140000, s10  }
0x8: {  	[smem:$0x7FF] =	sst s3;
	s5 =	sadd.s32 $0x118E00, s7;
	s8 =	smul.u32 $0x14000, s2  }
0x9: {  	s4 =	sadd.s32 $0xC0C00, s7;
	_ =	strace $0x8000004D;
	s11 =	smul.u32 $0x50000, s2  }
0xa: {  	s9 =	ssub.s32 $0x2, s10;
	s31 =	sshll.u32 s2, $0x6;
	s10 =	smul.u32 $0x50000, s10  }
0xb: {  	s12 =	sshrl.u32 s9, $0x1;
	s8 =	sadd.s32 s8, s6;
	s6 =	sadd.s32 $0x10EE00, s7  }
0xc: {  	s12 =	ssub.s32 s9, s12;
	s30 =	sshrl.u32 s11, $0x2;
	s8 =	sshrl.u32 s8, $0x3  }
0xd: {  	s9 =	sor.u32 $0x1C03, s31;
	s14 =	sadd.s32 s30, s1;
	s13 =	sadd.s32 s8, s7  }
0xe: {  	s12 =	smax.u32 s12, $0x1;
	s7 =	smul.u32 $0x5000, s2;
	s8 =	sadd.s32 $0x70C00, s13  }
0xf: {  	s11 =	sadd.s32 $0x3000, s13;
	s13 =	sshrl.u32 s14, $0x3;
	s14 =	simm.s32 $0x3  }
.LBB2_1:
0x10: {  	[spmem:s13], [sflag:s9] =	dma.local [hbm:s8], $0x2800  }
0x11: {  	_ =	swait.ge [sflag:s14], $0x2800  }
0x12: {  	[sflag:s14] =	ssyncset.done $0x0  }
0x13: {  	[sflag:s14] =	ssyncadd.s32 $0xFFFFD800  }
0x14: {  	s23 =	simm.s32 $0x0;
	[bflag:$0x0] =	sbarrier.arrive $0xFFFF  }
.LBB2_2:
0x15: {  	s24 =	sshll.u32 s23, $0xC  }
0x16: {  	s24 =	sadd.s32 s7, s24  }
0x17: {  	s25 =	sadd.s32 s10, s24  }
0x18: {  	s25 =	sshrl.u32 s25, $0x3  }
0x19: {  	s26 =	simm.s32 $0x0;
	s25 =	sadd.s32 s5, s25  }
0x1a: {  	[tilespmem:s26], [sflag:$0x3] =	stream.linear.gather [hbm4b:s25+s26], $0x1000, $0x38;
	[tilespmem:$0x1E000] =	vst v63  }
0x1b: {  	_ =	swait.ge [sflag:s14], $0x1000  }
0x1c: {  	s24 =	sshrl.u32 s24, $0x3;
	[sflag:s14] =	ssyncset.done $0x0  }
0x1d: {  	s24 =	sadd.s32 s6, s24;
	[sflag:s14] =	ssyncadd.s32 $0xFFFFF000  }
0x1e: {  	[tilespmem:s15], [sflag:$0x3] =	stream.linear.gather [hbm4b:s24+s26], $0x1000, $0x38;
	[tilespmem:$0x1E000] =	vst v63  }
0x1f: {  	_ =	swait.ge [sflag:s14], $0x1000  }
0x20: {  	[sflag:s14] =	ssyncset.done $0x0  }
0x21: {  	[sflag:s14] =	ssyncadd.s32 $0xFFFFF000  }
0x22: {  	[tilespmem:s17], [sflag:$0x1] =	stream.indirect.gather [hbm4b:s4+s16], $0x80, s26, s16, $0xb8;
	[tilespmem:$0x1E000] =	vst v63  }
0x23: {  	_ = 	snop  }
0x24: {  	[tilespmem:s18], [sflag:$0x2] =	stream.indirect.gather [hbm4b:s4+s16], $0x80, s16, s16, $0xb8;
	[tilespmem:$0x1E000] =	vst v63  }
0x25: {  	_ =	swait.ge [sflag:s19], $0x4000  }
0x26: {  	[sflag:s19] =	ssyncset.done $0x0  }
0x27: {  	s29 =	simm.s32 $0x1000;
	[sflag:s19] =	ssyncadd.s32 $0xFFFFC000  }
0x28: {  	[spmem:s1] =	stream.indirect.scatter.add.f32 [tilespmem:s17], [sflag:$0x3], $0x80, s29, s16, $0xb8;
	[tilespmem:$0x1E000] =	vst v63  }
0x29: {  	_ =	swait.ge [sflag:s14], $0x4000  }
0x2a: {  	[sflag:s14] =	ssyncset.done $0x0  }
0x2b: {  	s30 =	simm.s32 $0x100;
	[sflag:s14] =	ssyncadd.s32 $0xFFFFC000  }
0x2c: {  	[tilespmem:s17], [sflag:$0x1] =	stream.indirect.gather [hbm4b:s4+s16], $0x80, s30, s16, $0xb8;
	[tilespmem:$0x1E000] =	vst v63  }
0x2d: {  	_ =	swait.ge [sflag:s20], $0x4000  }
0x2e: {  	[sflag:s20] =	ssyncset.done $0x0  }
0x2f: {  	s31 =	simm.s32 $0x1080;
	[sflag:s20] =	ssyncadd.s32 $0xFFFFC000  }
0x30: {  	[spmem:s1] =	stream.indirect.scatter.add.f32 [tilespmem:s18], [sflag:$0x3], $0x80, s31, s16, $0xb8;
	[tilespmem:$0x1E000] =	vst v63  }
0x31: {  	_ =	swait.ge [sflag:s14], $0x4000  }
0x32: {  	[sflag:s14] =	ssyncset.done $0x0  }
0x33: {  	s25 =	simm.s32 $0x180;
	s24 =	simm.s32 $0x400;
	[sflag:s14] =	ssyncadd.s32 $0xFFFFC000  }
.LBB2_3:
0x34: {  	[tilespmem:s18], [sflag:$0x2] =	stream.indirect.gather [hbm4b:s4+s16], $0x80, s25, s16, $0xb8;
	[tilespmem:$0x1E000] =	vst v63  }
0x35: {  	s25 =	smov.u32 s24  }
0x36: {  	p0 =	sne.s32 s24, $0x3800;
	s24 =	sadd.s32 $0x400, s24;
	_ =	swait.ge [sflag:s19], $0x4000  }
0x37: {  	s25 =	sshra.s32 s25, $0x2;
	[sflag:s19] =	ssyncset.done $0x0  }
0x38: {  	s26 =	sadd.s32 $0x1000, s25;
	[sflag:s19] =	ssyncadd.s32 $0xFFFFC000  }
0x39: {  	[spmem:s1] =	stream.indirect.scatter.add.f32 [tilespmem:s17], [sflag:$0x3], $0x80, s26, s16, $0xb8;
	[tilespmem:$0x1E000] =	vst v63  }
0x3a: {  	_ =	swait.ge [sflag:s14], $0x4000  }
0x3b: {  	[sflag:s14] =	ssyncset.done $0x0  }
0x3c: {  	s26 =	sadd.s32 $0x100, s25;
	[sflag:s14] =	ssyncadd.s32 $0xFFFFC000  }
0x3d: {  	[tilespmem:s17], [sflag:$0x1] =	stream.indirect.gather [hbm4b:s4+s16], $0x80, s26, s16, $0xb8;
	[tilespmem:$0x1E000] =	vst v63  }
0x3e: {  	_ =	swait.ge [sflag:s20], $0x4000  }
0x3f: {  	[sflag:s20] =	ssyncset.done $0x0  }
.Ltmp0:
0x40: {  	s26 =	sadd.s32 $0x1080, s25;
	[sflag:s20] =	ssyncadd.s32 $0xFFFFC000;
	(pc) =	sbr.rel @p0 .LBB2_3-.Ltmp0, $4  }
0x41: {  	[spmem:s1] =	stream.indirect.scatter.add.f32 [tilespmem:s18], [sflag:$0x3], $0x80, s26, s16, $0xb8;
	[tilespmem:$0x1E000] =	vst v63  }
0x42: {  	_ =	swait.ge [sflag:s14], $0x4000  }
0x43: {  	[sflag:s14] =	ssyncset.done $0x0  }
0x44: {  	s25 =	sadd.s32 $0x180, s25;
	[sflag:s14] =	ssyncadd.s32 $0xFFFFC000  }
0x45: {  	[tilespmem:s18], [sflag:$0x2] =	stream.indirect.gather [hbm4b:s4+s16], $0x80, s25, s16, $0xb8;
	[tilespmem:$0x1E000] =	vst v63  }
0x46: {  	_ =	swait.ge [sflag:s19], $0x4000  }
0x47: {  	[sflag:s19] =	ssyncset.done $0x0  }
0x48: {  	[sflag:s19] =	ssyncadd.s32 $0xFFFFC000  }
0x49: {  	[spmem:s1] =	stream.indirect.scatter.add.f32 [tilespmem:s17], [sflag:$0x3], $0x80, s21, s16, $0xb8;
	[tilespmem:$0x1E000] =	vst v63  }
0x4a: {  	_ =	swait.ge [sflag:s14], $0x4000  }
0x4b: {  	[sflag:s14] =	ssyncset.done $0x0  }
0x4c: {  	[sflag:s14] =	ssyncadd.s32 $0xFFFFC000  }
0x4d: {  	s23 =	sadd.s32 $0x1, s23;
	_ =	swait.ge [sflag:s20], $0x4000  }
0x4e: {  	p0 =	sne.s32 s23, $0x5;
	[sflag:s20] =	ssyncset.done $0x0  }
.Ltmp1:
0x4f: {  	[sflag:s20] =	ssyncadd.s32 $0xFFFFC000;
	(pc) =	sbr.rel @p0 .LBB2_2-.Ltmp1, $4  }
0x50: {  	[spmem:s1] =	stream.indirect.scatter.add.f32 [tilespmem:s18], [sflag:$0x3], $0x80, s22, s16, $0xb8;
	[tilespmem:$0x1E000] =	vst v63  }
0x51: {  	_ =	swait.ge [sflag:s14], $0x4000  }
0x52: {  	[sflag:s14] =	ssyncset.done $0x0  }
0x53: {  	[sflag:s14] =	ssyncadd.s32 $0xFFFFC000  }
0x54: {  	s3 =	sadd.s32 $0x1, s3  }
0x55: {  	p0 =	sne.s32 s3, s12  }
.Ltmp2:
0x56: {  	[bflag:$0x0] =	sbarrier.arrive $0xFFFF;
	(pc) =	sbr.rel @p0 .LBB2_1-.Ltmp2, $4  }
0x57: {  	[hbm:s11], [sflag:s9] =	dma.local [spmem:s13], $0x2800  }
0x58: {  	_ =	swait.ge [sflag:s14], $0x2800  }
0x59: {  	[sflag:s14] =	ssyncset.done $0x0  }
0x5a: {  	[sflag:s14] =	ssyncadd.s32 $0xFFFFD800  }
0x5b: {  	_ =	sfence.sel $0x180000  }
0x5c: {  	[bflag:$0x0] =	sbarrier.arrive $0xFFFF  }
0x5d: {  	p0 =	sne.s32 s2, $0x0;
	_ =	strace $0x9000004D  }
0x5e: {  	s0 =	sadd.s32 @!p0 $0x100000, s0;
	[bflag:$0x2] =	sbarrier.arrive $0xFFFF  }
0x5f: {  	[sflag:s0] =	ssyncadd.tile.s32 @!p0 $0x1;
	_ =	shalt  }
.Lfunc_end2:
_tile_overlayer_lowered:
.L_overlay_start_2:
0x60: {  	(tag) =	ssettag $0x2  }
0x61: {  	s0 =	rddreg [dreg:$0x0];
	s2 =	stileid.u32  }
0x62: {  	s1 =	rddreg [dreg:$0x1];
	p0 =	sne.s32 s2, $0x0  }
0x63: {  	s3 =	rddreg [dreg:$0x2];
	[bflag:$0x3] =	sbarrier.arrive $0xFFFF;
	s2 =	simm.s32 @!p0 $0x1C03  }
0x64: {  	[timem:s3], [sflag:s2] =	dma.local @!p0 [hbm:s0], s1  }
0x65: {  	s0 =	simm.s32 @!p0 $0x3  }
0x66: {  	_ =	swait.ge @!p0 [sflag:s0], s1  }
0x67: {  	s1 =	ssub.s32 @!p0 $0x0, s1;
	[sflag:s0] =	ssyncset.done @!p0 $0x0  }
0x68: {  	[sflag:s0] =	ssyncadd.s32 @!p0 s1  }
0x69: {  	[bflag:$0x3] =	sbarrier.arrive $0xFFFF  }
0x6a: {  	_ =	shalt  }

// kernel: kernel.21.cloned.1.call-start
scs
__scs_entry_jumppad:
0x0: {  	(pc) =	sbr.rel $0x88, $3  }
0x1: {  	(tag) =	ssettag $0x0;
	lr =	simm.s32 $0x1  }
0x2: {  	[smem:$0x3F96] =	sst lr;
	_ =	strace $0xD0000000  }
0x3: {  	_ = 	snop  }
0x4: {  	_ = 	snop  }
0x5: {  	_ = 	snop  }
0x6: {  	_ = 	snop  }
0x7: {  	_ = 	snop  }
__scs_overlays_trampoline_lowered:
0x8: {  	[smem:$0x3FA5] =	sst s0  }
0x9: {  	[smem:$0x3FA6] =	sst s1  }
0xa: {  	[smem:$0x3FA7] =	sst s2  }
0xb: {  	[smem:$0x3FA8] =	sst s3  }
0xc: {  	[smem:$0x3FA9] =	sst s4  }
0xd: {  	[smem:$0x3FAA] =	sst s5  }
0xe: {  	[smem:$0x3FAB] =	sst s6  }
0xf: {  	[smem:$0x3FAC] =	sst s7  }
0x10: {  	[smem:$0x3FAD] =	sst s8  }
0x11: {  	[smem:$0x3FAE] =	sst s9;
	s0 =	simm.s32 @!p0 $0x0  }
0x12: {  	s1 =	sld [smem:$0x3F94];
	s0 =	simm.s32 @p0 $0x1  }
0x13: {  	[smem:$0x3FAF] =	sst s0;
	s0 =	simm.s32 @!p1 $0x0  }
0x14: {  	s2 =	sld [smem:$0x3F93];
	s0 =	simm.s32 @p1 $0x1  }
0x15: {  	[smem:$0x3FB0] =	sst s0;
	s0 =	simm.s32 @!p2 $0x0  }
0x16: {  	s3 =	sld [smem:$0x3FDB];
	s0 =	simm.s32 @p2 $0x1  }
0x17: {  	s4 =	simm.s32 $0x1BF5;
	[smem:$0x3FB2] =	sst s0  }
0x18: {  	s0 =	sld [smem:$0x3F95];
	_ =	swait.ge [sflag:s4], $0x0  }
0x19: {  	s7 =	sld [smem:$0x3F96]  }
0x1a: {  	s8 =	sadd.s32 $0xFFFFE003, lr  }
0x1b: {  	s9 =	sadd.s32 $0xFFFFFEF7, lr;
	s5 =	simm.s32 $0xFFFFFFFF;
	p2 =	slt.u32 s8, $0xFFFFF086  }
0x1c: {  	p1 =	slt.u32 s9, $0xF7A;
	s5 =	simm.s32 @!p2 $0x0  }
0x1d: {  	s5 =	simm.s32 @p1 $0x1;
	p0 =	seq.s32 s7, s2  }
0x1e: {  	s7 =	smul.u32 @!p0 $0xF7A, s2;
	p2 =	seq.s32 @!p0 s5, $0x0  }
0x1f: {  	s9 =	smul.u32 $0xF7A, s1;
	s8 =	simm.s32 @!p0 $0x1BF5;
	p2 =	por !p2, p0  }
0x20: {  	[sflag:s8] =	ssyncset.s32 @!p0 $0xFFFFF086;
	s6 =	sadd.s32 @!p0 s3, s7;
	s7 =	simm.s32 @!p0 $0x108  }
0x21: {  	s3 =	sadd.s32 s3, s9;
	s6 =	sadd.s32 @!p0 $0x88, s6;
	s7 =	simm.s32 @p2 $0x1082  }
0x22: {  	[simem:s7], [sflag:s8] =	dma.local @!p0 [hbm:s6], $0xF7A  }
0x23: {  	s9 =	sor.u32 $0xD0000000, s2;
	s6 =	simm.s32 $0x108;
	_ =	swait.ge @!p0 [sflag:s8], $0x0  }
0x24: {  	s3 =	sadd.s32 $0x88, s3;
	s6 =	simm.s32 @!p1 $0x1082;
	[sflag:s4] =	ssyncset.s32 $0xFFFFF086  }
0x25: {  	[simem:s6], [sflag:s4] =	dma.local [hbm:s3], $0xF7A  }
0x26: {  	[smem:$0x3F96] =	sst s1;
	(tag) =	ssettag s2;
	_ =	strace s9  }
0x27: {  	s1 =	sld [smem:$0x3FA6]  }
0x28: {  	s2 =	sld [smem:$0x3FA7]  }
0x29: {  	s4 =	sld [smem:$0x3FA9]  }
0x2a: {  	p0 =	seq.s32 s5, $0x0;
	s5 =	sld [smem:$0x3FAA]  }
0x2b: {  	s6 =	sld [smem:$0x3FAB]  }
0x2c: {  	s7 =	sld [smem:$0x3FAC]  }
0x2d: {  	s3 =	simm.s32 $0x108;
	s8 =	sld [smem:$0x3FAD]  }
0x2e: {  	s3 =	simm.s32 @!p0 $0x1082;
	s9 =	sld [smem:$0x3FAE]  }
0x2f: {  	lr =	sadd.s32 s0, s3;
	s0 =	sld [smem:$0x3FA5]  }
0x30: {  	s3 =	sld [smem:$0x3FA8]  }
0x31: {  	[smem:$0x3FB1] =	sst s10  }
0x32: {  	s10 =	sld [smem:$0x3FAF];
	_ =	sdelay $0x3  }
0x33: {  	p0 =	seq.s32 s10, $0x1;
	s10 =	sld [smem:$0x3FB1];
	_ =	sdelay $0x3  }
0x34: {  	[smem:$0x3FB1] =	sst s10  }
0x35: {  	s10 =	sld [smem:$0x3FB0];
	_ =	sdelay $0x3  }
0x36: {  	p1 =	seq.s32 s10, $0x1;
	s10 =	sld [smem:$0x3FB1];
	_ =	sdelay $0x3  }
0x37: {  	[smem:$0x3FB1] =	sst s10  }
0x38: {  	s10 =	sld [smem:$0x3FB2]  }
0x39: {  	_ = 	snop;
	(pc) =	sbr.ind lr, $3  }
0x3a: {  	_ = 	snop  }
0x3b: {  	_ = 	snop  }
0x3c: {  	p2 =	seq.s32 s10, $0x1;
	s10 =	sld [smem:$0x3FB1]  }
0x3d: {  	_ =	shalt  }
0x3e: {  	_ =	shalt  }
0x3f: {  	_ =	shalt  }
0x40: {  	_ =	shalt  }
0x41: {  	_ =	shalt  }
0x42: {  	_ =	shalt  }
0x43: {  	_ =	shalt  }
0x44: {  	_ =	shalt  }
0x45: {  	_ =	shalt  }
0x46: {  	_ =	shalt  }
0x47: {  	_ =	shalt  }
0x48: {  	_ =	shalt  }
0x49: {  	_ =	shalt  }
0x4a: {  	_ =	shalt  }
0x4b: {  	_ =	shalt  }
0x4c: {  	_ =	shalt  }
0x4d: {  	_ =	shalt  }
0x4e: {  	_ =	shalt  }
0x4f: {  	_ =	shalt  }
0x50: {  	_ =	shalt  }
0x51: {  	_ =	shalt  }
0x52: {  	_ =	shalt  }
0x53: {  	_ =	shalt  }
0x54: {  	_ =	shalt  }
0x55: {  	_ =	shalt  }
0x56: {  	_ =	shalt  }
0x57: {  	_ =	shalt  }
0x58: {  	_ =	shalt  }
0x59: {  	_ =	shalt  }
0x5a: {  	_ =	shalt  }
0x5b: {  	_ =	shalt  }
0x5c: {  	_ =	shalt  }
0x5d: {  	_ =	shalt  }
0x5e: {  	_ =	shalt  }
0x5f: {  	_ =	shalt  }
0x60: {  	_ =	shalt  }
0x61: {  	_ =	shalt  }
0x62: {  	_ =	shalt  }
0x63: {  	_ =	shalt  }
0x64: {  	_ =	shalt  }
0x65: {  	_ =	shalt  }
0x66: {  	_ =	shalt  }
0x67: {  	_ =	shalt  }
0x68: {  	_ =	shalt  }
0x69: {  	_ =	shalt  }
0x6a: {  	_ =	shalt  }
0x6b: {  	_ =	shalt  }
0x6c: {  	_ =	shalt  }
0x6d: {  	_ =	shalt  }
0x6e: {  	_ =	shalt  }
0x6f: {  	_ =	shalt  }
0x70: {  	_ =	shalt  }
0x71: {  	_ =	shalt  }
0x72: {  	_ =	shalt  }
0x73: {  	_ =	shalt  }
0x74: {  	_ =	shalt  }
0x75: {  	_ =	shalt  }
0x76: {  	_ =	shalt  }
0x77: {  	_ =	shalt  }
0x78: {  	_ =	shalt  }
0x79: {  	_ =	shalt  }
0x7a: {  	_ =	shalt  }
0x7b: {  	_ =	shalt  }
0x7c: {  	_ =	shalt  }
0x7d: {  	_ =	shalt  }
0x7e: {  	_ =	shalt  }
0x7f: {  	_ =	shalt  }
0x80: {  	_ =	shalt  }
0x81: {  	_ =	shalt  }
0x82: {  	_ =	shalt  }
0x83: {  	_ =	shalt  }
0x84: {  	_ =	shalt  }
0x85: {  	_ =	shalt  }
0x86: {  	_ =	shalt  }
0x87: {  	_ =	shalt  }
.Lfunc_end0:
.L_simem_size_0:
called_computation.3_lowered:
.L_overlay_start_0:
0x88: {  	s2 =	sld [smem:$0x3FD9]  }
0x89: {  	s3 =	sld [smem:$0x3FFE];
	_ =	sdelay $0x1  }
0x8a: {  	s1 =	srdreg.scid  }
0x8b: {  	s0 =	sand.u32 $0x1, s1  }
0x8c: {  	s16 =	sshll.u32 s0, $0xA;
	s2 =	sadd.s32 s3, s2  }
0x8d: {  	s2 =	sadd.s32 s2, s16  }
0x8e: {  	[smem:$0x3FBD] =	sst s2  }
0x8f: {  	_ = 	snop  }
0x90: {  	(tm) =	ssettm $0x1  }
0x91: {  	s17 =	sld [smem:$0x3FFB];
	_ =	sdelay $0x3  }
0x92: {  	_ =	strace s17  }
0x93: {  	s2 =	sld [smem:$0x3FFC];
	_ =	sdelay $0x3  }
0x94: {  	_ =	strace s2  }
0x95: {  	s2 =	sld [smem:$0x3FFD];
	_ =	sdelay $0x3  }
0x96: {  	_ =	strace s2  }
0x97: {  	_ =	strace $0x8FFFFFFF  }
0x98: {  	s18 =	sld [smem:$0x3FDB];
	_ =	sdelay $0x1  }
0x99: {  	s19 =	simm.s32 $_scs_section_size  }
0x9a: {  	s4 =	simm.s32 $_size__tile_overlayer_lowered;
	s5 =	simm.s32 $_tile_overlayer_lowered  }
0x9b: {  	s22 =	simm.s32 $0x1BFF;
	s21 =	sshll.u32 s5, $0x1;
	s2 =	sadd.s32 s19, s18  }
0x9c: {  	s6 =	simm.s32 $0x0;
	s20 =	sshll.u32 s4, $0x1;
	s4 =	sadd.s32 s21, s2  }
0x9d: {  	[timem:s6], [sflag:s22] =	dma.local [hbm:s4], s20  }
0x9e: {  	_ =	swait.ge [sflag:s22], s20  }
0x9f: {  	s3 =	ssub.s32 $0x0, s20;
	[sflag:s22] =	ssyncset.done $0x0  }
0xa0: {  	[sflag:s22] =	ssyncadd.s32 s3;
	_ =	sdelay $0x1  }
0xa1: {  	s23 =	simm.s32 $0x1B8B  }
0xa2: {  	_ =	swait.ge [sflag:s23], $0x1  }
0xa3: {  	[sflag:s23] =	ssyncset.done $0x0  }
0xa4: {  	s25 =	simm.s32 $0x1B8E;
	s24 =	sld [smem:$0x3FFE];
	[sflag:s23] =	ssyncadd.s32 $0xFFFFFFFF  }
0xa5: {  	s26 =	simm.s32 $execute0_lowered;
	[smem:$0x3FD2] =	sst s25  }
0xa6: {  	s4 =	sshll.u32 s26, $0x1;
	_ =	strace $0x8000004F;
	[dreg:$0x1] =	wrdreg $0xFFFFFFFF  }
0xa7: {  	s28 =	simm.s32 $_size_execute0_lowered;
	s2 =	sadd.s32 s2, s4;
	[dreg:$0x0] =	wrdreg $0x0  }
0xa8: {  	s4 =	sshll.u32 s28, $0x1;
	[dreg:$0x2] =	wrdreg s2  }
0xa9: {  	[dreg:$0x3] =	wrdreg s4  }
0xaa: {  	[dreg:$0x4] =	wrdreg $0xC0  }
0xab: {  	_ =	task [dreg:s6], $0x5FFFF  }
0xac: {  	[dreg:$0x1] =	wrdreg $0xFFFFFFFF  }
0xad: {  	[dreg:$0x0] =	wrdreg $0x60  }
0xae: {  	[dreg:$0x2] =	wrdreg s24  }
0xaf: {  	[dreg:$0x3] =	wrdreg $0xA0000  }
0xb0: {  	[dreg:$0x4] =	wrdreg $0x9  }
0xb1: {  	_ =	task.clear_ibuf [dreg:s6], $0x5FFFF;
	_ =	strace $0x9000004F  }
0xb2: {  	s29 =	simm.s32 $0x9;
	_ =	strace $0x80000051  }
0xb3: {  	_ =	swait.ge [sflag:s29], $0x1  }
0xb4: {  	[sflag:s29] =	ssyncadd.s32 $0xFFFFFFFF  }
0xb5: {  	_ =	strace $0x90000051  }
0xb6: {  	_ =	sfence  }
0xb7: {  	s30 =	sld [smem:$0x0];
	_ =	sdelay $0x2  }
0xb8: {  	s31 =	sshll.u32 s1, $0xD;
	s1 =	sshrl.u32 s1, $0x2  }
0xb9: {  	s3 =	sand.u32 $0x4000, s31;
	s1 =	sadd.s32 s1, s30  }
0xba: {  	s0 =	sor.u32 s3, s0;
	s1 =	sshll.u32 s1, $0x11  }
0xbb: {  	s0 =	sor.u32 s1, s0  }
0xbc: {  	s0 =	sadd.s32 $0x8F2B, s0  }
0xbd: {  	[sflag:s0] =	ssyncadd.remote.s32 $0x1  }
0xbe: {  	_ =	sfence.sel $0xFFFF  }
0xbf: {  	[dreg:$0x0] =	wrdreg $0xFFFFFFFF;
	(pc) =	sbr.abs _section_cstart, $3  }
0xc0: {  	[dreg:$0x1] =	wrdreg $0xFFFFFFFF  }
0xc1: {  	_ =	task.clear_ibuf [dreg:s6], $0x2FFFF;
	_ =	strace $0x9FFFFFFF  }
0xc2: {  	(tm) =	ssettm $0x7FFFFFFF  }
0xc3: {  	_ =	shalt  }
tec
execute0_lowered:
.L_overlay_start_1:
0x0: {  	(tag) =	ssettag $0x1  }
0x1: {  	s7 =	rddreg [dreg:$0x0]  }
0x2: {  	s1 =	rddreg [dreg:$0x1]  }
0x3: {  	s0 =	rddreg [dreg:$0x2];
	s3 =	simm.s32 $0x0  }
0x4: {  	s2 =	srdreg.scid;
	s15 =	simm.s32 $0x1000;
	s16 =	simm.s32 $0x80  }
0x5: {  	s17 =	simm.s32 $0x2000;
	s18 =	simm.s32 $0x6000;
	s19 =	simm.s32 $0x1  }
0x6: {  	s20 =	simm.s32 $0x2;
	s21 =	simm.s32 $0x1F00;
	s10 =	sand.u32 $0x1, s2  }
0x7: {  	s22 =	simm.s32 $0x1F80;
	s2 =	stileid.u32;
	s6 =	smul.u32 $0x140000, s10  }
0x8: {  	[smem:$0x7FF] =	sst s3;
	s5 =	sadd.s32 $0x118E00, s7;
	s8 =	smul.u32 $0x14000, s2  }
0x9: {  	s4 =	sadd.s32 $0xC0C00, s7;
	_ =	strace $0x80000050;
	s11 =	smul.u32 $0x50000, s2  }
0xa: {  	s9 =	ssub.s32 $0x2, s10;
	s31 =	sshll.u32 s2, $0x6;
	s10 =	smul.u32 $0x50000, s10  }
0xb: {  	s12 =	sshrl.u32 s9, $0x1;
	s8 =	sadd.s32 s8, s6;
	s6 =	sadd.s32 $0x10EE00, s7  }
0xc: {  	s12 =	ssub.s32 s9, s12;
	s30 =	sshrl.u32 s11, $0x2;
	s8 =	sshrl.u32 s8, $0x3  }
0xd: {  	s9 =	sor.u32 $0x1C03, s31;
	s14 =	sadd.s32 s30, s1;
	s13 =	sadd.s32 s8, s7  }
0xe: {  	s12 =	smax.u32 s12, $0x1;
	s7 =	smul.u32 $0x5000, s2;
	s8 =	sadd.s32 $0x70C00, s13  }
0xf: {  	s11 =	sadd.s32 $0x3000, s13;
	s13 =	sshrl.u32 s14, $0x3;
	s14 =	simm.s32 $0x3  }
.LBB2_1:
0x10: {  	[spmem:s13], [sflag:s9] =	dma.local [hbm:s8], $0x2800  }
0x11: {  	_ =	swait.ge [sflag:s14], $0x2800  }
0x12: {  	[sflag:s14] =	ssyncset.done $0x0  }
0x13: {  	[sflag:s14] =	ssyncadd.s32 $0xFFFFD800  }
0x14: {  	s23 =	simm.s32 $0x0;
	[bflag:$0x0] =	sbarrier.arrive $0xFFFF  }
.LBB2_2:
0x15: {  	s24 =	sshll.u32 s23, $0xC  }
0x16: {  	s24 =	sadd.s32 s7, s24  }
0x17: {  	s25 =	sadd.s32 s10, s24  }
0x18: {  	s25 =	sshrl.u32 s25, $0x3  }
0x19: {  	s26 =	simm.s32 $0x0;
	s25 =	sadd.s32 s5, s25  }
0x1a: {  	[tilespmem:s26], [sflag:$0x3] =	stream.linear.gather [hbm4b:s25+s26], $0x1000, $0x38;
	[tilespmem:$0x1E000] =	vst v63  }
0x1b: {  	_ =	swait.ge [sflag:s14], $0x1000  }
0x1c: {  	s24 =	sshrl.u32 s24, $0x3;
	[sflag:s14] =	ssyncset.done $0x0  }
0x1d: {  	s24 =	sadd.s32 s6, s24;
	[sflag:s14] =	ssyncadd.s32 $0xFFFFF000  }
0x1e: {  	[tilespmem:s15], [sflag:$0x3] =	stream.linear.gather [hbm4b:s24+s26], $0x1000, $0x38;
	[tilespmem:$0x1E000] =	vst v63  }
0x1f: {  	_ =	swait.ge [sflag:s14], $0x1000  }
0x20: {  	[sflag:s14] =	ssyncset.done $0x0  }
0x21: {  	[sflag:s14] =	ssyncadd.s32 $0xFFFFF000  }
0x22: {  	[tilespmem:s17], [sflag:$0x1] =	stream.indirect.gather [hbm4b:s4+s16], $0x80, s26, s16, $0xb8;
	[tilespmem:$0x1E000] =	vst v63  }
0x23: {  	_ = 	snop  }
0x24: {  	[tilespmem:s18], [sflag:$0x2] =	stream.indirect.gather [hbm4b:s4+s16], $0x80, s16, s16, $0xb8;
	[tilespmem:$0x1E000] =	vst v63  }
0x25: {  	_ =	swait.ge [sflag:s19], $0x4000  }
0x26: {  	[sflag:s19] =	ssyncset.done $0x0  }
0x27: {  	s29 =	simm.s32 $0x1000;
	[sflag:s19] =	ssyncadd.s32 $0xFFFFC000  }
0x28: {  	[spmem:s1] =	stream.indirect.scatter.add.f32 [tilespmem:s17], [sflag:$0x3], $0x80, s29, s16, $0xb8;
	[tilespmem:$0x1E000] =	vst v63  }
0x29: {  	_ =	swait.ge [sflag:s14], $0x4000  }
0x2a: {  	[sflag:s14] =	ssyncset.done $0x0  }
0x2b: {  	s30 =	simm.s32 $0x100;
	[sflag:s14] =	ssyncadd.s32 $0xFFFFC000  }
0x2c: {  	[tilespmem:s17], [sflag:$0x1] =	stream.indirect.gather [hbm4b:s4+s16], $0x80, s30, s16, $0xb8;
	[tilespmem:$0x1E000] =	vst v63  }
0x2d: {  	_ =	swait.ge [sflag:s20], $0x4000  }
0x2e: {  	[sflag:s20] =	ssyncset.done $0x0  }
0x2f: {  	s31 =	simm.s32 $0x1080;
	[sflag:s20] =	ssyncadd.s32 $0xFFFFC000  }
0x30: {  	[spmem:s1] =	stream.indirect.scatter.add.f32 [tilespmem:s18], [sflag:$0x3], $0x80, s31, s16, $0xb8;
	[tilespmem:$0x1E000] =	vst v63  }
0x31: {  	_ =	swait.ge [sflag:s14], $0x4000  }
0x32: {  	[sflag:s14] =	ssyncset.done $0x0  }
0x33: {  	s25 =	simm.s32 $0x180;
	s24 =	simm.s32 $0x400;
	[sflag:s14] =	ssyncadd.s32 $0xFFFFC000  }
.LBB2_3:
0x34: {  	[tilespmem:s18], [sflag:$0x2] =	stream.indirect.gather [hbm4b:s4+s16], $0x80, s25, s16, $0xb8;
	[tilespmem:$0x1E000] =	vst v63  }
0x35: {  	s25 =	smov.u32 s24  }
0x36: {  	p0 =	sne.s32 s24, $0x3800;
	s24 =	sadd.s32 $0x400, s24;
	_ =	swait.ge [sflag:s19], $0x4000  }
0x37: {  	s25 =	sshra.s32 s25, $0x2;
	[sflag:s19] =	ssyncset.done $0x0  }
0x38: {  	s26 =	sadd.s32 $0x1000, s25;
	[sflag:s19] =	ssyncadd.s32 $0xFFFFC000  }
0x39: {  	[spmem:s1] =	stream.indirect.scatter.add.f32 [tilespmem:s17], [sflag:$0x3], $0x80, s26, s16, $0xb8;
	[tilespmem:$0x1E000] =	vst v63  }
0x3a: {  	_ =	swait.ge [sflag:s14], $0x4000  }
0x3b: {  	[sflag:s14] =	ssyncset.done $0x0  }
0x3c: {  	s26 =	sadd.s32 $0x100, s25;
	[sflag:s14] =	ssyncadd.s32 $0xFFFFC000  }
0x3d: {  	[tilespmem:s17], [sflag:$0x1] =	stream.indirect.gather [hbm4b:s4+s16], $0x80, s26, s16, $0xb8;
	[tilespmem:$0x1E000] =	vst v63  }
0x3e: {  	_ =	swait.ge [sflag:s20], $0x4000  }
0x3f: {  	[sflag:s20] =	ssyncset.done $0x0  }
.Ltmp0:
0x40: {  	s26 =	sadd.s32 $0x1080, s25;
	[sflag:s20] =	ssyncadd.s32 $0xFFFFC000;
	(pc) =	sbr.rel @p0 .LBB2_3-.Ltmp0, $4  }
0x41: {  	[spmem:s1] =	stream.indirect.scatter.add.f32 [tilespmem:s18], [sflag:$0x3], $0x80, s26, s16, $0xb8;
	[tilespmem:$0x1E000] =	vst v63  }
0x42: {  	_ =	swait.ge [sflag:s14], $0x4000  }
0x43: {  	[sflag:s14] =	ssyncset.done $0x0  }
0x44: {  	s25 =	sadd.s32 $0x180, s25;
	[sflag:s14] =	ssyncadd.s32 $0xFFFFC000  }
0x45: {  	[tilespmem:s18], [sflag:$0x2] =	stream.indirect.gather [hbm4b:s4+s16], $0x80, s25, s16, $0xb8;
	[tilespmem:$0x1E000] =	vst v63  }
0x46: {  	_ =	swait.ge [sflag:s19], $0x4000  }
0x47: {  	[sflag:s19] =	ssyncset.done $0x0  }
0x48: {  	[sflag:s19] =	ssyncadd.s32 $0xFFFFC000  }
0x49: {  	[spmem:s1] =	stream.indirect.scatter.add.f32 [tilespmem:s17], [sflag:$0x3], $0x80, s21, s16, $0xb8;
	[tilespmem:$0x1E000] =	vst v63  }
0x4a: {  	_ =	swait.ge [sflag:s14], $0x4000  }
0x4b: {  	[sflag:s14] =	ssyncset.done $0x0  }
0x4c: {  	[sflag:s14] =	ssyncadd.s32 $0xFFFFC000  }
0x4d: {  	s23 =	sadd.s32 $0x1, s23;
	_ =	swait.ge [sflag:s20], $0x4000  }
0x4e: {  	p0 =	sne.s32 s23, $0x5;
	[sflag:s20] =	ssyncset.done $0x0  }
.Ltmp1:
0x4f: {  	[sflag:s20] =	ssyncadd.s32 $0xFFFFC000;
	(pc) =	sbr.rel @p0 .LBB2_2-.Ltmp1, $4  }
0x50: {  	[spmem:s1] =	stream.indirect.scatter.add.f32 [tilespmem:s18], [sflag:$0x3], $0x80, s22, s16, $0xb8;
	[tilespmem:$0x1E000] =	vst v63  }
0x51: {  	_ =	swait.ge [sflag:s14], $0x4000  }
0x52: {  	[sflag:s14] =	ssyncset.done $0x0  }
0x53: {  	[sflag:s14] =	ssyncadd.s32 $0xFFFFC000  }
0x54: {  	s3 =	sadd.s32 $0x1, s3  }
0x55: {  	p0 =	sne.s32 s3, s12  }
.Ltmp2:
0x56: {  	[bflag:$0x0] =	sbarrier.arrive $0xFFFF;
	(pc) =	sbr.rel @p0 .LBB2_1-.Ltmp2, $4  }
0x57: {  	[hbm:s11], [sflag:s9] =	dma.local [spmem:s13], $0x2800  }
0x58: {  	_ =	swait.ge [sflag:s14], $0x2800  }
0x59: {  	[sflag:s14] =	ssyncset.done $0x0  }
0x5a: {  	[sflag:s14] =	ssyncadd.s32 $0xFFFFD800  }
0x5b: {  	_ =	sfence.sel $0x180000  }
0x5c: {  	[bflag:$0x0] =	sbarrier.arrive $0xFFFF  }
0x5d: {  	p0 =	sne.s32 s2, $0x0;
	_ =	strace $0x90000050  }
0x5e: {  	s0 =	sadd.s32 @!p0 $0x100000, s0;
	[bflag:$0x2] =	sbarrier.arrive $0xFFFF  }
0x5f: {  	[sflag:s0] =	ssyncadd.tile.s32 @!p0 $0x1;
	_ =	shalt  }
.Lfunc_end2:
_tile_overlayer_lowered:
.L_overlay_start_2:
0x60: {  	(tag) =	ssettag $0x2  }
0x61: {  	s0 =	rddreg [dreg:$0x0];
	s2 =	stileid.u32  }
0x62: {  	s1 =	rddreg [dreg:$0x1];
	p0 =	sne.s32 s2, $0x0  }
0x63: {  	s3 =	rddreg [dreg:$0x2];
	[bflag:$0x3] =	sbarrier.arrive $0xFFFF;
	s2 =	simm.s32 @!p0 $0x1C03  }
0x64: {  	[timem:s3], [sflag:s2] =	dma.local @!p0 [hbm:s0], s1  }
0x65: {  	s0 =	simm.s32 @!p0 $0x3  }
0x66: {  	_ =	swait.ge @!p0 [sflag:s0], s1  }
0x67: {  	s1 =	ssub.s32 @!p0 $0x0, s1;
	[sflag:s0] =	ssyncset.done @!p0 $0x0  }
0x68: {  	[sflag:s0] =	ssyncadd.s32 @!p0 s1  }
0x69: {  	[bflag:$0x3] =	sbarrier.arrive $0xFFFF  }
0x6a: {  	_ =	shalt  }

</sc_bundles>
